<compile_context>
chip_gen: v7x
topology: tpu7x:2x2x1
jax: 0.10.2.dev20260603
libtpu: 0.0.44.dev20260713+nightly
codegen_flags: <defaults>
</compile_context>

<pallas_src>
import functools

import jax
import jax.numpy as jnp
from jax import lax
from jax.experimental import pallas as pl
from jax.experimental.pallas import tpu as pltpu
from jax.experimental.pallas import tpu_sc as plsc

_F = 26
_V = 100000
_D = 32
_B = 4096
_NC = 2
_NS = 16
_NW = _NC * _NS
_L = 16
_CHUNK = 128
_NSPLIT = 2
_FS = _F // _NSPLIT
_POS_W = _B * _FS // _NW
_NCHUNK = _POS_W // _CHUNK

_mesh = plsc.VectorSubcoreMesh(core_axis_name="c", subcore_axis_name="s")


def _make_split(s):
    @functools.partial(
        pl.kernel,
        mesh=_mesh,
        out_type=jax.ShapeDtypeStruct((_FS, _D, _B), jnp.float32),
        scratch_types=[
            pltpu.VMEM((_NCHUNK, _CHUNK), jnp.int32),
            pltpu.VMEM((_D, _POS_W), jnp.float32),
            pltpu.SemaphoreType.DMA,
        ],
        compiler_params=pltpu.CompilerParams(use_tc_tiling_on_sc=False),
        name=f"emb_gather_s{s}",
    )
    def _emb(tableS, idxT3, out, idx_v, val_v, sem):
        wid = lax.axis_index("s") * _NC + lax.axis_index("c")
        base = wid * _POS_W
        pltpu.sync_copy(idxT3.at[wid], idx_v)

        def _fire(j, _):
            fl = (base + j * _CHUNK) // _B
            for d in range(_D):
                pltpu.async_copy(
                    tableS.at[fl, d].at[idx_v.at[j]],
                    val_v.at[d, pl.ds(j * _CHUNK, _CHUNK)],
                    sem,
                )
            return _

        lax.fori_loop(0, _NCHUNK, _fire, None)
        pltpu.make_async_copy(
            out.at[0, pl.ds(0, _D), pl.ds(0, _POS_W)], val_v, sem).wait()

        def _wb(j, _):
            p = base + j * _CHUNK
            fl = p // _B
            b = p - fl * _B
            pltpu.sync_copy(
                val_v.at[:, pl.ds(j * _CHUNK, _CHUNK)],
                out.at[fl, :, pl.ds(b, _CHUNK)],
            )
            return _

        lax.fori_loop(0, _NCHUNK, _wb, None)

    return _emb


_kernels = [_make_split(s) for s in range(_NSPLIT)]


def kernel(x, W):
    idxT = x.astype(jnp.int32).T
    outs = []
    for s in range(_NSPLIT):
        tableS = W[s * _FS:(s + 1) * _FS].transpose(0, 2, 1)
        idxS = idxT[s * _FS:(s + 1) * _FS].reshape(_NW, _NCHUNK, _CHUNK)
        outs.append(_kernels[s](tableS, idxS))
    outT = jnp.concatenate(outs, axis=0)
    return outT.transpose(2, 0, 1)

# --- scband reference (transcript-rebuilt; emitter-appended) ---
"""Pipeline reference for scband-features-embedding-79182017069676 (READ-ONLY COPY).

The authoritative reference and input builder live on the scoring server;
editing this copy changes nothing except your own understanding.
"""

import jax, jax.numpy as jnp
import numpy as np

NUM_FIELDS = 26
VOCAB = 100000
EMBED_DIM = 32
BATCH = 4096

def setup_inputs(seed: int = 0) -> dict:
    key = jax.random.key(seed)
    k_idx, k_w = jax.random.split(key)
    x = jax.random.randint(k_idx, (BATCH, NUM_FIELDS), 0, VOCAB, dtype=jnp.int64)
    # 26 separate embedding tables, xavier_uniform init; stack into one tensor [F, V, D]
    limit = np.sqrt(6.0 / (VOCAB + EMBED_DIM))
    W = jax.random.uniform(k_w, (NUM_FIELDS, VOCAB, EMBED_DIM), minval=-limit, maxval=limit, dtype=jnp.float32)
    return {"x": x, "W": W}

def reference(x, W):
    # For each field i: emb_i(x[:, i].unsqueeze(1)) -> (B, 1, D); concat along dim 1 -> (B, F, D)
    sparse_emb = [jnp.take(W[i], x[:, i], axis=0)[:, None, :] for i in range(NUM_FIELDS)]
    return jnp.concatenate(sparse_emb, axis=1)

if __name__ == "__main__":
    import jax
    _d = setup_inputs()
    print(jax.jit(kernel)(*tuple(_d.values())))

</pallas_src>

<mosaic_0001>
#map = affine_map<(d0, d1) -> (0, 0, 0)>
module attributes {stable_mosaic.version = 14 : i64} {
  func.func @emb_gather_s1(%arg0: i32, %arg1: i32, %arg2: memref<13x32x100000xf32, #tpu.memory_space<hbm>>, %arg3: memref<32x13x128xi32, #tpu.memory_space<hbm>>, %arg4: memref<13x32x4096xf32, #tpu.memory_space<hbm>>, %arg5: memref<13x128xi32, #tpu.memory_space<vmem>>, %arg6: memref<32x1664xf32, #tpu.memory_space<vmem>>, %arg7: memref<!tpu.dma_semaphore, #tpu.memory_space<semaphore_mem>>) attributes {dimension_semantics = [#tpu.dimension_semantics<core_parallel>, #tpu.dimension_semantics<subcore_parallel>], iteration_bounds = array<i64: 2, 16>, scalar_prefetch = 0 : i64, scratch_operands = 3 : i64, tpu.core_type = #tpu.core_type<sc_vector_subcore>, window_params = [{transform_indices = #map}, {transform_indices = #map}, {transform_indices = #map}]} {
    %mul3A = arith.constant 2 : i32
    %mul3A_0 = arith.muli %arg1, %mul3A : i32
    %add3A = arith.addi %mul3A_0, %arg0 : i32
    %mul3A_1 = arith.constant 1664 : i32
    %mul3A_2 = arith.muli %add3A, %mul3A_1 : i32
    "tpu.region"() ({
      %run_scoped3A = tpu.sem_alloc : memref<!tpu.dma_semaphore, #tpu.memory_space<semaphore_mem>>
      %dma_start3A = arith.constant 0 : i32
      %dma_start3A_20 = arith.constant 0 : i32
      %dma_start3A_21 = tpu.memref_slice %arg3[%add3A, %dma_start3A, %dma_start3A_20] : memref<32x13x128xi32, #tpu.memory_space<hbm>> -> memref<1x13x128xi32, #tpu.memory_space<hbm>>
      %dma_start3A_22 = tpu.memref_squeeze %dma_start3A_21 : memref<1x13x128xi32, #tpu.memory_space<hbm>> -> memref<13x128xi32, #tpu.memory_space<hbm>>
      %dma_start3A_23 = arith.constant 0 : i32
      %dma_start3A_24 = arith.constant 0 : i32
      %dma_start3A_25 = tpu.memref_slice %arg3[%add3A, %dma_start3A_23, %dma_start3A_24] : memref<32x13x128xi32, #tpu.memory_space<hbm>> -> memref<1x13x128xi32, #tpu.memory_space<hbm>>
      %dma_start3A_26 = tpu.memref_squeeze %dma_start3A_25 : memref<1x13x128xi32, #tpu.memory_space<hbm>> -> memref<13x128xi32, #tpu.memory_space<hbm>>
      tpu.enqueue_dma source(%dma_start3A_26 : memref<13x128xi32, #tpu.memory_space<hbm>>) target(%arg5 : memref<13x128xi32, #tpu.memory_space<vmem>>) target_semaphore(%run_scoped3A : memref<!tpu.dma_semaphore, #tpu.memory_space<semaphore_mem>>)
      %dma_wait3A_27 = arith.constant 0 : i32
      %dma_wait3A_28 = arith.constant 0 : i32
      %dma_wait3A_29 = tpu.memref_slice %arg3[%add3A, %dma_wait3A_27, %dma_wait3A_28] : memref<32x13x128xi32, #tpu.memory_space<hbm>> -> memref<1x13x128xi32, #tpu.memory_space<hbm>>
      %dma_wait3A_30 = tpu.memref_squeeze %dma_wait3A_29 : memref<1x13x128xi32, #tpu.memory_space<hbm>> -> memref<13x128xi32, #tpu.memory_space<hbm>>
      %dma_wait3A_31 = arith.constant 0 : i32
      %dma_wait3A_32 = arith.constant 0 : i32
      %dma_wait3A_33 = tpu.memref_slice %arg3[%add3A, %dma_wait3A_31, %dma_wait3A_32] : memref<32x13x128xi32, #tpu.memory_space<hbm>> -> memref<1x13x128xi32, #tpu.memory_space<hbm>>
      %dma_wait3A_34 = tpu.memref_squeeze %dma_wait3A_33 : memref<1x13x128xi32, #tpu.memory_space<hbm>> -> memref<13x128xi32, #tpu.memory_space<hbm>>
      tpu.wait_dma2 semaphore(%run_scoped3A : memref<!tpu.dma_semaphore, #tpu.memory_space<semaphore_mem>>) src(%dma_wait3A_34 : memref<13x128xi32, #tpu.memory_space<hbm>>) dst(%arg5 : memref<13x128xi32, #tpu.memory_space<vmem>>)
      tpu.yield
    }) : () -> ()
    %scan3A = arith.constant 0 : i32
    %scan3A_3 = arith.constant 13 : i32
    %scan3A_4 = arith.addi %scan3A, %scan3A_3 : i32
    %scan3A_5 = arith.constant 1 : i32
    scf.for %scan3A_20 = %scan3A to %scan3A_4 step %scan3A_5  : i32 {
      %mul3A_21 = arith.constant 128 : i32
      %mul3A_22 = arith.muli %scan3A_20, %mul3A_21 : i32
      %add3A_23 = arith.addi %mul3A_2, %mul3A_22 : i32
      %jit3A = arith.constant 4096 : i32
      %div3A = arith.divsi %add3A_23, %jit3A : i32
      %sign3A = arith.constant 0 : i32
      %sign3A_24 = arith.cmpi sgt, %add3A_23, %sign3A : i32
      %sign3A_25 = arith.extui %sign3A_24 : i1 to i32
      %sign3A_26 = arith.constant 0 : i32
      %sign3A_27 = arith.cmpi slt, %add3A_23, %sign3A_26 : i32
      %sign3A_28 = arith.extui %sign3A_27 : i1 to i32
      %sign3A_29 = arith.subi %sign3A_25, %sign3A_28 : i32
      %sign3A_30 = arith.constant 0 : i32
      %sign3A_31 = arith.cmpi sgt, %jit3A, %sign3A_30 : i32
      %sign3A_32 = arith.extui %sign3A_31 : i1 to i32
      %sign3A_33 = arith.constant 0 : i32
      %sign3A_34 = arith.cmpi slt, %jit3A, %sign3A_33 : i32
      %sign3A_35 = arith.extui %sign3A_34 : i1 to i32
      %sign3A_36 = arith.subi %sign3A_32, %sign3A_35 : i32
      %ne3A = arith.cmpi ne, %sign3A_29, %sign3A_36 : i32
      %rem3A = arith.remsi %add3A_23, %jit3A : i32
      %ne3A_37 = arith.constant 0 : i32
      %ne3A_38 = arith.cmpi ne, %rem3A, %ne3A_37 : i32
      %and3A = arith.andi %ne3A, %ne3A_38 : i1
      %sub3A = arith.constant 1 : i32
      %sub3A_39 = arith.subi %div3A, %sub3A : i32
      %select_n3A = arith.select %and3A, %sub3A_39, %div3A : i32
      %mul3A_40 = arith.constant 128 : i32
      %mul3A_41 = arith.muli %scan3A_20, %mul3A_40 : i32
      %dma_start3A = arith.constant 0 : i32
      %dma_start3A_42 = arith.constant 0 : i32
      %dma_start3A_43 = tpu.memref_slice %arg6[%dma_start3A_42, %mul3A_41] : memref<32x1664xf32, #tpu.memory_space<vmem>> -> memref<1x128xf32, #tpu.memory_space<vmem>>
      %dma_start3A_44 = tpu.memref_squeeze %dma_start3A_43 : memref<1x128xf32, #tpu.memory_space<vmem>> -> memref<128xf32, #tpu.memory_space<vmem>>
      %dma_start3A_45 = arith.constant 0 : i32
      %dma_start3A_46 = tpu.memref_slice %arg5[%scan3A_20, %dma_start3A_45] : memref<13x128xi32, #tpu.memory_space<vmem>> -> memref<1x128xi32, #tpu.memory_space<vmem>>
      %dma_start3A_47 = tpu.memref_squeeze %dma_start3A_46 : memref<1x128xi32, #tpu.memory_space<vmem>> -> memref<128xi32, #tpu.memory_space<vmem>>
      %dma_start3A_48 = arith.constant 0 : i32
      %dma_start3A_49 = tpu.memref_slice %arg2[%select_n3A, %dma_start3A, %dma_start3A_48] : memref<13x32x100000xf32, #tpu.memory_space<hbm>> -> memref<1x1x100000xf32, #tpu.memory_space<hbm>>
      %dma_start3A_50 = tpu.memref_squeeze %dma_start3A_49 : memref<1x1x100000xf32, #tpu.memory_space<hbm>> -> memref<100000xf32, #tpu.memory_space<hbm>>
      %dma_start3A_51 = arith.constant 0 : i32
      %dma_start3A_52 = tpu.memref_slice %dma_start3A_50[%dma_start3A_51] : memref<100000xf32, #tpu.memory_space<hbm>> -> memref<100000xf32, #tpu.memory_space<hbm>>
      tpu.enqueue_indirect_dma source(%dma_start3A_52 : memref<100000xf32, #tpu.memory_space<hbm>>) target(%dma_start3A_44 : memref<128xf32, #tpu.memory_space<vmem>>) offsets(%dma_start3A_47 : memref<128xi32, #tpu.memory_space<vmem>>) semaphore(%arg7 : memref<!tpu.dma_semaphore, #tpu.memory_space<semaphore_mem>>)
      %mul3A_53 = arith.constant 128 : i32
      %mul3A_54 = arith.muli %scan3A_20, %mul3A_53 : i32
      %dma_start3A_55 = arith.constant 1 : i32
      %dma_start3A_56 = arith.constant 1 : i32
      %dma_start3A_57 = tpu.memref_slice %arg6[%dma_start3A_56, %mul3A_54] : memref<32x1664xf32, #tpu.memory_space<vmem>> -> memref<1x128xf32, #tpu.memory_space<vmem>>
      %dma_start3A_58 = tpu.memref_squeeze %dma_start3A_57 : memref<1x128xf32, #tpu.memory_space<vmem>> -> memref<128xf32, #tpu.memory_space<vmem>>
      %dma_start3A_59 = arith.constant 0 : i32
      %dma_start3A_60 = tpu.memref_slice %arg5[%scan3A_20, %dma_start3A_59] : memref<13x128xi32, #tpu.memory_space<vmem>> -> memref<1x128xi32, #tpu.memory_space<vmem>>
      %dma_start3A_61 = tpu.memref_squeeze %dma_start3A_60 : memref<1x128xi32, #tpu.memory_space<vmem>> -> memref<128xi32, #tpu.memory_space<vmem>>
      %dma_start3A_62 = arith.constant 0 : i32
      %dma_start3A_63 = tpu.memref_slice %arg2[%select_n3A, %dma_start3A_55, %dma_start3A_62] : memref<13x32x100000xf32, #tpu.memory_space<hbm>> -> memref<1x1x100000xf32, #tpu.memory_space<hbm>>
      %dma_start3A_64 = tpu.memref_squeeze %dma_start3A_63 : memref<1x1x100000xf32, #tpu.memory_space<hbm>> -> memref<100000xf32, #tpu.memory_space<hbm>>
      %dma_start3A_65 = arith.constant 0 : i32
      %dma_start3A_66 = tpu.memref_slice %dma_start3A_64[%dma_start3A_65] : memref<100000xf32, #tpu.memory_space<hbm>> -> memref<100000xf32, #tpu.memory_space<hbm>>
      tpu.enqueue_indirect_dma source(%dma_start3A_66 : memref<100000xf32, #tpu.memory_space<hbm>>) target(%dma_start3A_58 : memref<128xf32, #tpu.memory_space<vmem>>) offsets(%dma_start3A_61 : memref<128xi32, #tpu.memory_space<vmem>>) semaphore(%arg7 : memref<!tpu.dma_semaphore, #tpu.memory_space<semaphore_mem>>)
      %mul3A_67 = arith.constant 128 : i32
      %mul3A_68 = arith.muli %scan3A_20, %mul3A_67 : i32
      %dma_start3A_69 = arith.constant 2 : i32
      %dma_start3A_70 = arith.constant 2 : i32
      %dma_start3A_71 = tpu.memref_slice %arg6[%dma_start3A_70, %mul3A_68] : memref<32x1664xf32, #tpu.memory_space<vmem>> -> memref<1x128xf32, #tpu.memory_space<vmem>>
      %dma_start3A_72 = tpu.memref_squeeze %dma_start3A_71 : memref<1x128xf32, #tpu.memory_space<vmem>> -> memref<128xf32, #tpu.memory_space<vmem>>
      %dma_start3A_73 = arith.constant 0 : i32
      %dma_start3A_74 = tpu.memref_slice %arg5[%scan3A_20, %dma_start3A_73] : memref<13x128xi32, #tpu.memory_space<vmem>> -> memref<1x128xi32, #tpu.memory_space<vmem>>
      %dma_start3A_75 = tpu.memref_squeeze %dma_start3A_74 : memref<1x128xi32, #tpu.memory_space<vmem>> -> memref<128xi32, #tpu.memory_space<vmem>>
      %dma_start3A_76 = arith.constant 0 : i32
      %dma_start3A_77 = tpu.memref_slice %arg2[%select_n3A, %dma_start3A_69, %dma_start3A_76] : memref<13x32x100000xf32, #tpu.memory_space<hbm>> -> memref<1x1x100000xf32, #tpu.memory_space<hbm>>
      %dma_start3A_78 = tpu.memref_squeeze %dma_start3A_77 : memref<1x1x100000xf32, #tpu.memory_space<hbm>> -> memref<100000xf32, #tpu.memory_space<hbm>>
      %dma_start3A_79 = arith.constant 0 : i32
      %dma_start3A_80 = tpu.memref_slice %dma_start3A_78[%dma_start3A_79] : memref<100000xf32, #tpu.memory_space<hbm>> -> memref<100000xf32, #tpu.memory_space<hbm>>
      tpu.enqueue_indirect_dma source(%dma_start3A_80 : memref<100000xf32, #tpu.memory_space<hbm>>) target(%dma_start3A_72 : memref<128xf32, #tpu.memory_space<vmem>>) offsets(%dma_start3A_75 : memref<128xi32, #tpu.memory_space<vmem>>) semaphore(%arg7 : memref<!tpu.dma_semaphore, #tpu.memory_space<semaphore_mem>>)
      %mul3A_81 = arith.constant 128 : i32
      %mul3A_82 = arith.muli %scan3A_20, %mul3A_81 : i32
      %dma_start3A_83 = arith.constant 3 : i32
      %dma_start3A_84 = arith.constant 3 : i32
      %dma_start3A_85 = tpu.memref_slice %arg6[%dma_start3A_84, %mul3A_82] : memref<32x1664xf32, #tpu.memory_space<vmem>> -> memref<1x128xf32, #tpu.memory_space<vmem>>
      %dma_start3A_86 = tpu.memref_squeeze %dma_start3A_85 : memref<1x128xf32, #tpu.memory_space<vmem>> -> memref<128xf32, #tpu.memory_space<vmem>>
      %dma_start3A_87 = arith.constant 0 : i32
      %dma_start3A_88 = tpu.memref_slice %arg5[%scan3A_20, %dma_start3A_87] : memref<13x128xi32, #tpu.memory_space<vmem>> -> memref<1x128xi32, #tpu.memory_space<vmem>>
      %dma_start3A_89 = tpu.memref_squeeze %dma_start3A_88 : memref<1x128xi32, #tpu.memory_space<vmem>> -> memref<128xi32, #tpu.memory_space<vmem>>
      %dma_start3A_90 = arith.constant 0 : i32
      %dma_start3A_91 = tpu.memref_slice %arg2[%select_n3A, %dma_start3A_83, %dma_start3A_90] : memref<13x32x100000xf32, #tpu.memory_space<hbm>> -> memref<1x1x100000xf32, #tpu.memory_space<hbm>>
      %dma_start3A_92 = tpu.memref_squeeze %dma_start3A_91 : memref<1x1x100000xf32, #tpu.memory_space<hbm>> -> memref<100000xf32, #tpu.memory_space<hbm>>
      %dma_start3A_93 = arith.constant 0 : i32
      %dma_start3A_94 = tpu.memref_slice %dma_start3A_92[%dma_start3A_93] : memref<100000xf32, #tpu.memory_space<hbm>> -> memref<100000xf32, #tpu.memory_space<hbm>>
      tpu.enqueue_indirect_dma source(%dma_start3A_94 : memref<100000xf32, #tpu.memory_space<hbm>>) target(%dma_start3A_86 : memref<128xf32, #tpu.memory_space<vmem>>) offsets(%dma_start3A_89 : memref<128xi32, #tpu.memory_space<vmem>>) semaphore(%arg7 : memref<!tpu.dma_semaphore, #tpu.memory_space<semaphore_mem>>)
      %mul3A_95 = arith.constant 128 : i32
      %mul3A_96 = arith.muli %scan3A_20, %mul3A_95 : i32
      %dma_start3A_97 = arith.constant 4 : i32
      %dma_start3A_98 = arith.constant 4 : i32
      %dma_start3A_99 = tpu.memref_slice %arg6[%dma_start3A_98, %mul3A_96] : memref<32x1664xf32, #tpu.memory_space<vmem>> -> memref<1x128xf32, #tpu.memory_space<vmem>>
      %dma_start3A_100 = tpu.memref_squeeze %dma_start3A_99 : memref<1x128xf32, #tpu.memory_space<vmem>> -> memref<128xf32, #tpu.memory_space<vmem>>
      %dma_start3A_101 = arith.constant 0 : i32
      %dma_start3A_102 = tpu.memref_slice %arg5[%scan3A_20, %dma_start3A_101] : memref<13x128xi32, #tpu.memory_space<vmem>> -> memref<1x128xi32, #tpu.memory_space<vmem>>
      %dma_start3A_103 = tpu.memref_squeeze %dma_start3A_102 : memref<1x128xi32, #tpu.memory_space<vmem>> -> memref<128xi32, #tpu.memory_space<vmem>>
      %dma_start3A_104 = arith.constant 0 : i32
      %dma_start3A_105 = tpu.memref_slice %arg2[%select_n3A, %dma_start3A_97, %dma_start3A_104] : memref<13x32x100000xf32, #tpu.memory_space<hbm>> -> memref<1x1x100000xf32, #tpu.memory_space<hbm>>
      %dma_start3A_106 = tpu.memref_squeeze %dma_start3A_105 : memref<1x1x100000xf32, #tpu.memory_space<hbm>> -> memref<100000xf32, #tpu.memory_space<hbm>>
      %dma_start3A_107 = arith.constant 0 : i32
      %dma_start3A_108 = tpu.memref_slice %dma_start3A_106[%dma_start3A_107] : memref<100000xf32, #tpu.memory_space<hbm>> -> memref<100000xf32, #tpu.memory_space<hbm>>
      tpu.enqueue_indirect_dma source(%dma_start3A_108 : memref<100000xf32, #tpu.memory_space<hbm>>) target(%dma_start3A_100 : memref<128xf32, #tpu.memory_space<vmem>>) offsets(%dma_start3A_103 : memref<128xi32, #tpu.memory_space<vmem>>) semaphore(%arg7 : memref<!tpu.dma_semaphore, #tpu.memory_space<semaphore_mem>>)
      %mul3A_109 = arith.constant 128 : i32
      %mul3A_110 = arith.muli %scan3A_20, %mul3A_109 : i32
      %dma_start3A_111 = arith.constant 5 : i32
      %dma_start3A_112 = arith.constant 5 : i32
      %dma_start3A_113 = tpu.memref_slice %arg6[%dma_start3A_112, %mul3A_110] : memref<32x1664xf32, #tpu.memory_space<vmem>> -> memref<1x128xf32, #tpu.memory_space<vmem>>
      %dma_start3A_114 = tpu.memref_squeeze %dma_start3A_113 : memref<1x128xf32, #tpu.memory_space<vmem>> -> memref<128xf32, #tpu.memory_space<vmem>>
      %dma_start3A_115 = arith.constant 0 : i32
      %dma_start3A_116 = tpu.memref_slice %arg5[%scan3A_20, %dma_start3A_115] : memref<13x128xi32, #tpu.memory_space<vmem>> -> memref<1x128xi32, #tpu.memory_space<vmem>>
      %dma_start3A_117 = tpu.memref_squeeze %dma_start3A_116 : memref<1x128xi32, #tpu.memory_space<vmem>> -> memref<128xi32, #tpu.memory_space<vmem>>
      %dma_start3A_118 = arith.constant 0 : i32
      %dma_start3A_119 = tpu.memref_slice %arg2[%select_n3A, %dma_start3A_111, %dma_start3A_118] : memref<13x32x100000xf32, #tpu.memory_space<hbm>> -> memref<1x1x100000xf32, #tpu.memory_space<hbm>>
      %dma_start3A_120 = tpu.memref_squeeze %dma_start3A_119 : memref<1x1x100000xf32, #tpu.memory_space<hbm>> -> memref<100000xf32, #tpu.memory_space<hbm>>
      %dma_start3A_121 = arith.constant 0 : i32
      %dma_start3A_122 = tpu.memref_slice %dma_start3A_120[%dma_start3A_121] : memref<100000xf32, #tpu.memory_space<hbm>> -> memref<100000xf32, #tpu.memory_space<hbm>>
      tpu.enqueue_indirect_dma source(%dma_start3A_122 : memref<100000xf32, #tpu.memory_space<hbm>>) target(%dma_start3A_114 : memref<128xf32, #tpu.memory_space<vmem>>) offsets(%dma_start3A_117 : memref<128xi32, #tpu.memory_space<vmem>>) semaphore(%arg7 : memref<!tpu.dma_semaphore, #tpu.memory_space<semaphore_mem>>)
      %mul3A_123 = arith.constant 128 : i32
      %mul3A_124 = arith.muli %scan3A_20, %mul3A_123 : i32
      %dma_start3A_125 = arith.constant 6 : i32
      %dma_start3A_126 = arith.constant 6 : i32
      %dma_start3A_127 = tpu.memref_slice %arg6[%dma_start3A_126, %mul3A_124] : memref<32x1664xf32, #tpu.memory_space<vmem>> -> memref<1x128xf32, #tpu.memory_space<vmem>>
      %dma_start3A_128 = tpu.memref_squeeze %dma_start3A_127 : memref<1x128xf32, #tpu.memory_space<vmem>> -> memref<128xf32, #tpu.memory_space<vmem>>
      %dma_start3A_129 = arith.constant 0 : i32
      %dma_start3A_130 = tpu.memref_slice %arg5[%scan3A_20, %dma_start3A_129] : memref<13x128xi32, #tpu.memory_space<vmem>> -> memref<1x128xi32, #tpu.memory_space<vmem>>
      %dma_start3A_131 = tpu.memref_squeeze %dma_start3A_130 : memref<1x128xi32, #tpu.memory_space<vmem>> -> memref<128xi32, #tpu.memory_space<vmem>>
      %dma_start3A_132 = arith.constant 0 : i32
      %dma_start3A_133 = tpu.memref_slice %arg2[%select_n3A, %dma_start3A_125, %dma_start3A_132] : memref<13x32x100000xf32, #tpu.memory_space<hbm>> -> memref<1x1x100000xf32, #tpu.memory_space<hbm>>
      %dma_start3A_134 = tpu.memref_squeeze %dma_start3A_133 : memref<1x1x100000xf32, #tpu.memory_space<hbm>> -> memref<100000xf32, #tpu.memory_space<hbm>>
      %dma_start3A_135 = arith.constant 0 : i32
      %dma_start3A_136 = tpu.memref_slice %dma_start3A_134[%dma_start3A_135] : memref<100000xf32, #tpu.memory_space<hbm>> -> memref<100000xf32, #tpu.memory_space<hbm>>
      tpu.enqueue_indirect_dma source(%dma_start3A_136 : memref<100000xf32, #tpu.memory_space<hbm>>) target(%dma_start3A_128 : memref<128xf32, #tpu.memory_space<vmem>>) offsets(%dma_start3A_131 : memref<128xi32, #tpu.memory_space<vmem>>) semaphore(%arg7 : memref<!tpu.dma_semaphore, #tpu.memory_space<semaphore_mem>>)
      %mul3A_137 = arith.constant 128 : i32
      %mul3A_138 = arith.muli %scan3A_20, %mul3A_137 : i32
      %dma_start3A_139 = arith.constant 7 : i32
      %dma_start3A_140 = arith.constant 7 : i32
      %dma_start3A_141 = tpu.memref_slice %arg6[%dma_start3A_140, %mul3A_138] : memref<32x1664xf32, #tpu.memory_space<vmem>> -> memref<1x128xf32, #tpu.memory_space<vmem>>
      %dma_start3A_142 = tpu.memref_squeeze %dma_start3A_141 : memref<1x128xf32, #tpu.memory_space<vmem>> -> memref<128xf32, #tpu.memory_space<vmem>>
      %dma_start3A_143 = arith.constant 0 : i32
      %dma_start3A_144 = tpu.memref_slice %arg5[%scan3A_20, %dma_start3A_143] : memref<13x128xi32, #tpu.memory_space<vmem>> -> memref<1x128xi32, #tpu.memory_space<vmem>>
      %dma_start3A_145 = tpu.memref_squeeze %dma_start3A_144 : memref<1x128xi32, #tpu.memory_space<vmem>> -> memref<128xi32, #tpu.memory_space<vmem>>
      %dma_start3A_146 = arith.constant 0 : i32
      %dma_start3A_147 = tpu.memref_slice %arg2[%select_n3A, %dma_start3A_139, %dma_start3A_146] : memref<13x32x100000xf32, #tpu.memory_space<hbm>> -> memref<1x1x100000xf32, #tpu.memory_space<hbm>>
      %dma_start3A_148 = tpu.memref_squeeze %dma_start3A_147 : memref<1x1x100000xf32, #tpu.memory_space<hbm>> -> memref<100000xf32, #tpu.memory_space<hbm>>
      %dma_start3A_149 = arith.constant 0 : i32
      %dma_start3A_150 = tpu.memref_slice %dma_start3A_148[%dma_start3A_149] : memref<100000xf32, #tpu.memory_space<hbm>> -> memref<100000xf32, #tpu.memory_space<hbm>>
      tpu.enqueue_indirect_dma source(%dma_start3A_150 : memref<100000xf32, #tpu.memory_space<hbm>>) target(%dma_start3A_142 : memref<128xf32, #tpu.memory_space<vmem>>) offsets(%dma_start3A_145 : memref<128xi32, #tpu.memory_space<vmem>>) semaphore(%arg7 : memref<!tpu.dma_semaphore, #tpu.memory_space<semaphore_mem>>)
      %mul3A_151 = arith.constant 128 : i32
      %mul3A_152 = arith.muli %scan3A_20, %mul3A_151 : i32
      %dma_start3A_153 = arith.constant 8 : i32
      %dma_start3A_154 = arith.constant 8 : i32
      %dma_start3A_155 = tpu.memref_slice %arg6[%dma_start3A_154, %mul3A_152] : memref<32x1664xf32, #tpu.memory_space<vmem>> -> memref<1x128xf32, #tpu.memory_space<vmem>>
      %dma_start3A_156 = tpu.memref_squeeze %dma_start3A_155 : memref<1x128xf32, #tpu.memory_space<vmem>> -> memref<128xf32, #tpu.memory_space<vmem>>
      %dma_start3A_157 = arith.constant 0 : i32
      %dma_start3A_158 = tpu.memref_slice %arg5[%scan3A_20, %dma_start3A_157] : memref<13x128xi32, #tpu.memory_space<vmem>> -> memref<1x128xi32, #tpu.memory_space<vmem>>
      %dma_start3A_159 = tpu.memref_squeeze %dma_start3A_158 : memref<1x128xi32, #tpu.memory_space<vmem>> -> memref<128xi32, #tpu.memory_space<vmem>>
      %dma_start3A_160 = arith.constant 0 : i32
      %dma_start3A_161 = tpu.memref_slice %arg2[%select_n3A, %dma_start3A_153, %dma_start3A_160] : memref<13x32x100000xf32, #tpu.memory_space<hbm>> -> memref<1x1x100000xf32, #tpu.memory_space<hbm>>
      %dma_start3A_162 = tpu.memref_squeeze %dma_start3A_161 : memref<1x1x100000xf32, #tpu.memory_space<hbm>> -> memref<100000xf32, #tpu.memory_space<hbm>>
      %dma_start3A_163 = arith.constant 0 : i32
      %dma_start3A_164 = tpu.memref_slice %dma_start3A_162[%dma_start3A_163] : memref<100000xf32, #tpu.memory_space<hbm>> -> memref<100000xf32, #tpu.memory_space<hbm>>
      tpu.enqueue_indirect_dma source(%dma_start3A_164 : memref<100000xf32, #tpu.memory_space<hbm>>) target(%dma_start3A_156 : memref<128xf32, #tpu.memory_space<vmem>>) offsets(%dma_start3A_159 : memref<128xi32, #tpu.memory_space<vmem>>) semaphore(%arg7 : memref<!tpu.dma_semaphore, #tpu.memory_space<semaphore_mem>>)
      %mul3A_165 = arith.constant 128 : i32
      %mul3A_166 = arith.muli %scan3A_20, %mul3A_165 : i32
      %dma_start3A_167 = arith.constant 9 : i32
      %dma_start3A_168 = arith.constant 9 : i32
      %dma_start3A_169 = tpu.memref_slice %arg6[%dma_start3A_168, %mul3A_166] : memref<32x1664xf32, #tpu.memory_space<vmem>> -> memref<1x128xf32, #tpu.memory_space<vmem>>
      %dma_start3A_170 = tpu.memref_squeeze %dma_start3A_169 : memref<1x128xf32, #tpu.memory_space<vmem>> -> memref<128xf32, #tpu.memory_space<vmem>>
      %dma_start3A_171 = arith.constant 0 : i32
      %dma_start3A_172 = tpu.memref_slice %arg5[%scan3A_20, %dma_start3A_171] : memref<13x128xi32, #tpu.memory_space<vmem>> -> memref<1x128xi32, #tpu.memory_space<vmem>>
      %dma_start3A_173 = tpu.memref_squeeze %dma_start3A_172 : memref<1x128xi32, #tpu.memory_space<vmem>> -> memref<128xi32, #tpu.memory_space<vmem>>
      %dma_start3A_174 = arith.constant 0 : i32
      %dma_start3A_175 = tpu.memref_slice %arg2[%select_n3A, %dma_start3A_167, %dma_start3A_174] : memref<13x32x100000xf32, #tpu.memory_space<hbm>> -> memref<1x1x100000xf32, #tpu.memory_space<hbm>>
      %dma_start3A_176 = tpu.memref_squeeze %dma_start3A_175 : memref<1x1x100000xf32, #tpu.memory_space<hbm>> -> memref<100000xf32, #tpu.memory_space<hbm>>
      %dma_start3A_177 = arith.constant 0 : i32
      %dma_start3A_178 = tpu.memref_slice %dma_start3A_176[%dma_start3A_177] : memref<100000xf32, #tpu.memory_space<hbm>> -> memref<100000xf32, #tpu.memory_space<hbm>>
      tpu.enqueue_indirect_dma source(%dma_start3A_178 : memref<100000xf32, #tpu.memory_space<hbm>>) target(%dma_start3A_170 : memref<128xf32, #tpu.memory_space<vmem>>) offsets(%dma_start3A_173 : memref<128xi32, #tpu.memory_space<vmem>>) semaphore(%arg7 : memref<!tpu.dma_semaphore, #tpu.memory_space<semaphore_mem>>)
      %mul3A_179 = arith.constant 128 : i32
      %mul3A_180 = arith.muli %scan3A_20, %mul3A_179 : i32
      %dma_start3A_181 = arith.constant 10 : i32
      %dma_start3A_182 = arith.constant 10 : i32
      %dma_start3A_183 = tpu.memref_slice %arg6[%dma_start3A_182, %mul3A_180] : memref<32x1664xf32, #tpu.memory_space<vmem>> -> memref<1x128xf32, #tpu.memory_space<vmem>>
      %dma_start3A_184 = tpu.memref_squeeze %dma_start3A_183 : memref<1x128xf32, #tpu.memory_space<vmem>> -> memref<128xf32, #tpu.memory_space<vmem>>
      %dma_start3A_185 = arith.constant 0 : i32
      %dma_start3A_186 = tpu.memref_slice %arg5[%scan3A_20, %dma_start3A_185] : memref<13x128xi32, #tpu.memory_space<vmem>> -> memref<1x128xi32, #tpu.memory_space<vmem>>
      %dma_start3A_187 = tpu.memref_squeeze %dma_start3A_186 : memref<1x128xi32, #tpu.memory_space<vmem>> -> memref<128xi32, #tpu.memory_space<vmem>>
      %dma_start3A_188 = arith.constant 0 : i32
      %dma_start3A_189 = tpu.memref_slice %arg2[%select_n3A, %dma_start3A_181, %dma_start3A_188] : memref<13x32x100000xf32, #tpu.memory_space<hbm>> -> memref<1x1x100000xf32, #tpu.memory_space<hbm>>
      %dma_start3A_190 = tpu.memref_squeeze %dma_start3A_189 : memref<1x1x100000xf32, #tpu.memory_space<hbm>> -> memref<100000xf32, #tpu.memory_space<hbm>>
      %dma_start3A_191 = arith.constant 0 : i32
      %dma_start3A_192 = tpu.memref_slice %dma_start3A_190[%dma_start3A_191] : memref<100000xf32, #tpu.memory_space<hbm>> -> memref<100000xf32, #tpu.memory_space<hbm>>
      tpu.enqueue_indirect_dma source(%dma_start3A_192 : memref<100000xf32, #tpu.memory_space<hbm>>) target(%dma_start3A_184 : memref<128xf32, #tpu.memory_space<vmem>>) offsets(%dma_start3A_187 : memref<128xi32, #tpu.memory_space<vmem>>) semaphore(%arg7 : memref<!tpu.dma_semaphore, #tpu.memory_space<semaphore_mem>>)
      %mul3A_193 = arith.constant 128 : i32
      %mul3A_194 = arith.muli %scan3A_20, %mul3A_193 : i32
      %dma_start3A_195 = arith.constant 11 : i32
      %dma_start3A_196 = arith.constant 11 : i32
      %dma_start3A_197 = tpu.memref_slice %arg6[%dma_start3A_196, %mul3A_194] : memref<32x1664xf32, #tpu.memory_space<vmem>> -> memref<1x128xf32, #tpu.memory_space<vmem>>
      %dma_start3A_198 = tpu.memref_squeeze %dma_start3A_197 : memref<1x128xf32, #tpu.memory_space<vmem>> -> memref<128xf32, #tpu.memory_space<vmem>>
      %dma_start3A_199 = arith.constant 0 : i32
      %dma_start3A_200 = tpu.memref_slice %arg5[%scan3A_20, %dma_start3A_199] : memref<13x128xi32, #tpu.memory_space<vmem>> -> memref<1x128xi32, #tpu.memory_space<vmem>>
      %dma_start3A_201 = tpu.memref_squeeze %dma_start3A_200 : memref<1x128xi32, #tpu.memory_space<vmem>> -> memref<128xi32, #tpu.memory_space<vmem>>
      %dma_start3A_202 = arith.constant 0 : i32
      %dma_start3A_203 = tpu.memref_slice %arg2[%select_n3A, %dma_start3A_195, %dma_start3A_202] : memref<13x32x100000xf32, #tpu.memory_space<hbm>> -> memref<1x1x100000xf32, #tpu.memory_space<hbm>>
      %dma_start3A_204 = tpu.memref_squeeze %dma_start3A_203 : memref<1x1x100000xf32, #tpu.memory_space<hbm>> -> memref<100000xf32, #tpu.memory_space<hbm>>
      %dma_start3A_205 = arith.constant 0 : i32
      %dma_start3A_206 = tpu.memref_slice %dma_start3A_204[%dma_start3A_205] : memref<100000xf32, #tpu.memory_space<hbm>> -> memref<100000xf32, #tpu.memory_space<hbm>>
      tpu.enqueue_indirect_dma source(%dma_start3A_206 : memref<100000xf32, #tpu.memory_space<hbm>>) target(%dma_start3A_198 : memref<128xf32, #tpu.memory_space<vmem>>) offsets(%dma_start3A_201 : memref<128xi32, #tpu.memory_space<vmem>>) semaphore(%arg7 : memref<!tpu.dma_semaphore, #tpu.memory_space<semaphore_mem>>)
      %mul3A_207 = arith.constant 128 : i32
      %mul3A_208 = arith.muli %scan3A_20, %mul3A_207 : i32
      %dma_start3A_209 = arith.constant 12 : i32
      %dma_start3A_210 = arith.constant 12 : i32
      %dma_start3A_211 = tpu.memref_slice %arg6[%dma_start3A_210, %mul3A_208] : memref<32x1664xf32, #tpu.memory_space<vmem>> -> memref<1x128xf32, #tpu.memory_space<vmem>>
      %dma_start3A_212 = tpu.memref_squeeze %dma_start3A_211 : memref<1x128xf32, #tpu.memory_space<vmem>> -> memref<128xf32, #tpu.memory_space<vmem>>
      %dma_start3A_213 = arith.constant 0 : i32
      %dma_start3A_214 = tpu.memref_slice %arg5[%scan3A_20, %dma_start3A_213] : memref<13x128xi32, #tpu.memory_space<vmem>> -> memref<1x128xi32, #tpu.memory_space<vmem>>
      %dma_start3A_215 = tpu.memref_squeeze %dma_start3A_214 : memref<1x128xi32, #tpu.memory_space<vmem>> -> memref<128xi32, #tpu.memory_space<vmem>>
      %dma_start3A_216 = arith.constant 0 : i32
      %dma_start3A_217 = tpu.memref_slice %arg2[%select_n3A, %dma_start3A_209, %dma_start3A_216] : memref<13x32x100000xf32, #tpu.memory_space<hbm>> -> memref<1x1x100000xf32, #tpu.memory_space<hbm>>
      %dma_start3A_218 = tpu.memref_squeeze %dma_start3A_217 : memref<1x1x100000xf32, #tpu.memory_space<hbm>> -> memref<100000xf32, #tpu.memory_space<hbm>>
      %dma_start3A_219 = arith.constant 0 : i32
      %dma_start3A_220 = tpu.memref_slice %dma_start3A_218[%dma_start3A_219] : memref<100000xf32, #tpu.memory_space<hbm>> -> memref<100000xf32, #tpu.memory_space<hbm>>
      tpu.enqueue_indirect_dma source(%dma_start3A_220 : memref<100000xf32, #tpu.memory_space<hbm>>) target(%dma_start3A_212 : memref<128xf32, #tpu.memory_space<vmem>>) offsets(%dma_start3A_215 : memref<128xi32, #tpu.memory_space<vmem>>) semaphore(%arg7 : memref<!tpu.dma_semaphore, #tpu.memory_space<semaphore_mem>>)
      %mul3A_221 = arith.constant 128 : i32
      %mul3A_222 = arith.muli %scan3A_20, %mul3A_221 : i32
      %dma_start3A_223 = arith.constant 13 : i32
      %dma_start3A_224 = arith.constant 13 : i32
      %dma_start3A_225 = tpu.memref_slice %arg6[%dma_start3A_224, %mul3A_222] : memref<32x1664xf32, #tpu.memory_space<vmem>> -> memref<1x128xf32, #tpu.memory_space<vmem>>
      %dma_start3A_226 = tpu.memref_squeeze %dma_start3A_225 : memref<1x128xf32, #tpu.memory_space<vmem>> -> memref<128xf32, #tpu.memory_space<vmem>>
      %dma_start3A_227 = arith.constant 0 : i32
      %dma_start3A_228 = tpu.memref_slice %arg5[%scan3A_20, %dma_start3A_227] : memref<13x128xi32, #tpu.memory_space<vmem>> -> memref<1x128xi32, #tpu.memory_space<vmem>>
      %dma_start3A_229 = tpu.memref_squeeze %dma_start3A_228 : memref<1x128xi32, #tpu.memory_space<vmem>> -> memref<128xi32, #tpu.memory_space<vmem>>
      %dma_start3A_230 = arith.constant 0 : i32
      %dma_start3A_231 = tpu.memref_slice %arg2[%select_n3A, %dma_start3A_223, %dma_start3A_230] : memref<13x32x100000xf32, #tpu.memory_space<hbm>> -> memref<1x1x100000xf32, #tpu.memory_space<hbm>>
      %dma_start3A_232 = tpu.memref_squeeze %dma_start3A_231 : memref<1x1x100000xf32, #tpu.memory_space<hbm>> -> memref<100000xf32, #tpu.memory_space<hbm>>
      %dma_start3A_233 = arith.constant 0 : i32
      %dma_start3A_234 = tpu.memref_slice %dma_start3A_232[%dma_start3A_233] : memref<100000xf32, #tpu.memory_space<hbm>> -> memref<100000xf32, #tpu.memory_space<hbm>>
      tpu.enqueue_indirect_dma source(%dma_start3A_234 : memref<100000xf32, #tpu.memory_space<hbm>>) target(%dma_start3A_226 : memref<128xf32, #tpu.memory_space<vmem>>) offsets(%dma_start3A_229 : memref<128xi32, #tpu.memory_space<vmem>>) semaphore(%arg7 : memref<!tpu.dma_semaphore, #tpu.memory_space<semaphore_mem>>)
      %mul3A_235 = arith.constant 128 : i32
      %mul3A_236 = arith.muli %scan3A_20, %mul3A_235 : i32
      %dma_start3A_237 = arith.constant 14 : i32
      %dma_start3A_238 = arith.constant 14 : i32
      %dma_start3A_239 = tpu.memref_slice %arg6[%dma_start3A_238, %mul3A_236] : memref<32x1664xf32, #tpu.memory_space<vmem>> -> memref<1x128xf32, #tpu.memory_space<vmem>>
      %dma_start3A_240 = tpu.memref_squeeze %dma_start3A_239 : memref<1x128xf32, #tpu.memory_space<vmem>> -> memref<128xf32, #tpu.memory_space<vmem>>
      %dma_start3A_241 = arith.constant 0 : i32
      %dma_start3A_242 = tpu.memref_slice %arg5[%scan3A_20, %dma_start3A_241] : memref<13x128xi32, #tpu.memory_space<vmem>> -> memref<1x128xi32, #tpu.memory_space<vmem>>
      %dma_start3A_243 = tpu.memref_squeeze %dma_start3A_242 : memref<1x128xi32, #tpu.memory_space<vmem>> -> memref<128xi32, #tpu.memory_space<vmem>>
      %dma_start3A_244 = arith.constant 0 : i32
      %dma_start3A_245 = tpu.memref_slice %arg2[%select_n3A, %dma_start3A_237, %dma_start3A_244] : memref<13x32x100000xf32, #tpu.memory_space<hbm>> -> memref<1x1x100000xf32, #tpu.memory_space<hbm>>
      %dma_start3A_246 = tpu.memref_squeeze %dma_start3A_245 : memref<1x1x100000xf32, #tpu.memory_space<hbm>> -> memref<100000xf32, #tpu.memory_space<hbm>>
      %dma_start3A_247 = arith.constant 0 : i32
      %dma_start3A_248 = tpu.memref_slice %dma_start3A_246[%dma_start3A_247] : memref<100000xf32, #tpu.memory_space<hbm>> -> memref<100000xf32, #tpu.memory_space<hbm>>
      tpu.enqueue_indirect_dma source(%dma_start3A_248 : memref<100000xf32, #tpu.memory_space<hbm>>) target(%dma_start3A_240 : memref<128xf32, #tpu.memory_space<vmem>>) offsets(%dma_start3A_243 : memref<128xi32, #tpu.memory_space<vmem>>) semaphore(%arg7 : memref<!tpu.dma_semaphore, #tpu.memory_space<semaphore_mem>>)
      %mul3A_249 = arith.constant 128 : i32
      %mul3A_250 = arith.muli %scan3A_20, %mul3A_249 : i32
      %dma_start3A_251 = arith.constant 15 : i32
      %dma_start3A_252 = arith.constant 15 : i32
      %dma_start3A_253 = tpu.memref_slice %arg6[%dma_start3A_252, %mul3A_250] : memref<32x1664xf32, #tpu.memory_space<vmem>> -> memref<1x128xf32, #tpu.memory_space<vmem>>
      %dma_start3A_254 = tpu.memref_squeeze %dma_start3A_253 : memref<1x128xf32, #tpu.memory_space<vmem>> -> memref<128xf32, #tpu.memory_space<vmem>>
      %dma_start3A_255 = arith.constant 0 : i32
      %dma_start3A_256 = tpu.memref_slice %arg5[%scan3A_20, %dma_start3A_255] : memref<13x128xi32, #tpu.memory_space<vmem>> -> memref<1x128xi32, #tpu.memory_space<vmem>>
      %dma_start3A_257 = tpu.memref_squeeze %dma_start3A_256 : memref<1x128xi32, #tpu.memory_space<vmem>> -> memref<128xi32, #tpu.memory_space<vmem>>
      %dma_start3A_258 = arith.constant 0 : i32
      %dma_start3A_259 = tpu.memref_slice %arg2[%select_n3A, %dma_start3A_251, %dma_start3A_258] : memref<13x32x100000xf32, #tpu.memory_space<hbm>> -> memref<1x1x100000xf32, #tpu.memory_space<hbm>>
      %dma_start3A_260 = tpu.memref_squeeze %dma_start3A_259 : memref<1x1x100000xf32, #tpu.memory_space<hbm>> -> memref<100000xf32, #tpu.memory_space<hbm>>
      %dma_start3A_261 = arith.constant 0 : i32
      %dma_start3A_262 = tpu.memref_slice %dma_start3A_260[%dma_start3A_261] : memref<100000xf32, #tpu.memory_space<hbm>> -> memref<100000xf32, #tpu.memory_space<hbm>>
      tpu.enqueue_indirect_dma source(%dma_start3A_262 : memref<100000xf32, #tpu.memory_space<hbm>>) target(%dma_start3A_254 : memref<128xf32, #tpu.memory_space<vmem>>) offsets(%dma_start3A_257 : memref<128xi32, #tpu.memory_space<vmem>>) semaphore(%arg7 : memref<!tpu.dma_semaphore, #tpu.memory_space<semaphore_mem>>)
      %mul3A_263 = arith.constant 128 : i32
      %mul3A_264 = arith.muli %scan3A_20, %mul3A_263 : i32
      %dma_start3A_265 = arith.constant 16 : i32
      %dma_start3A_266 = arith.constant 16 : i32
      %dma_start3A_267 = tpu.memref_slice %arg6[%dma_start3A_266, %mul3A_264] : memref<32x1664xf32, #tpu.memory_space<vmem>> -> memref<1x128xf32, #tpu.memory_space<vmem>>
      %dma_start3A_268 = tpu.memref_squeeze %dma_start3A_267 : memref<1x128xf32, #tpu.memory_space<vmem>> -> memref<128xf32, #tpu.memory_space<vmem>>
      %dma_start3A_269 = arith.constant 0 : i32
      %dma_start3A_270 = tpu.memref_slice %arg5[%scan3A_20, %dma_start3A_269] : memref<13x128xi32, #tpu.memory_space<vmem>> -> memref<1x128xi32, #tpu.memory_space<vmem>>
      %dma_start3A_271 = tpu.memref_squeeze %dma_start3A_270 : memref<1x128xi32, #tpu.memory_space<vmem>> -> memref<128xi32, #tpu.memory_space<vmem>>
      %dma_start3A_272 = arith.constant 0 : i32
      %dma_start3A_273 = tpu.memref_slice %arg2[%select_n3A, %dma_start3A_265, %dma_start3A_272] : memref<13x32x100000xf32, #tpu.memory_space<hbm>> -> memref<1x1x100000xf32, #tpu.memory_space<hbm>>
      %dma_start3A_274 = tpu.memref_squeeze %dma_start3A_273 : memref<1x1x100000xf32, #tpu.memory_space<hbm>> -> memref<100000xf32, #tpu.memory_space<hbm>>
      %dma_start3A_275 = arith.constant 0 : i32
      %dma_start3A_276 = tpu.memref_slice %dma_start3A_274[%dma_start3A_275] : memref<100000xf32, #tpu.memory_space<hbm>> -> memref<100000xf32, #tpu.memory_space<hbm>>
      tpu.enqueue_indirect_dma source(%dma_start3A_276 : memref<100000xf32, #tpu.memory_space<hbm>>) target(%dma_start3A_268 : memref<128xf32, #tpu.memory_space<vmem>>) offsets(%dma_start3A_271 : memref<128xi32, #tpu.memory_space<vmem>>) semaphore(%arg7 : memref<!tpu.dma_semaphore, #tpu.memory_space<semaphore_mem>>)
      %mul3A_277 = arith.constant 128 : i32
      %mul3A_278 = arith.muli %scan3A_20, %mul3A_277 : i32
      %dma_start3A_279 = arith.constant 17 : i32
      %dma_start3A_280 = arith.constant 17 : i32
      %dma_start3A_281 = tpu.memref_slice %arg6[%dma_start3A_280, %mul3A_278] : memref<32x1664xf32, #tpu.memory_space<vmem>> -> memref<1x128xf32, #tpu.memory_space<vmem>>
      %dma_start3A_282 = tpu.memref_squeeze %dma_start3A_281 : memref<1x128xf32, #tpu.memory_space<vmem>> -> memref<128xf32, #tpu.memory_space<vmem>>
      %dma_start3A_283 = arith.constant 0 : i32
      %dma_start3A_284 = tpu.memref_slice %arg5[%scan3A_20, %dma_start3A_283] : memref<13x128xi32, #tpu.memory_space<vmem>> -> memref<1x128xi32, #tpu.memory_space<vmem>>
      %dma_start3A_285 = tpu.memref_squeeze %dma_start3A_284 : memref<1x128xi32, #tpu.memory_space<vmem>> -> memref<128xi32, #tpu.memory_space<vmem>>
      %dma_start3A_286 = arith.constant 0 : i32
      %dma_start3A_287 = tpu.memref_slice %arg2[%select_n3A, %dma_start3A_279, %dma_start3A_286] : memref<13x32x100000xf32, #tpu.memory_space<hbm>> -> memref<1x1x100000xf32, #tpu.memory_space<hbm>>
      %dma_start3A_288 = tpu.memref_squeeze %dma_start3A_287 : memref<1x1x100000xf32, #tpu.memory_space<hbm>> -> memref<100000xf32, #tpu.memory_space<hbm>>
      %dma_start3A_289 = arith.constant 0 : i32
      %dma_start3A_290 = tpu.memref_slice %dma_start3A_288[%dma_start3A_289] : memref<100000xf32, #tpu.memory_space<hbm>> -> memref<100000xf32, #tpu.memory_space<hbm>>
      tpu.enqueue_indirect_dma source(%dma_start3A_290 : memref<100000xf32, #tpu.memory_space<hbm>>) target(%dma_start3A_282 : memref<128xf32, #tpu.memory_space<vmem>>) offsets(%dma_start3A_285 : memref<128xi32, #tpu.memory_space<vmem>>) semaphore(%arg7 : memref<!tpu.dma_semaphore, #tpu.memory_space<semaphore_mem>>)
      %mul3A_291 = arith.constant 128 : i32
      %mul3A_292 = arith.muli %scan3A_20, %mul3A_291 : i32
      %dma_start3A_293 = arith.constant 18 : i32
      %dma_start3A_294 = arith.constant 18 : i32
      %dma_start3A_295 = tpu.memref_slice %arg6[%dma_start3A_294, %mul3A_292] : memref<32x1664xf32, #tpu.memory_space<vmem>> -> memref<1x128xf32, #tpu.memory_space<vmem>>
      %dma_start3A_296 = tpu.memref_squeeze %dma_start3A_295 : memref<1x128xf32, #tpu.memory_space<vmem>> -> memref<128xf32, #tpu.memory_space<vmem>>
      %dma_start3A_297 = arith.constant 0 : i32
      %dma_start3A_298 = tpu.memref_slice %arg5[%scan3A_20, %dma_start3A_297] : memref<13x128xi32, #tpu.memory_space<vmem>> -> memref<1x128xi32, #tpu.memory_space<vmem>>
      %dma_start3A_299 = tpu.memref_squeeze %dma_start3A_298 : memref<1x128xi32, #tpu.memory_space<vmem>> -> memref<128xi32, #tpu.memory_space<vmem>>
      %dma_start3A_300 = arith.constant 0 : i32
      %dma_start3A_301 = tpu.memref_slice %arg2[%select_n3A, %dma_start3A_293, %dma_start3A_300] : memref<13x32x100000xf32, #tpu.memory_space<hbm>> -> memref<1x1x100000xf32, #tpu.memory_space<hbm>>
      %dma_start3A_302 = tpu.memref_squeeze %dma_start3A_301 : memref<1x1x100000xf32, #tpu.memory_space<hbm>> -> memref<100000xf32, #tpu.memory_space<hbm>>
      %dma_start3A_303 = arith.constant 0 : i32
      %dma_start3A_304 = tpu.memref_slice %dma_start3A_302[%dma_start3A_303] : memref<100000xf32, #tpu.memory_space<hbm>> -> memref<100000xf32, #tpu.memory_space<hbm>>
      tpu.enqueue_indirect_dma source(%dma_start3A_304 : memref<100000xf32, #tpu.memory_space<hbm>>) target(%dma_start3A_296 : memref<128xf32, #tpu.memory_space<vmem>>) offsets(%dma_start3A_299 : memref<128xi32, #tpu.memory_space<vmem>>) semaphore(%arg7 : memref<!tpu.dma_semaphore, #tpu.memory_space<semaphore_mem>>)
      %mul3A_305 = arith.constant 128 : i32
      %mul3A_306 = arith.muli %scan3A_20, %mul3A_305 : i32
      %dma_start3A_307 = arith.constant 19 : i32
      %dma_start3A_308 = arith.constant 19 : i32
      %dma_start3A_309 = tpu.memref_slice %arg6[%dma_start3A_308, %mul3A_306] : memref<32x1664xf32, #tpu.memory_space<vmem>> -> memref<1x128xf32, #tpu.memory_space<vmem>>
      %dma_start3A_310 = tpu.memref_squeeze %dma_start3A_309 : memref<1x128xf32, #tpu.memory_space<vmem>> -> memref<128xf32, #tpu.memory_space<vmem>>
      %dma_start3A_311 = arith.constant 0 : i32
      %dma_start3A_312 = tpu.memref_slice %arg5[%scan3A_20, %dma_start3A_311] : memref<13x128xi32, #tpu.memory_space<vmem>> -> memref<1x128xi32, #tpu.memory_space<vmem>>
      %dma_start3A_313 = tpu.memref_squeeze %dma_start3A_312 : memref<1x128xi32, #tpu.memory_space<vmem>> -> memref<128xi32, #tpu.memory_space<vmem>>
      %dma_start3A_314 = arith.constant 0 : i32
      %dma_start3A_315 = tpu.memref_slice %arg2[%select_n3A, %dma_start3A_307, %dma_start3A_314] : memref<13x32x100000xf32, #tpu.memory_space<hbm>> -> memref<1x1x100000xf32, #tpu.memory_space<hbm>>
      %dma_start3A_316 = tpu.memref_squeeze %dma_start3A_315 : memref<1x1x100000xf32, #tpu.memory_space<hbm>> -> memref<100000xf32, #tpu.memory_space<hbm>>
      %dma_start3A_317 = arith.constant 0 : i32
      %dma_start3A_318 = tpu.memref_slice %dma_start3A_316[%dma_start3A_317] : memref<100000xf32, #tpu.memory_space<hbm>> -> memref<100000xf32, #tpu.memory_space<hbm>>
      tpu.enqueue_indirect_dma source(%dma_start3A_318 : memref<100000xf32, #tpu.memory_space<hbm>>) target(%dma_start3A_310 : memref<128xf32, #tpu.memory_space<vmem>>) offsets(%dma_start3A_313 : memref<128xi32, #tpu.memory_space<vmem>>) semaphore(%arg7 : memref<!tpu.dma_semaphore, #tpu.memory_space<semaphore_mem>>)
      %mul3A_319 = arith.constant 128 : i32
      %mul3A_320 = arith.muli %scan3A_20, %mul3A_319 : i32
      %dma_start3A_321 = arith.constant 20 : i32
      %dma_start3A_322 = arith.constant 20 : i32
      %dma_start3A_323 = tpu.memref_slice %arg6[%dma_start3A_322, %mul3A_320] : memref<32x1664xf32, #tpu.memory_space<vmem>> -> memref<1x128xf32, #tpu.memory_space<vmem>>
      %dma_start3A_324 = tpu.memref_squeeze %dma_start3A_323 : memref<1x128xf32, #tpu.memory_space<vmem>> -> memref<128xf32, #tpu.memory_space<vmem>>
      %dma_start3A_325 = arith.constant 0 : i32
      %dma_start3A_326 = tpu.memref_slice %arg5[%scan3A_20, %dma_start3A_325] : memref<13x128xi32, #tpu.memory_space<vmem>> -> memref<1x128xi32, #tpu.memory_space<vmem>>
      %dma_start3A_327 = tpu.memref_squeeze %dma_start3A_326 : memref<1x128xi32, #tpu.memory_space<vmem>> -> memref<128xi32, #tpu.memory_space<vmem>>
      %dma_start3A_328 = arith.constant 0 : i32
      %dma_start3A_329 = tpu.memref_slice %arg2[%select_n3A, %dma_start3A_321, %dma_start3A_328] : memref<13x32x100000xf32, #tpu.memory_space<hbm>> -> memref<1x1x100000xf32, #tpu.memory_space<hbm>>
      %dma_start3A_330 = tpu.memref_squeeze %dma_start3A_329 : memref<1x1x100000xf32, #tpu.memory_space<hbm>> -> memref<100000xf32, #tpu.memory_space<hbm>>
      %dma_start3A_331 = arith.constant 0 : i32
      %dma_start3A_332 = tpu.memref_slice %dma_start3A_330[%dma_start3A_331] : memref<100000xf32, #tpu.memory_space<hbm>> -> memref<100000xf32, #tpu.memory_space<hbm>>
      tpu.enqueue_indirect_dma source(%dma_start3A_332 : memref<100000xf32, #tpu.memory_space<hbm>>) target(%dma_start3A_324 : memref<128xf32, #tpu.memory_space<vmem>>) offsets(%dma_start3A_327 : memref<128xi32, #tpu.memory_space<vmem>>) semaphore(%arg7 : memref<!tpu.dma_semaphore, #tpu.memory_space<semaphore_mem>>)
      %mul3A_333 = arith.constant 128 : i32
      %mul3A_334 = arith.muli %scan3A_20, %mul3A_333 : i32
      %dma_start3A_335 = arith.constant 21 : i32
      %dma_start3A_336 = arith.constant 21 : i32
      %dma_start3A_337 = tpu.memref_slice %arg6[%dma_start3A_336, %mul3A_334] : memref<32x1664xf32, #tpu.memory_space<vmem>> -> memref<1x128xf32, #tpu.memory_space<vmem>>
      %dma_start3A_338 = tpu.memref_squeeze %dma_start3A_337 : memref<1x128xf32, #tpu.memory_space<vmem>> -> memref<128xf32, #tpu.memory_space<vmem>>
      %dma_start3A_339 = arith.constant 0 : i32
      %dma_start3A_340 = tpu.memref_slice %arg5[%scan3A_20, %dma_start3A_339] : memref<13x128xi32, #tpu.memory_space<vmem>> -> memref<1x128xi32, #tpu.memory_space<vmem>>
      %dma_start3A_341 = tpu.memref_squeeze %dma_start3A_340 : memref<1x128xi32, #tpu.memory_space<vmem>> -> memref<128xi32, #tpu.memory_space<vmem>>
      %dma_start3A_342 = arith.constant 0 : i32
      %dma_start3A_343 = tpu.memref_slice %arg2[%select_n3A, %dma_start3A_335, %dma_start3A_342] : memref<13x32x100000xf32, #tpu.memory_space<hbm>> -> memref<1x1x100000xf32, #tpu.memory_space<hbm>>
      %dma_start3A_344 = tpu.memref_squeeze %dma_start3A_343 : memref<1x1x100000xf32, #tpu.memory_space<hbm>> -> memref<100000xf32, #tpu.memory_space<hbm>>
      %dma_start3A_345 = arith.constant 0 : i32
      %dma_start3A_346 = tpu.memref_slice %dma_start3A_344[%dma_start3A_345] : memref<100000xf32, #tpu.memory_space<hbm>> -> memref<100000xf32, #tpu.memory_space<hbm>>
      tpu.enqueue_indirect_dma source(%dma_start3A_346 : memref<100000xf32, #tpu.memory_space<hbm>>) target(%dma_start3A_338 : memref<128xf32, #tpu.memory_space<vmem>>) offsets(%dma_start3A_341 : memref<128xi32, #tpu.memory_space<vmem>>) semaphore(%arg7 : memref<!tpu.dma_semaphore, #tpu.memory_space<semaphore_mem>>)
      %mul3A_347 = arith.constant 128 : i32
      %mul3A_348 = arith.muli %scan3A_20, %mul3A_347 : i32
      %dma_start3A_349 = arith.constant 22 : i32
      %dma_start3A_350 = arith.constant 22 : i32
      %dma_start3A_351 = tpu.memref_slice %arg6[%dma_start3A_350, %mul3A_348] : memref<32x1664xf32, #tpu.memory_space<vmem>> -> memref<1x128xf32, #tpu.memory_space<vmem>>
      %dma_start3A_352 = tpu.memref_squeeze %dma_start3A_351 : memref<1x128xf32, #tpu.memory_space<vmem>> -> memref<128xf32, #tpu.memory_space<vmem>>
      %dma_start3A_353 = arith.constant 0 : i32
      %dma_start3A_354 = tpu.memref_slice %arg5[%scan3A_20, %dma_start3A_353] : memref<13x128xi32, #tpu.memory_space<vmem>> -> memref<1x128xi32, #tpu.memory_space<vmem>>
      %dma_start3A_355 = tpu.memref_squeeze %dma_start3A_354 : memref<1x128xi32, #tpu.memory_space<vmem>> -> memref<128xi32, #tpu.memory_space<vmem>>
      %dma_start3A_356 = arith.constant 0 : i32
      %dma_start3A_357 = tpu.memref_slice %arg2[%select_n3A, %dma_start3A_349, %dma_start3A_356] : memref<13x32x100000xf32, #tpu.memory_space<hbm>> -> memref<1x1x100000xf32, #tpu.memory_space<hbm>>
      %dma_start3A_358 = tpu.memref_squeeze %dma_start3A_357 : memref<1x1x100000xf32, #tpu.memory_space<hbm>> -> memref<100000xf32, #tpu.memory_space<hbm>>
      %dma_start3A_359 = arith.constant 0 : i32
      %dma_start3A_360 = tpu.memref_slice %dma_start3A_358[%dma_start3A_359] : memref<100000xf32, #tpu.memory_space<hbm>> -> memref<100000xf32, #tpu.memory_space<hbm>>
      tpu.enqueue_indirect_dma source(%dma_start3A_360 : memref<100000xf32, #tpu.memory_space<hbm>>) target(%dma_start3A_352 : memref<128xf32, #tpu.memory_space<vmem>>) offsets(%dma_start3A_355 : memref<128xi32, #tpu.memory_space<vmem>>) semaphore(%arg7 : memref<!tpu.dma_semaphore, #tpu.memory_space<semaphore_mem>>)
      %mul3A_361 = arith.constant 128 : i32
      %mul3A_362 = arith.muli %scan3A_20, %mul3A_361 : i32
      %dma_start3A_363 = arith.constant 23 : i32
      %dma_start3A_364 = arith.constant 23 : i32
      %dma_start3A_365 = tpu.memref_slice %arg6[%dma_start3A_364, %mul3A_362] : memref<32x1664xf32, #tpu.memory_space<vmem>> -> memref<1x128xf32, #tpu.memory_space<vmem>>
      %dma_start3A_366 = tpu.memref_squeeze %dma_start3A_365 : memref<1x128xf32, #tpu.memory_space<vmem>> -> memref<128xf32, #tpu.memory_space<vmem>>
      %dma_start3A_367 = arith.constant 0 : i32
      %dma_start3A_368 = tpu.memref_slice %arg5[%scan3A_20, %dma_start3A_367] : memref<13x128xi32, #tpu.memory_space<vmem>> -> memref<1x128xi32, #tpu.memory_space<vmem>>
      %dma_start3A_369 = tpu.memref_squeeze %dma_start3A_368 : memref<1x128xi32, #tpu.memory_space<vmem>> -> memref<128xi32, #tpu.memory_space<vmem>>
      %dma_start3A_370 = arith.constant 0 : i32
      %dma_start3A_371 = tpu.memref_slice %arg2[%select_n3A, %dma_start3A_363, %dma_start3A_370] : memref<13x32x100000xf32, #tpu.memory_space<hbm>> -> memref<1x1x100000xf32, #tpu.memory_space<hbm>>
      %dma_start3A_372 = tpu.memref_squeeze %dma_start3A_371 : memref<1x1x100000xf32, #tpu.memory_space<hbm>> -> memref<100000xf32, #tpu.memory_space<hbm>>
      %dma_start3A_373 = arith.constant 0 : i32
      %dma_start3A_374 = tpu.memref_slice %dma_start3A_372[%dma_start3A_373] : memref<100000xf32, #tpu.memory_space<hbm>> -> memref<100000xf32, #tpu.memory_space<hbm>>
      tpu.enqueue_indirect_dma source(%dma_start3A_374 : memref<100000xf32, #tpu.memory_space<hbm>>) target(%dma_start3A_366 : memref<128xf32, #tpu.memory_space<vmem>>) offsets(%dma_start3A_369 : memref<128xi32, #tpu.memory_space<vmem>>) semaphore(%arg7 : memref<!tpu.dma_semaphore, #tpu.memory_space<semaphore_mem>>)
      %mul3A_375 = arith.constant 128 : i32
      %mul3A_376 = arith.muli %scan3A_20, %mul3A_375 : i32
      %dma_start3A_377 = arith.constant 24 : i32
      %dma_start3A_378 = arith.constant 24 : i32
      %dma_start3A_379 = tpu.memref_slice %arg6[%dma_start3A_378, %mul3A_376] : memref<32x1664xf32, #tpu.memory_space<vmem>> -> memref<1x128xf32, #tpu.memory_space<vmem>>
      %dma_start3A_380 = tpu.memref_squeeze %dma_start3A_379 : memref<1x128xf32, #tpu.memory_space<vmem>> -> memref<128xf32, #tpu.memory_space<vmem>>
      %dma_start3A_381 = arith.constant 0 : i32
      %dma_start3A_382 = tpu.memref_slice %arg5[%scan3A_20, %dma_start3A_381] : memref<13x128xi32, #tpu.memory_space<vmem>> -> memref<1x128xi32, #tpu.memory_space<vmem>>
      %dma_start3A_383 = tpu.memref_squeeze %dma_start3A_382 : memref<1x128xi32, #tpu.memory_space<vmem>> -> memref<128xi32, #tpu.memory_space<vmem>>
      %dma_start3A_384 = arith.constant 0 : i32
      %dma_start3A_385 = tpu.memref_slice %arg2[%select_n3A, %dma_start3A_377, %dma_start3A_384] : memref<13x32x100000xf32, #tpu.memory_space<hbm>> -> memref<1x1x100000xf32, #tpu.memory_space<hbm>>
      %dma_start3A_386 = tpu.memref_squeeze %dma_start3A_385 : memref<1x1x100000xf32, #tpu.memory_space<hbm>> -> memref<100000xf32, #tpu.memory_space<hbm>>
      %dma_start3A_387 = arith.constant 0 : i32
      %dma_start3A_388 = tpu.memref_slice %dma_start3A_386[%dma_start3A_387] : memref<100000xf32, #tpu.memory_space<hbm>> -> memref<100000xf32, #tpu.memory_space<hbm>>
      tpu.enqueue_indirect_dma source(%dma_start3A_388 : memref<100000xf32, #tpu.memory_space<hbm>>) target(%dma_start3A_380 : memref<128xf32, #tpu.memory_space<vmem>>) offsets(%dma_start3A_383 : memref<128xi32, #tpu.memory_space<vmem>>) semaphore(%arg7 : memref<!tpu.dma_semaphore, #tpu.memory_space<semaphore_mem>>)
      %mul3A_389 = arith.constant 128 : i32
      %mul3A_390 = arith.muli %scan3A_20, %mul3A_389 : i32
      %dma_start3A_391 = arith.constant 25 : i32
      %dma_start3A_392 = arith.constant 25 : i32
      %dma_start3A_393 = tpu.memref_slice %arg6[%dma_start3A_392, %mul3A_390] : memref<32x1664xf32, #tpu.memory_space<vmem>> -> memref<1x128xf32, #tpu.memory_space<vmem>>
      %dma_start3A_394 = tpu.memref_squeeze %dma_start3A_393 : memref<1x128xf32, #tpu.memory_space<vmem>> -> memref<128xf32, #tpu.memory_space<vmem>>
      %dma_start3A_395 = arith.constant 0 : i32
      %dma_start3A_396 = tpu.memref_slice %arg5[%scan3A_20, %dma_start3A_395] : memref<13x128xi32, #tpu.memory_space<vmem>> -> memref<1x128xi32, #tpu.memory_space<vmem>>
      %dma_start3A_397 = tpu.memref_squeeze %dma_start3A_396 : memref<1x128xi32, #tpu.memory_space<vmem>> -> memref<128xi32, #tpu.memory_space<vmem>>
      %dma_start3A_398 = arith.constant 0 : i32
      %dma_start3A_399 = tpu.memref_slice %arg2[%select_n3A, %dma_start3A_391, %dma_start3A_398] : memref<13x32x100000xf32, #tpu.memory_space<hbm>> -> memref<1x1x100000xf32, #tpu.memory_space<hbm>>
      %dma_start3A_400 = tpu.memref_squeeze %dma_start3A_399 : memref<1x1x100000xf32, #tpu.memory_space<hbm>> -> memref<100000xf32, #tpu.memory_space<hbm>>
      %dma_start3A_401 = arith.constant 0 : i32
      %dma_start3A_402 = tpu.memref_slice %dma_start3A_400[%dma_start3A_401] : memref<100000xf32, #tpu.memory_space<hbm>> -> memref<100000xf32, #tpu.memory_space<hbm>>
      tpu.enqueue_indirect_dma source(%dma_start3A_402 : memref<100000xf32, #tpu.memory_space<hbm>>) target(%dma_start3A_394 : memref<128xf32, #tpu.memory_space<vmem>>) offsets(%dma_start3A_397 : memref<128xi32, #tpu.memory_space<vmem>>) semaphore(%arg7 : memref<!tpu.dma_semaphore, #tpu.memory_space<semaphore_mem>>)
      %mul3A_403 = arith.constant 128 : i32
      %mul3A_404 = arith.muli %scan3A_20, %mul3A_403 : i32
      %dma_start3A_405 = arith.constant 26 : i32
      %dma_start3A_406 = arith.constant 26 : i32
      %dma_start3A_407 = tpu.memref_slice %arg6[%dma_start3A_406, %mul3A_404] : memref<32x1664xf32, #tpu.memory_space<vmem>> -> memref<1x128xf32, #tpu.memory_space<vmem>>
      %dma_start3A_408 = tpu.memref_squeeze %dma_start3A_407 : memref<1x128xf32, #tpu.memory_space<vmem>> -> memref<128xf32, #tpu.memory_space<vmem>>
      %dma_start3A_409 = arith.constant 0 : i32
      %dma_start3A_410 = tpu.memref_slice %arg5[%scan3A_20, %dma_start3A_409] : memref<13x128xi32, #tpu.memory_space<vmem>> -> memref<1x128xi32, #tpu.memory_space<vmem>>
      %dma_start3A_411 = tpu.memref_squeeze %dma_start3A_410 : memref<1x128xi32, #tpu.memory_space<vmem>> -> memref<128xi32, #tpu.memory_space<vmem>>
      %dma_start3A_412 = arith.constant 0 : i32
      %dma_start3A_413 = tpu.memref_slice %arg2[%select_n3A, %dma_start3A_405, %dma_start3A_412] : memref<13x32x100000xf32, #tpu.memory_space<hbm>> -> memref<1x1x100000xf32, #tpu.memory_space<hbm>>
      %dma_start3A_414 = tpu.memref_squeeze %dma_start3A_413 : memref<1x1x100000xf32, #tpu.memory_space<hbm>> -> memref<100000xf32, #tpu.memory_space<hbm>>
      %dma_start3A_415 = arith.constant 0 : i32
      %dma_start3A_416 = tpu.memref_slice %dma_start3A_414[%dma_start3A_415] : memref<100000xf32, #tpu.memory_space<hbm>> -> memref<100000xf32, #tpu.memory_space<hbm>>
      tpu.enqueue_indirect_dma source(%dma_start3A_416 : memref<100000xf32, #tpu.memory_space<hbm>>) target(%dma_start3A_408 : memref<128xf32, #tpu.memory_space<vmem>>) offsets(%dma_start3A_411 : memref<128xi32, #tpu.memory_space<vmem>>) semaphore(%arg7 : memref<!tpu.dma_semaphore, #tpu.memory_space<semaphore_mem>>)
      %mul3A_417 = arith.constant 128 : i32
      %mul3A_418 = arith.muli %scan3A_20, %mul3A_417 : i32
      %dma_start3A_419 = arith.constant 27 : i32
      %dma_start3A_420 = arith.constant 27 : i32
      %dma_start3A_421 = tpu.memref_slice %arg6[%dma_start3A_420, %mul3A_418] : memref<32x1664xf32, #tpu.memory_space<vmem>> -> memref<1x128xf32, #tpu.memory_space<vmem>>
      %dma_start3A_422 = tpu.memref_squeeze %dma_start3A_421 : memref<1x128xf32, #tpu.memory_space<vmem>> -> memref<128xf32, #tpu.memory_space<vmem>>
      %dma_start3A_423 = arith.constant 0 : i32
      %dma_start3A_424 = tpu.memref_slice %arg5[%scan3A_20, %dma_start3A_423] : memref<13x128xi32, #tpu.memory_space<vmem>> -> memref<1x128xi32, #tpu.memory_space<vmem>>
      %dma_start3A_425 = tpu.memref_squeeze %dma_start3A_424 : memref<1x128xi32, #tpu.memory_space<vmem>> -> memref<128xi32, #tpu.memory_space<vmem>>
      %dma_start3A_426 = arith.constant 0 : i32
      %dma_start3A_427 = tpu.memref_slice %arg2[%select_n3A, %dma_start3A_419, %dma_start3A_426] : memref<13x32x100000xf32, #tpu.memory_space<hbm>> -> memref<1x1x100000xf32, #tpu.memory_space<hbm>>
      %dma_start3A_428 = tpu.memref_squeeze %dma_start3A_427 : memref<1x1x100000xf32, #tpu.memory_space<hbm>> -> memref<100000xf32, #tpu.memory_space<hbm>>
      %dma_start3A_429 = arith.constant 0 : i32
      %dma_start3A_430 = tpu.memref_slice %dma_start3A_428[%dma_start3A_429] : memref<100000xf32, #tpu.memory_space<hbm>> -> memref<100000xf32, #tpu.memory_space<hbm>>
      tpu.enqueue_indirect_dma source(%dma_start3A_430 : memref<100000xf32, #tpu.memory_space<hbm>>) target(%dma_start3A_422 : memref<128xf32, #tpu.memory_space<vmem>>) offsets(%dma_start3A_425 : memref<128xi32, #tpu.memory_space<vmem>>) semaphore(%arg7 : memref<!tpu.dma_semaphore, #tpu.memory_space<semaphore_mem>>)
      %mul3A_431 = arith.constant 128 : i32
      %mul3A_432 = arith.muli %scan3A_20, %mul3A_431 : i32
      %dma_start3A_433 = arith.constant 28 : i32
      %dma_start3A_434 = arith.constant 28 : i32
      %dma_start3A_435 = tpu.memref_slice %arg6[%dma_start3A_434, %mul3A_432] : memref<32x1664xf32, #tpu.memory_space<vmem>> -> memref<1x128xf32, #tpu.memory_space<vmem>>
      %dma_start3A_436 = tpu.memref_squeeze %dma_start3A_435 : memref<1x128xf32, #tpu.memory_space<vmem>> -> memref<128xf32, #tpu.memory_space<vmem>>
      %dma_start3A_437 = arith.constant 0 : i32
      %dma_start3A_438 = tpu.memref_slice %arg5[%scan3A_20, %dma_start3A_437] : memref<13x128xi32, #tpu.memory_space<vmem>> -> memref<1x128xi32, #tpu.memory_space<vmem>>
      %dma_start3A_439 = tpu.memref_squeeze %dma_start3A_438 : memref<1x128xi32, #tpu.memory_space<vmem>> -> memref<128xi32, #tpu.memory_space<vmem>>
      %dma_start3A_440 = arith.constant 0 : i32
      %dma_start3A_441 = tpu.memref_slice %arg2[%select_n3A, %dma_start3A_433, %dma_start3A_440] : memref<13x32x100000xf32, #tpu.memory_space<hbm>> -> memref<1x1x100000xf32, #tpu.memory_space<hbm>>
      %dma_start3A_442 = tpu.memref_squeeze %dma_start3A_441 : memref<1x1x100000xf32, #tpu.memory_space<hbm>> -> memref<100000xf32, #tpu.memory_space<hbm>>
      %dma_start3A_443 = arith.constant 0 : i32
      %dma_start3A_444 = tpu.memref_slice %dma_start3A_442[%dma_start3A_443] : memref<100000xf32, #tpu.memory_space<hbm>> -> memref<100000xf32, #tpu.memory_space<hbm>>
      tpu.enqueue_indirect_dma source(%dma_start3A_444 : memref<100000xf32, #tpu.memory_space<hbm>>) target(%dma_start3A_436 : memref<128xf32, #tpu.memory_space<vmem>>) offsets(%dma_start3A_439 : memref<128xi32, #tpu.memory_space<vmem>>) semaphore(%arg7 : memref<!tpu.dma_semaphore, #tpu.memory_space<semaphore_mem>>)
      %mul3A_445 = arith.constant 128 : i32
      %mul3A_446 = arith.muli %scan3A_20, %mul3A_445 : i32
      %dma_start3A_447 = arith.constant 29 : i32
      %dma_start3A_448 = arith.constant 29 : i32
      %dma_start3A_449 = tpu.memref_slice %arg6[%dma_start3A_448, %mul3A_446] : memref<32x1664xf32, #tpu.memory_space<vmem>> -> memref<1x128xf32, #tpu.memory_space<vmem>>
      %dma_start3A_450 = tpu.memref_squeeze %dma_start3A_449 : memref<1x128xf32, #tpu.memory_space<vmem>> -> memref<128xf32, #tpu.memory_space<vmem>>
      %dma_start3A_451 = arith.constant 0 : i32
      %dma_start3A_452 = tpu.memref_slice %arg5[%scan3A_20, %dma_start3A_451] : memref<13x128xi32, #tpu.memory_space<vmem>> -> memref<1x128xi32, #tpu.memory_space<vmem>>
      %dma_start3A_453 = tpu.memref_squeeze %dma_start3A_452 : memref<1x128xi32, #tpu.memory_space<vmem>> -> memref<128xi32, #tpu.memory_space<vmem>>
      %dma_start3A_454 = arith.constant 0 : i32
      %dma_start3A_455 = tpu.memref_slice %arg2[%select_n3A, %dma_start3A_447, %dma_start3A_454] : memref<13x32x100000xf32, #tpu.memory_space<hbm>> -> memref<1x1x100000xf32, #tpu.memory_space<hbm>>
      %dma_start3A_456 = tpu.memref_squeeze %dma_start3A_455 : memref<1x1x100000xf32, #tpu.memory_space<hbm>> -> memref<100000xf32, #tpu.memory_space<hbm>>
      %dma_start3A_457 = arith.constant 0 : i32
      %dma_start3A_458 = tpu.memref_slice %dma_start3A_456[%dma_start3A_457] : memref<100000xf32, #tpu.memory_space<hbm>> -> memref<100000xf32, #tpu.memory_space<hbm>>
      tpu.enqueue_indirect_dma source(%dma_start3A_458 : memref<100000xf32, #tpu.memory_space<hbm>>) target(%dma_start3A_450 : memref<128xf32, #tpu.memory_space<vmem>>) offsets(%dma_start3A_453 : memref<128xi32, #tpu.memory_space<vmem>>) semaphore(%arg7 : memref<!tpu.dma_semaphore, #tpu.memory_space<semaphore_mem>>)
      %mul3A_459 = arith.constant 128 : i32
      %mul3A_460 = arith.muli %scan3A_20, %mul3A_459 : i32
      %dma_start3A_461 = arith.constant 30 : i32
      %dma_start3A_462 = arith.constant 30 : i32
      %dma_start3A_463 = tpu.memref_slice %arg6[%dma_start3A_462, %mul3A_460] : memref<32x1664xf32, #tpu.memory_space<vmem>> -> memref<1x128xf32, #tpu.memory_space<vmem>>
      %dma_start3A_464 = tpu.memref_squeeze %dma_start3A_463 : memref<1x128xf32, #tpu.memory_space<vmem>> -> memref<128xf32, #tpu.memory_space<vmem>>
      %dma_start3A_465 = arith.constant 0 : i32
      %dma_start3A_466 = tpu.memref_slice %arg5[%scan3A_20, %dma_start3A_465] : memref<13x128xi32, #tpu.memory_space<vmem>> -> memref<1x128xi32, #tpu.memory_space<vmem>>
      %dma_start3A_467 = tpu.memref_squeeze %dma_start3A_466 : memref<1x128xi32, #tpu.memory_space<vmem>> -> memref<128xi32, #tpu.memory_space<vmem>>
      %dma_start3A_468 = arith.constant 0 : i32
      %dma_start3A_469 = tpu.memref_slice %arg2[%select_n3A, %dma_start3A_461, %dma_start3A_468] : memref<13x32x100000xf32, #tpu.memory_space<hbm>> -> memref<1x1x100000xf32, #tpu.memory_space<hbm>>
      %dma_start3A_470 = tpu.memref_squeeze %dma_start3A_469 : memref<1x1x100000xf32, #tpu.memory_space<hbm>> -> memref<100000xf32, #tpu.memory_space<hbm>>
      %dma_start3A_471 = arith.constant 0 : i32
      %dma_start3A_472 = tpu.memref_slice %dma_start3A_470[%dma_start3A_471] : memref<100000xf32, #tpu.memory_space<hbm>> -> memref<100000xf32, #tpu.memory_space<hbm>>
      tpu.enqueue_indirect_dma source(%dma_start3A_472 : memref<100000xf32, #tpu.memory_space<hbm>>) target(%dma_start3A_464 : memref<128xf32, #tpu.memory_space<vmem>>) offsets(%dma_start3A_467 : memref<128xi32, #tpu.memory_space<vmem>>) semaphore(%arg7 : memref<!tpu.dma_semaphore, #tpu.memory_space<semaphore_mem>>)
      %mul3A_473 = arith.constant 128 : i32
      %mul3A_474 = arith.muli %scan3A_20, %mul3A_473 : i32
      %dma_start3A_475 = arith.constant 31 : i32
      %dma_start3A_476 = arith.constant 31 : i32
      %dma_start3A_477 = tpu.memref_slice %arg6[%dma_start3A_476, %mul3A_474] : memref<32x1664xf32, #tpu.memory_space<vmem>> -> memref<1x128xf32, #tpu.memory_space<vmem>>
      %dma_start3A_478 = tpu.memref_squeeze %dma_start3A_477 : memref<1x128xf32, #tpu.memory_space<vmem>> -> memref<128xf32, #tpu.memory_space<vmem>>
      %dma_start3A_479 = arith.constant 0 : i32
      %dma_start3A_480 = tpu.memref_slice %arg5[%scan3A_20, %dma_start3A_479] : memref<13x128xi32, #tpu.memory_space<vmem>> -> memref<1x128xi32, #tpu.memory_space<vmem>>
      %dma_start3A_481 = tpu.memref_squeeze %dma_start3A_480 : memref<1x128xi32, #tpu.memory_space<vmem>> -> memref<128xi32, #tpu.memory_space<vmem>>
      %dma_start3A_482 = arith.constant 0 : i32
      %dma_start3A_483 = tpu.memref_slice %arg2[%select_n3A, %dma_start3A_475, %dma_start3A_482] : memref<13x32x100000xf32, #tpu.memory_space<hbm>> -> memref<1x1x100000xf32, #tpu.memory_space<hbm>>
      %dma_start3A_484 = tpu.memref_squeeze %dma_start3A_483 : memref<1x1x100000xf32, #tpu.memory_space<hbm>> -> memref<100000xf32, #tpu.memory_space<hbm>>
      %dma_start3A_485 = arith.constant 0 : i32
      %dma_start3A_486 = tpu.memref_slice %dma_start3A_484[%dma_start3A_485] : memref<100000xf32, #tpu.memory_space<hbm>> -> memref<100000xf32, #tpu.memory_space<hbm>>
      tpu.enqueue_indirect_dma source(%dma_start3A_486 : memref<100000xf32, #tpu.memory_space<hbm>>) target(%dma_start3A_478 : memref<128xf32, #tpu.memory_space<vmem>>) offsets(%dma_start3A_481 : memref<128xi32, #tpu.memory_space<vmem>>) semaphore(%arg7 : memref<!tpu.dma_semaphore, #tpu.memory_space<semaphore_mem>>)
    }
    %scan3A_6 = arith.constant 13 : i32
    %dma_wait3A = arith.constant 0 : i32
    %dma_wait3A_7 = arith.constant 0 : i32
    %dma_wait3A_8 = arith.constant 0 : i32
    %dma_wait3A_9 = tpu.memref_slice %arg4[%dma_wait3A, %dma_wait3A_7, %dma_wait3A_8] : memref<13x32x4096xf32, #tpu.memory_space<hbm>> -> memref<1x32x1664xf32, #tpu.memory_space<hbm>>
    %dma_wait3A_10 = tpu.memref_squeeze %dma_wait3A_9 : memref<1x32x1664xf32, #tpu.memory_space<hbm>> -> memref<32x1664xf32, #tpu.memory_space<hbm>>
    %dma_wait3A_11 = arith.constant 0 : i32
    %dma_wait3A_12 = arith.constant 0 : i32
    %dma_wait3A_13 = tpu.memref_slice %arg4[%dma_wait3A, %dma_wait3A_11, %dma_wait3A_12] : memref<13x32x4096xf32, #tpu.memory_space<hbm>> -> memref<1x32x1664xf32, #tpu.memory_space<hbm>>
    %dma_wait3A_14 = tpu.memref_squeeze %dma_wait3A_13 : memref<1x32x1664xf32, #tpu.memory_space<hbm>> -> memref<32x1664xf32, #tpu.memory_space<hbm>>
    tpu.wait_dma2 semaphore(%arg7 : memref<!tpu.dma_semaphore, #tpu.memory_space<semaphore_mem>>) src(%dma_wait3A_14 : memref<32x1664xf32, #tpu.memory_space<hbm>>) dst(%arg6 : memref<32x1664xf32, #tpu.memory_space<vmem>>)
    %scan3A_15 = arith.constant 0 : i32
    %scan3A_16 = arith.constant 13 : i32
    %scan3A_17 = arith.addi %scan3A_15, %scan3A_16 : i32
    %scan3A_18 = arith.constant 1 : i32
    scf.for %scan3A_20 = %scan3A_15 to %scan3A_17 step %scan3A_18  : i32 {
      %mul3A_21 = arith.constant 128 : i32
      %mul3A_22 = arith.muli %scan3A_20, %mul3A_21 : i32
      %add3A_23 = arith.addi %mul3A_2, %mul3A_22 : i32
      %jit3A = arith.constant 4096 : i32
      %div3A = arith.divsi %add3A_23, %jit3A : i32
      %sign3A = arith.constant 0 : i32
      %sign3A_24 = arith.cmpi sgt, %add3A_23, %sign3A : i32
      %sign3A_25 = arith.extui %sign3A_24 : i1 to i32
      %sign3A_26 = arith.constant 0 : i32
      %sign3A_27 = arith.cmpi slt, %add3A_23, %sign3A_26 : i32
      %sign3A_28 = arith.extui %sign3A_27 : i1 to i32
      %sign3A_29 = arith.subi %sign3A_25, %sign3A_28 : i32
      %sign3A_30 = arith.constant 0 : i32
      %sign3A_31 = arith.cmpi sgt, %jit3A, %sign3A_30 : i32
      %sign3A_32 = arith.extui %sign3A_31 : i1 to i32
      %sign3A_33 = arith.constant 0 : i32
      %sign3A_34 = arith.cmpi slt, %jit3A, %sign3A_33 : i32
      %sign3A_35 = arith.extui %sign3A_34 : i1 to i32
      %sign3A_36 = arith.subi %sign3A_32, %sign3A_35 : i32
      %ne3A = arith.cmpi ne, %sign3A_29, %sign3A_36 : i32
      %rem3A = arith.remsi %add3A_23, %jit3A : i32
      %ne3A_37 = arith.constant 0 : i32
      %ne3A_38 = arith.cmpi ne, %rem3A, %ne3A_37 : i32
      %and3A = arith.andi %ne3A, %ne3A_38 : i1
      %sub3A = arith.constant 1 : i32
      %sub3A_39 = arith.subi %div3A, %sub3A : i32
      %select_n3A = arith.select %and3A, %sub3A_39, %div3A : i32
      %mul3A_40 = arith.constant 4096 : i32
      %mul3A_41 = arith.muli %select_n3A, %mul3A_40 : i32
      %sub3A_42 = arith.subi %add3A_23, %mul3A_41 : i32
      %mul3A_43 = arith.constant 128 : i32
      %mul3A_44 = arith.muli %scan3A_20, %mul3A_43 : i32
      "tpu.region"() ({
        %run_scoped3A = tpu.sem_alloc : memref<!tpu.dma_semaphore, #tpu.memory_space<semaphore_mem>>
        %dma_start3A = arith.constant 0 : i32
        %dma_start3A_45 = tpu.memref_slice %arg6[%dma_start3A, %mul3A_44] : memref<32x1664xf32, #tpu.memory_space<vmem>> -> memref<32x128xf32, #tpu.memory_space<vmem>>
        %dma_start3A_46 = arith.constant 0 : i32
        %dma_start3A_47 = tpu.memref_slice %arg4[%select_n3A, %dma_start3A_46, %sub3A_42] : memref<13x32x4096xf32, #tpu.memory_space<hbm>> -> memref<1x32x128xf32, #tpu.memory_space<hbm>>
        %dma_start3A_48 = tpu.memref_squeeze %dma_start3A_47 : memref<1x32x128xf32, #tpu.memory_space<hbm>> -> memref<32x128xf32, #tpu.memory_space<hbm>>
        %dma_start3A_49 = arith.constant 0 : i32
        %dma_start3A_50 = tpu.memref_slice %arg4[%select_n3A, %dma_start3A_49, %sub3A_42] : memref<13x32x4096xf32, #tpu.memory_space<hbm>> -> memref<1x32x128xf32, #tpu.memory_space<hbm>>
        %dma_start3A_51 = tpu.memref_squeeze %dma_start3A_50 : memref<1x32x128xf32, #tpu.memory_space<hbm>> -> memref<32x128xf32, #tpu.memory_space<hbm>>
        %dma_start3A_52 = arith.constant 0 : i32
        %dma_start3A_53 = tpu.memref_slice %arg6[%dma_start3A_52, %mul3A_44] : memref<32x1664xf32, #tpu.memory_space<vmem>> -> memref<32x128xf32, #tpu.memory_space<vmem>>
        tpu.enqueue_dma source(%dma_start3A_53 : memref<32x128xf32, #tpu.memory_space<vmem>>) target(%dma_start3A_51 : memref<32x128xf32, #tpu.memory_space<hbm>>) target_semaphore(%run_scoped3A : memref<!tpu.dma_semaphore, #tpu.memory_space<semaphore_mem>>)
        %dma_wait3A_54 = arith.constant 0 : i32
        %dma_wait3A_55 = tpu.memref_slice %arg6[%dma_wait3A_54, %mul3A_44] : memref<32x1664xf32, #tpu.memory_space<vmem>> -> memref<32x128xf32, #tpu.memory_space<vmem>>
        %dma_wait3A_56 = arith.constant 0 : i32
        %dma_wait3A_57 = tpu.memref_slice %arg4[%select_n3A, %dma_wait3A_56, %sub3A_42] : memref<13x32x4096xf32, #tpu.memory_space<hbm>> -> memref<1x32x128xf32, #tpu.memory_space<hbm>>
        %dma_wait3A_58 = tpu.memref_squeeze %dma_wait3A_57 : memref<1x32x128xf32, #tpu.memory_space<hbm>> -> memref<32x128xf32, #tpu.memory_space<hbm>>
        %dma_wait3A_59 = arith.constant 0 : i32
        %dma_wait3A_60 = tpu.memref_slice %arg4[%select_n3A, %dma_wait3A_59, %sub3A_42] : memref<13x32x4096xf32, #tpu.memory_space<hbm>> -> memref<1x32x128xf32, #tpu.memory_space<hbm>>
        %dma_wait3A_61 = tpu.memref_squeeze %dma_wait3A_60 : memref<1x32x128xf32, #tpu.memory_space<hbm>> -> memref<32x128xf32, #tpu.memory_space<hbm>>
        %dma_wait3A_62 = arith.constant 0 : i32
        %dma_wait3A_63 = tpu.memref_slice %arg6[%dma_wait3A_62, %mul3A_44] : memref<32x1664xf32, #tpu.memory_space<vmem>> -> memref<32x128xf32, #tpu.memory_space<vmem>>
        tpu.wait_dma2 semaphore(%run_scoped3A : memref<!tpu.dma_semaphore, #tpu.memory_space<semaphore_mem>>) src(%dma_wait3A_63 : memref<32x128xf32, #tpu.memory_space<vmem>>) dst(%dma_wait3A_61 : memref<32x128xf32, #tpu.memory_space<hbm>>)
        tpu.yield
      }) : () -> ()
    }
    %scan3A_19 = arith.constant 13 : i32
    return
  }
}

#map = affine_map<(d0, d1) -> (0, 0, 0)>
module attributes {stable_mosaic.version = 14 : i64} {
  func.func @emb_gather_s0(%arg0: i32, %arg1: i32, %arg2: memref<13x32x100000xf32, #tpu.memory_space<hbm>>, %arg3: memref<32x13x128xi32, #tpu.memory_space<hbm>>, %arg4: memref<13x32x4096xf32, #tpu.memory_space<hbm>>, %arg5: memref<13x128xi32, #tpu.memory_space<vmem>>, %arg6: memref<32x1664xf32, #tpu.memory_space<vmem>>, %arg7: memref<!tpu.dma_semaphore, #tpu.memory_space<semaphore_mem>>) attributes {dimension_semantics = [#tpu.dimension_semantics<core_parallel>, #tpu.dimension_semantics<subcore_parallel>], iteration_bounds = array<i64: 2, 16>, scalar_prefetch = 0 : i64, scratch_operands = 3 : i64, tpu.core_type = #tpu.core_type<sc_vector_subcore>, window_params = [{transform_indices = #map}, {transform_indices = #map}, {transform_indices = #map}]} {
    %mul3A = arith.constant 2 : i32
    %mul3A_0 = arith.muli %arg1, %mul3A : i32
    %add3A = arith.addi %mul3A_0, %arg0 : i32
    %mul3A_1 = arith.constant 1664 : i32
    %mul3A_2 = arith.muli %add3A, %mul3A_1 : i32
    "tpu.region"() ({
      %run_scoped3A = tpu.sem_alloc : memref<!tpu.dma_semaphore, #tpu.memory_space<semaphore_mem>>
      %dma_start3A = arith.constant 0 : i32
      %dma_start3A_20 = arith.constant 0 : i32
      %dma_start3A_21 = tpu.memref_slice %arg3[%add3A, %dma_start3A, %dma_start3A_20] : memref<32x13x128xi32, #tpu.memory_space<hbm>> -> memref<1x13x128xi32, #tpu.memory_space<hbm>>
      %dma_start3A_22 = tpu.memref_squeeze %dma_start3A_21 : memref<1x13x128xi32, #tpu.memory_space<hbm>> -> memref<13x128xi32, #tpu.memory_space<hbm>>
      %dma_start3A_23 = arith.constant 0 : i32
      %dma_start3A_24 = arith.constant 0 : i32
      %dma_start3A_25 = tpu.memref_slice %arg3[%add3A, %dma_start3A_23, %dma_start3A_24] : memref<32x13x128xi32, #tpu.memory_space<hbm>> -> memref<1x13x128xi32, #tpu.memory_space<hbm>>
      %dma_start3A_26 = tpu.memref_squeeze %dma_start3A_25 : memref<1x13x128xi32, #tpu.memory_space<hbm>> -> memref<13x128xi32, #tpu.memory_space<hbm>>
      tpu.enqueue_dma source(%dma_start3A_26 : memref<13x128xi32, #tpu.memory_space<hbm>>) target(%arg5 : memref<13x128xi32, #tpu.memory_space<vmem>>) target_semaphore(%run_scoped3A : memref<!tpu.dma_semaphore, #tpu.memory_space<semaphore_mem>>)
      %dma_wait3A_27 = arith.constant 0 : i32
      %dma_wait3A_28 = arith.constant 0 : i32
      %dma_wait3A_29 = tpu.memref_slice %arg3[%add3A, %dma_wait3A_27, %dma_wait3A_28] : memref<32x13x128xi32, #tpu.memory_space<hbm>> -> memref<1x13x128xi32, #tpu.memory_space<hbm>>
      %dma_wait3A_30 = tpu.memref_squeeze %dma_wait3A_29 : memref<1x13x128xi32, #tpu.memory_space<hbm>> -> memref<13x128xi32, #tpu.memory_space<hbm>>
      %dma_wait3A_31 = arith.constant 0 : i32
      %dma_wait3A_32 = arith.constant 0 : i32
      %dma_wait3A_33 = tpu.memref_slice %arg3[%add3A, %dma_wait3A_31, %dma_wait3A_32] : memref<32x13x128xi32, #tpu.memory_space<hbm>> -> memref<1x13x128xi32, #tpu.memory_space<hbm>>
      %dma_wait3A_34 = tpu.memref_squeeze %dma_wait3A_33 : memref<1x13x128xi32, #tpu.memory_space<hbm>> -> memref<13x128xi32, #tpu.memory_space<hbm>>
      tpu.wait_dma2 semaphore(%run_scoped3A : memref<!tpu.dma_semaphore, #tpu.memory_space<semaphore_mem>>) src(%dma_wait3A_34 : memref<13x128xi32, #tpu.memory_space<hbm>>) dst(%arg5 : memref<13x128xi32, #tpu.memory_space<vmem>>)
      tpu.yield
    }) : () -> ()
    %scan3A = arith.constant 0 : i32
    %scan3A_3 = arith.constant 13 : i32
    %scan3A_4 = arith.addi %scan3A, %scan3A_3 : i32
    %scan3A_5 = arith.constant 1 : i32
    scf.for %scan3A_20 = %scan3A to %scan3A_4 step %scan3A_5  : i32 {
      %mul3A_21 = arith.constant 128 : i32
      %mul3A_22 = arith.muli %scan3A_20, %mul3A_21 : i32
      %add3A_23 = arith.addi %mul3A_2, %mul3A_22 : i32
      %jit3A = arith.constant 4096 : i32
      %div3A = arith.divsi %add3A_23, %jit3A : i32
      %sign3A = arith.constant 0 : i32
      %sign3A_24 = arith.cmpi sgt, %add3A_23, %sign3A : i32
      %sign3A_25 = arith.extui %sign3A_24 : i1 to i32
      %sign3A_26 = arith.constant 0 : i32
      %sign3A_27 = arith.cmpi slt, %add3A_23, %sign3A_26 : i32
      %sign3A_28 = arith.extui %sign3A_27 : i1 to i32
      %sign3A_29 = arith.subi %sign3A_25, %sign3A_28 : i32
      %sign3A_30 = arith.constant 0 : i32
      %sign3A_31 = arith.cmpi sgt, %jit3A, %sign3A_30 : i32
      %sign3A_32 = arith.extui %sign3A_31 : i1 to i32
      %sign3A_33 = arith.constant 0 : i32
      %sign3A_34 = arith.cmpi slt, %jit3A, %sign3A_33 : i32
      %sign3A_35 = arith.extui %sign3A_34 : i1 to i32
      %sign3A_36 = arith.subi %sign3A_32, %sign3A_35 : i32
      %ne3A = arith.cmpi ne, %sign3A_29, %sign3A_36 : i32
      %rem3A = arith.remsi %add3A_23, %jit3A : i32
      %ne3A_37 = arith.constant 0 : i32
      %ne3A_38 = arith.cmpi ne, %rem3A, %ne3A_37 : i32
      %and3A = arith.andi %ne3A, %ne3A_38 : i1
      %sub3A = arith.constant 1 : i32
      %sub3A_39 = arith.subi %div3A, %sub3A : i32
      %select_n3A = arith.select %and3A, %sub3A_39, %div3A : i32
      %mul3A_40 = arith.constant 128 : i32
      %mul3A_41 = arith.muli %scan3A_20, %mul3A_40 : i32
      %dma_start3A = arith.constant 0 : i32
      %dma_start3A_42 = arith.constant 0 : i32
      %dma_start3A_43 = tpu.memref_slice %arg6[%dma_start3A_42, %mul3A_41] : memref<32x1664xf32, #tpu.memory_space<vmem>> -> memref<1x128xf32, #tpu.memory_space<vmem>>
      %dma_start3A_44 = tpu.memref_squeeze %dma_start3A_43 : memref<1x128xf32, #tpu.memory_space<vmem>> -> memref<128xf32, #tpu.memory_space<vmem>>
      %dma_start3A_45 = arith.constant 0 : i32
      %dma_start3A_46 = tpu.memref_slice %arg5[%scan3A_20, %dma_start3A_45] : memref<13x128xi32, #tpu.memory_space<vmem>> -> memref<1x128xi32, #tpu.memory_space<vmem>>
      %dma_start3A_47 = tpu.memref_squeeze %dma_start3A_46 : memref<1x128xi32, #tpu.memory_space<vmem>> -> memref<128xi32, #tpu.memory_space<vmem>>
      %dma_start3A_48 = arith.constant 0 : i32
      %dma_start3A_49 = tpu.memref_slice %arg2[%select_n3A, %dma_start3A, %dma_start3A_48] : memref<13x32x100000xf32, #tpu.memory_space<hbm>> -> memref<1x1x100000xf32, #tpu.memory_space<hbm>>
      %dma_start3A_50 = tpu.memref_squeeze %dma_start3A_49 : memref<1x1x100000xf32, #tpu.memory_space<hbm>> -> memref<100000xf32, #tpu.memory_space<hbm>>
      %dma_start3A_51 = arith.constant 0 : i32
      %dma_start3A_52 = tpu.memref_slice %dma_start3A_50[%dma_start3A_51] : memref<100000xf32, #tpu.memory_space<hbm>> -> memref<100000xf32, #tpu.memory_space<hbm>>
      tpu.enqueue_indirect_dma source(%dma_start3A_52 : memref<100000xf32, #tpu.memory_space<hbm>>) target(%dma_start3A_44 : memref<128xf32, #tpu.memory_space<vmem>>) offsets(%dma_start3A_47 : memref<128xi32, #tpu.memory_space<vmem>>) semaphore(%arg7 : memref<!tpu.dma_semaphore, #tpu.memory_space<semaphore_mem>>)
      %mul3A_53 = arith.constant 128 : i32
      %mul3A_54 = arith.muli %scan3A_20, %mul3A_53 : i32
      %dma_start3A_55 = arith.constant 1 : i32
      %dma_start3A_56 = arith.constant 1 : i32
      %dma_start3A_57 = tpu.memref_slice %arg6[%dma_start3A_56, %mul3A_54] : memref<32x1664xf32, #tpu.memory_space<vmem>> -> memref<1x128xf32, #tpu.memory_space<vmem>>
      %dma_start3A_58 = tpu.memref_squeeze %dma_start3A_57 : memref<1x128xf32, #tpu.memory_space<vmem>> -> memref<128xf32, #tpu.memory_space<vmem>>
      %dma_start3A_59 = arith.constant 0 : i32
      %dma_start3A_60 = tpu.memref_slice %arg5[%scan3A_20, %dma_start3A_59] : memref<13x128xi32, #tpu.memory_space<vmem>> -> memref<1x128xi32, #tpu.memory_space<vmem>>
      %dma_start3A_61 = tpu.memref_squeeze %dma_start3A_60 : memref<1x128xi32, #tpu.memory_space<vmem>> -> memref<128xi32, #tpu.memory_space<vmem>>
      %dma_start3A_62 = arith.constant 0 : i32
      %dma_start3A_63 = tpu.memref_slice %arg2[%select_n3A, %dma_start3A_55, %dma_start3A_62] : memref<13x32x100000xf32, #tpu.memory_space<hbm>> -> memref<1x1x100000xf32, #tpu.memory_space<hbm>>
      %dma_start3A_64 = tpu.memref_squeeze %dma_start3A_63 : memref<1x1x100000xf32, #tpu.memory_space<hbm>> -> memref<100000xf32, #tpu.memory_space<hbm>>
      %dma_start3A_65 = arith.constant 0 : i32
      %dma_start3A_66 = tpu.memref_slice %dma_start3A_64[%dma_start3A_65] : memref<100000xf32, #tpu.memory_space<hbm>> -> memref<100000xf32, #tpu.memory_space<hbm>>
      tpu.enqueue_indirect_dma source(%dma_start3A_66 : memref<100000xf32, #tpu.memory_space<hbm>>) target(%dma_start3A_58 : memref<128xf32, #tpu.memory_space<vmem>>) offsets(%dma_start3A_61 : memref<128xi32, #tpu.memory_space<vmem>>) semaphore(%arg7 : memref<!tpu.dma_semaphore, #tpu.memory_space<semaphore_mem>>)
      %mul3A_67 = arith.constant 128 : i32
      %mul3A_68 = arith.muli %scan3A_20, %mul3A_67 : i32
      %dma_start3A_69 = arith.constant 2 : i32
      %dma_start3A_70 = arith.constant 2 : i32
      %dma_start3A_71 = tpu.memref_slice %arg6[%dma_start3A_70, %mul3A_68] : memref<32x1664xf32, #tpu.memory_space<vmem>> -> memref<1x128xf32, #tpu.memory_space<vmem>>
      %dma_start3A_72 = tpu.memref_squeeze %dma_start3A_71 : memref<1x128xf32, #tpu.memory_space<vmem>> -> memref<128xf32, #tpu.memory_space<vmem>>
      %dma_start3A_73 = arith.constant 0 : i32
      %dma_start3A_74 = tpu.memref_slice %arg5[%scan3A_20, %dma_start3A_73] : memref<13x128xi32, #tpu.memory_space<vmem>> -> memref<1x128xi32, #tpu.memory_space<vmem>>
      %dma_start3A_75 = tpu.memref_squeeze %dma_start3A_74 : memref<1x128xi32, #tpu.memory_space<vmem>> -> memref<128xi32, #tpu.memory_space<vmem>>
      %dma_start3A_76 = arith.constant 0 : i32
      %dma_start3A_77 = tpu.memref_slice %arg2[%select_n3A, %dma_start3A_69, %dma_start3A_76] : memref<13x32x100000xf32, #tpu.memory_space<hbm>> -> memref<1x1x100000xf32, #tpu.memory_space<hbm>>
      %dma_start3A_78 = tpu.memref_squeeze %dma_start3A_77 : memref<1x1x100000xf32, #tpu.memory_space<hbm>> -> memref<100000xf32, #tpu.memory_space<hbm>>
      %dma_start3A_79 = arith.constant 0 : i32
      %dma_start3A_80 = tpu.memref_slice %dma_start3A_78[%dma_start3A_79] : memref<100000xf32, #tpu.memory_space<hbm>> -> memref<100000xf32, #tpu.memory_space<hbm>>
      tpu.enqueue_indirect_dma source(%dma_start3A_80 : memref<100000xf32, #tpu.memory_space<hbm>>) target(%dma_start3A_72 : memref<128xf32, #tpu.memory_space<vmem>>) offsets(%dma_start3A_75 : memref<128xi32, #tpu.memory_space<vmem>>) semaphore(%arg7 : memref<!tpu.dma_semaphore, #tpu.memory_space<semaphore_mem>>)
      %mul3A_81 = arith.constant 128 : i32
      %mul3A_82 = arith.muli %scan3A_20, %mul3A_81 : i32
      %dma_start3A_83 = arith.constant 3 : i32
      %dma_start3A_84 = arith.constant 3 : i32
      %dma_start3A_85 = tpu.memref_slice %arg6[%dma_start3A_84, %mul3A_82] : memref<32x1664xf32, #tpu.memory_space<vmem>> -> memref<1x128xf32, #tpu.memory_space<vmem>>
      %dma_start3A_86 = tpu.memref_squeeze %dma_start3A_85 : memref<1x128xf32, #tpu.memory_space<vmem>> -> memref<128xf32, #tpu.memory_space<vmem>>
      %dma_start3A_87 = arith.constant 0 : i32
      %dma_start3A_88 = tpu.memref_slice %arg5[%scan3A_20, %dma_start3A_87] : memref<13x128xi32, #tpu.memory_space<vmem>> -> memref<1x128xi32, #tpu.memory_space<vmem>>
      %dma_start3A_89 = tpu.memref_squeeze %dma_start3A_88 : memref<1x128xi32, #tpu.memory_space<vmem>> -> memref<128xi32, #tpu.memory_space<vmem>>
      %dma_start3A_90 = arith.constant 0 : i32
      %dma_start3A_91 = tpu.memref_slice %arg2[%select_n3A, %dma_start3A_83, %dma_start3A_90] : memref<13x32x100000xf32, #tpu.memory_space<hbm>> -> memref<1x1x100000xf32, #tpu.memory_space<hbm>>
      %dma_start3A_92 = tpu.memref_squeeze %dma_start3A_91 : memref<1x1x100000xf32, #tpu.memory_space<hbm>> -> memref<100000xf32, #tpu.memory_space<hbm>>
      %dma_start3A_93 = arith.constant 0 : i32
      %dma_start3A_94 = tpu.memref_slice %dma_start3A_92[%dma_start3A_93] : memref<100000xf32, #tpu.memory_space<hbm>> -> memref<100000xf32, #tpu.memory_space<hbm>>
      tpu.enqueue_indirect_dma source(%dma_start3A_94 : memref<100000xf32, #tpu.memory_space<hbm>>) target(%dma_start3A_86 : memref<128xf32, #tpu.memory_space<vmem>>) offsets(%dma_start3A_89 : memref<128xi32, #tpu.memory_space<vmem>>) semaphore(%arg7 : memref<!tpu.dma_semaphore, #tpu.memory_space<semaphore_mem>>)
      %mul3A_95 = arith.constant 128 : i32
      %mul3A_96 = arith.muli %scan3A_20, %mul3A_95 : i32
      %dma_start3A_97 = arith.constant 4 : i32
      %dma_start3A_98 = arith.constant 4 : i32
      %dma_start3A_99 = tpu.memref_slice %arg6[%dma_start3A_98, %mul3A_96] : memref<32x1664xf32, #tpu.memory_space<vmem>> -> memref<1x128xf32, #tpu.memory_space<vmem>>
      %dma_start3A_100 = tpu.memref_squeeze %dma_start3A_99 : memref<1x128xf32, #tpu.memory_space<vmem>> -> memref<128xf32, #tpu.memory_space<vmem>>
      %dma_start3A_101 = arith.constant 0 : i32
      %dma_start3A_102 = tpu.memref_slice %arg5[%scan3A_20, %dma_start3A_101] : memref<13x128xi32, #tpu.memory_space<vmem>> -> memref<1x128xi32, #tpu.memory_space<vmem>>
      %dma_start3A_103 = tpu.memref_squeeze %dma_start3A_102 : memref<1x128xi32, #tpu.memory_space<vmem>> -> memref<128xi32, #tpu.memory_space<vmem>>
      %dma_start3A_104 = arith.constant 0 : i32
      %dma_start3A_105 = tpu.memref_slice %arg2[%select_n3A, %dma_start3A_97, %dma_start3A_104] : memref<13x32x100000xf32, #tpu.memory_space<hbm>> -> memref<1x1x100000xf32, #tpu.memory_space<hbm>>
      %dma_start3A_106 = tpu.memref_squeeze %dma_start3A_105 : memref<1x1x100000xf32, #tpu.memory_space<hbm>> -> memref<100000xf32, #tpu.memory_space<hbm>>
      %dma_start3A_107 = arith.constant 0 : i32
      %dma_start3A_108 = tpu.memref_slice %dma_start3A_106[%dma_start3A_107] : memref<100000xf32, #tpu.memory_space<hbm>> -> memref<100000xf32, #tpu.memory_space<hbm>>
      tpu.enqueue_indirect_dma source(%dma_start3A_108 : memref<100000xf32, #tpu.memory_space<hbm>>) target(%dma_start3A_100 : memref<128xf32, #tpu.memory_space<vmem>>) offsets(%dma_start3A_103 : memref<128xi32, #tpu.memory_space<vmem>>) semaphore(%arg7 : memref<!tpu.dma_semaphore, #tpu.memory_space<semaphore_mem>>)
      %mul3A_109 = arith.constant 128 : i32
      %mul3A_110 = arith.muli %scan3A_20, %mul3A_109 : i32
      %dma_start3A_111 = arith.constant 5 : i32
      %dma_start3A_112 = arith.constant 5 : i32
      %dma_start3A_113 = tpu.memref_slice %arg6[%dma_start3A_112, %mul3A_110] : memref<32x1664xf32, #tpu.memory_space<vmem>> -> memref<1x128xf32, #tpu.memory_space<vmem>>
      %dma_start3A_114 = tpu.memref_squeeze %dma_start3A_113 : memref<1x128xf32, #tpu.memory_space<vmem>> -> memref<128xf32, #tpu.memory_space<vmem>>
      %dma_start3A_115 = arith.constant 0 : i32
      %dma_start3A_116 = tpu.memref_slice %arg5[%scan3A_20, %dma_start3A_115] : memref<13x128xi32, #tpu.memory_space<vmem>> -> memref<1x128xi32, #tpu.memory_space<vmem>>
      %dma_start3A_117 = tpu.memref_squeeze %dma_start3A_116 : memref<1x128xi32, #tpu.memory_space<vmem>> -> memref<128xi32, #tpu.memory_space<vmem>>
      %dma_start3A_118 = arith.constant 0 : i32
      %dma_start3A_119 = tpu.memref_slice %arg2[%select_n3A, %dma_start3A_111, %dma_start3A_118] : memref<13x32x100000xf32, #tpu.memory_space<hbm>> -> memref<1x1x100000xf32, #tpu.memory_space<hbm>>
      %dma_start3A_120 = tpu.memref_squeeze %dma_start3A_119 : memref<1x1x100000xf32, #tpu.memory_space<hbm>> -> memref<100000xf32, #tpu.memory_space<hbm>>
      %dma_start3A_121 = arith.constant 0 : i32
      %dma_start3A_122 = tpu.memref_slice %dma_start3A_120[%dma_start3A_121] : memref<100000xf32, #tpu.memory_space<hbm>> -> memref<100000xf32, #tpu.memory_space<hbm>>
      tpu.enqueue_indirect_dma source(%dma_start3A_122 : memref<100000xf32, #tpu.memory_space<hbm>>) target(%dma_start3A_114 : memref<128xf32, #tpu.memory_space<vmem>>) offsets(%dma_start3A_117 : memref<128xi32, #tpu.memory_space<vmem>>) semaphore(%arg7 : memref<!tpu.dma_semaphore, #tpu.memory_space<semaphore_mem>>)
      %mul3A_123 = arith.constant 128 : i32
      %mul3A_124 = arith.muli %scan3A_20, %mul3A_123 : i32
      %dma_start3A_125 = arith.constant 6 : i32
      %dma_start3A_126 = arith.constant 6 : i32
      %dma_start3A_127 = tpu.memref_slice %arg6[%dma_start3A_126, %mul3A_124] : memref<32x1664xf32, #tpu.memory_space<vmem>> -> memref<1x128xf32, #tpu.memory_space<vmem>>
      %dma_start3A_128 = tpu.memref_squeeze %dma_start3A_127 : memref<1x128xf32, #tpu.memory_space<vmem>> -> memref<128xf32, #tpu.memory_space<vmem>>
      %dma_start3A_129 = arith.constant 0 : i32
      %dma_start3A_130 = tpu.memref_slice %arg5[%scan3A_20, %dma_start3A_129] : memref<13x128xi32, #tpu.memory_space<vmem>> -> memref<1x128xi32, #tpu.memory_space<vmem>>
      %dma_start3A_131 = tpu.memref_squeeze %dma_start3A_130 : memref<1x128xi32, #tpu.memory_space<vmem>> -> memref<128xi32, #tpu.memory_space<vmem>>
      %dma_start3A_132 = arith.constant 0 : i32
      %dma_start3A_133 = tpu.memref_slice %arg2[%select_n3A, %dma_start3A_125, %dma_start3A_132] : memref<13x32x100000xf32, #tpu.memory_space<hbm>> -> memref<1x1x100000xf32, #tpu.memory_space<hbm>>
      %dma_start3A_134 = tpu.memref_squeeze %dma_start3A_133 : memref<1x1x100000xf32, #tpu.memory_space<hbm>> -> memref<100000xf32, #tpu.memory_space<hbm>>
      %dma_start3A_135 = arith.constant 0 : i32
      %dma_start3A_136 = tpu.memref_slice %dma_start3A_134[%dma_start3A_135] : memref<100000xf32, #tpu.memory_space<hbm>> -> memref<100000xf32, #tpu.memory_space<hbm>>
      tpu.enqueue_indirect_dma source(%dma_start3A_136 : memref<100000xf32, #tpu.memory_space<hbm>>) target(%dma_start3A_128 : memref<128xf32, #tpu.memory_space<vmem>>) offsets(%dma_start3A_131 : memref<128xi32, #tpu.memory_space<vmem>>) semaphore(%arg7 : memref<!tpu.dma_semaphore, #tpu.memory_space<semaphore_mem>>)
      %mul3A_137 = arith.constant 128 : i32
      %mul3A_138 = arith.muli %scan3A_20, %mul3A_137 : i32
      %dma_start3A_139 = arith.constant 7 : i32
      %dma_start3A_140 = arith.constant 7 : i32
      %dma_start3A_141 = tpu.memref_slice %arg6[%dma_start3A_140, %mul3A_138] : memref<32x1664xf32, #tpu.memory_space<vmem>> -> memref<1x128xf32, #tpu.memory_space<vmem>>
      %dma_start3A_142 = tpu.memref_squeeze %dma_start3A_141 : memref<1x128xf32, #tpu.memory_space<vmem>> -> memref<128xf32, #tpu.memory_space<vmem>>
      %dma_start3A_143 = arith.constant 0 : i32
      %dma_start3A_144 = tpu.memref_slice %arg5[%scan3A_20, %dma_start3A_143] : memref<13x128xi32, #tpu.memory_space<vmem>> -> memref<1x128xi32, #tpu.memory_space<vmem>>
      %dma_start3A_145 = tpu.memref_squeeze %dma_start3A_144 : memref<1x128xi32, #tpu.memory_space<vmem>> -> memref<128xi32, #tpu.memory_space<vmem>>
      %dma_start3A_146 = arith.constant 0 : i32
      %dma_start3A_147 = tpu.memref_slice %arg2[%select_n3A, %dma_start3A_139, %dma_start3A_146] : memref<13x32x100000xf32, #tpu.memory_space<hbm>> -> memref<1x1x100000xf32, #tpu.memory_space<hbm>>
      %dma_start3A_148 = tpu.memref_squeeze %dma_start3A_147 : memref<1x1x100000xf32, #tpu.memory_space<hbm>> -> memref<100000xf32, #tpu.memory_space<hbm>>
      %dma_start3A_149 = arith.constant 0 : i32
      %dma_start3A_150 = tpu.memref_slice %dma_start3A_148[%dma_start3A_149] : memref<100000xf32, #tpu.memory_space<hbm>> -> memref<100000xf32, #tpu.memory_space<hbm>>
      tpu.enqueue_indirect_dma source(%dma_start3A_150 : memref<100000xf32, #tpu.memory_space<hbm>>) target(%dma_start3A_142 : memref<128xf32, #tpu.memory_space<vmem>>) offsets(%dma_start3A_145 : memref<128xi32, #tpu.memory_space<vmem>>) semaphore(%arg7 : memref<!tpu.dma_semaphore, #tpu.memory_space<semaphore_mem>>)
      %mul3A_151 = arith.constant 128 : i32
      %mul3A_152 = arith.muli %scan3A_20, %mul3A_151 : i32
      %dma_start3A_153 = arith.constant 8 : i32
      %dma_start3A_154 = arith.constant 8 : i32
      %dma_start3A_155 = tpu.memref_slice %arg6[%dma_start3A_154, %mul3A_152] : memref<32x1664xf32, #tpu.memory_space<vmem>> -> memref<1x128xf32, #tpu.memory_space<vmem>>
      %dma_start3A_156 = tpu.memref_squeeze %dma_start3A_155 : memref<1x128xf32, #tpu.memory_space<vmem>> -> memref<128xf32, #tpu.memory_space<vmem>>
      %dma_start3A_157 = arith.constant 0 : i32
      %dma_start3A_158 = tpu.memref_slice %arg5[%scan3A_20, %dma_start3A_157] : memref<13x128xi32, #tpu.memory_space<vmem>> -> memref<1x128xi32, #tpu.memory_space<vmem>>
      %dma_start3A_159 = tpu.memref_squeeze %dma_start3A_158 : memref<1x128xi32, #tpu.memory_space<vmem>> -> memref<128xi32, #tpu.memory_space<vmem>>
      %dma_start3A_160 = arith.constant 0 : i32
      %dma_start3A_161 = tpu.memref_slice %arg2[%select_n3A, %dma_start3A_153, %dma_start3A_160] : memref<13x32x100000xf32, #tpu.memory_space<hbm>> -> memref<1x1x100000xf32, #tpu.memory_space<hbm>>
      %dma_start3A_162 = tpu.memref_squeeze %dma_start3A_161 : memref<1x1x100000xf32, #tpu.memory_space<hbm>> -> memref<100000xf32, #tpu.memory_space<hbm>>
      %dma_start3A_163 = arith.constant 0 : i32
      %dma_start3A_164 = tpu.memref_slice %dma_start3A_162[%dma_start3A_163] : memref<100000xf32, #tpu.memory_space<hbm>> -> memref<100000xf32, #tpu.memory_space<hbm>>
      tpu.enqueue_indirect_dma source(%dma_start3A_164 : memref<100000xf32, #tpu.memory_space<hbm>>) target(%dma_start3A_156 : memref<128xf32, #tpu.memory_space<vmem>>) offsets(%dma_start3A_159 : memref<128xi32, #tpu.memory_space<vmem>>) semaphore(%arg7 : memref<!tpu.dma_semaphore, #tpu.memory_space<semaphore_mem>>)
      %mul3A_165 = arith.constant 128 : i32
      %mul3A_166 = arith.muli %scan3A_20, %mul3A_165 : i32
      %dma_start3A_167 = arith.constant 9 : i32
      %dma_start3A_168 = arith.constant 9 : i32
      %dma_start3A_169 = tpu.memref_slice %arg6[%dma_start3A_168, %mul3A_166] : memref<32x1664xf32, #tpu.memory_space<vmem>> -> memref<1x128xf32, #tpu.memory_space<vmem>>
      %dma_start3A_170 = tpu.memref_squeeze %dma_start3A_169 : memref<1x128xf32, #tpu.memory_space<vmem>> -> memref<128xf32, #tpu.memory_space<vmem>>
      %dma_start3A_171 = arith.constant 0 : i32
      %dma_start3A_172 = tpu.memref_slice %arg5[%scan3A_20, %dma_start3A_171] : memref<13x128xi32, #tpu.memory_space<vmem>> -> memref<1x128xi32, #tpu.memory_space<vmem>>
      %dma_start3A_173 = tpu.memref_squeeze %dma_start3A_172 : memref<1x128xi32, #tpu.memory_space<vmem>> -> memref<128xi32, #tpu.memory_space<vmem>>
      %dma_start3A_174 = arith.constant 0 : i32
      %dma_start3A_175 = tpu.memref_slice %arg2[%select_n3A, %dma_start3A_167, %dma_start3A_174] : memref<13x32x100000xf32, #tpu.memory_space<hbm>> -> memref<1x1x100000xf32, #tpu.memory_space<hbm>>
      %dma_start3A_176 = tpu.memref_squeeze %dma_start3A_175 : memref<1x1x100000xf32, #tpu.memory_space<hbm>> -> memref<100000xf32, #tpu.memory_space<hbm>>
      %dma_start3A_177 = arith.constant 0 : i32
      %dma_start3A_178 = tpu.memref_slice %dma_start3A_176[%dma_start3A_177] : memref<100000xf32, #tpu.memory_space<hbm>> -> memref<100000xf32, #tpu.memory_space<hbm>>
      tpu.enqueue_indirect_dma source(%dma_start3A_178 : memref<100000xf32, #tpu.memory_space<hbm>>) target(%dma_start3A_170 : memref<128xf32, #tpu.memory_space<vmem>>) offsets(%dma_start3A_173 : memref<128xi32, #tpu.memory_space<vmem>>) semaphore(%arg7 : memref<!tpu.dma_semaphore, #tpu.memory_space<semaphore_mem>>)
      %mul3A_179 = arith.constant 128 : i32
      %mul3A_180 = arith.muli %scan3A_20, %mul3A_179 : i32
      %dma_start3A_181 = arith.constant 10 : i32
      %dma_start3A_182 = arith.constant 10 : i32
      %dma_start3A_183 = tpu.memref_slice %arg6[%dma_start3A_182, %mul3A_180] : memref<32x1664xf32, #tpu.memory_space<vmem>> -> memref<1x128xf32, #tpu.memory_space<vmem>>
      %dma_start3A_184 = tpu.memref_squeeze %dma_start3A_183 : memref<1x128xf32, #tpu.memory_space<vmem>> -> memref<128xf32, #tpu.memory_space<vmem>>
      %dma_start3A_185 = arith.constant 0 : i32
      %dma_start3A_186 = tpu.memref_slice %arg5[%scan3A_20, %dma_start3A_185] : memref<13x128xi32, #tpu.memory_space<vmem>> -> memref<1x128xi32, #tpu.memory_space<vmem>>
      %dma_start3A_187 = tpu.memref_squeeze %dma_start3A_186 : memref<1x128xi32, #tpu.memory_space<vmem>> -> memref<128xi32, #tpu.memory_space<vmem>>
      %dma_start3A_188 = arith.constant 0 : i32
      %dma_start3A_189 = tpu.memref_slice %arg2[%select_n3A, %dma_start3A_181, %dma_start3A_188] : memref<13x32x100000xf32, #tpu.memory_space<hbm>> -> memref<1x1x100000xf32, #tpu.memory_space<hbm>>
      %dma_start3A_190 = tpu.memref_squeeze %dma_start3A_189 : memref<1x1x100000xf32, #tpu.memory_space<hbm>> -> memref<100000xf32, #tpu.memory_space<hbm>>
      %dma_start3A_191 = arith.constant 0 : i32
      %dma_start3A_192 = tpu.memref_slice %dma_start3A_190[%dma_start3A_191] : memref<100000xf32, #tpu.memory_space<hbm>> -> memref<100000xf32, #tpu.memory_space<hbm>>
      tpu.enqueue_indirect_dma source(%dma_start3A_192 : memref<100000xf32, #tpu.memory_space<hbm>>) target(%dma_start3A_184 : memref<128xf32, #tpu.memory_space<vmem>>) offsets(%dma_start3A_187 : memref<128xi32, #tpu.memory_space<vmem>>) semaphore(%arg7 : memref<!tpu.dma_semaphore, #tpu.memory_space<semaphore_mem>>)
      %mul3A_193 = arith.constant 128 : i32
      %mul3A_194 = arith.muli %scan3A_20, %mul3A_193 : i32
      %dma_start3A_195 = arith.constant 11 : i32
      %dma_start3A_196 = arith.constant 11 : i32
      %dma_start3A_197 = tpu.memref_slice %arg6[%dma_start3A_196, %mul3A_194] : memref<32x1664xf32, #tpu.memory_space<vmem>> -> memref<1x128xf32, #tpu.memory_space<vmem>>
      %dma_start3A_198 = tpu.memref_squeeze %dma_start3A_197 : memref<1x128xf32, #tpu.memory_space<vmem>> -> memref<128xf32, #tpu.memory_space<vmem>>
      %dma_start3A_199 = arith.constant 0 : i32
      %dma_start3A_200 = tpu.memref_slice %arg5[%scan3A_20, %dma_start3A_199] : memref<13x128xi32, #tpu.memory_space<vmem>> -> memref<1x128xi32, #tpu.memory_space<vmem>>
      %dma_start3A_201 = tpu.memref_squeeze %dma_start3A_200 : memref<1x128xi32, #tpu.memory_space<vmem>> -> memref<128xi32, #tpu.memory_space<vmem>>
      %dma_start3A_202 = arith.constant 0 : i32
      %dma_start3A_203 = tpu.memref_slice %arg2[%select_n3A, %dma_start3A_195, %dma_start3A_202] : memref<13x32x100000xf32, #tpu.memory_space<hbm>> -> memref<1x1x100000xf32, #tpu.memory_space<hbm>>
      %dma_start3A_204 = tpu.memref_squeeze %dma_start3A_203 : memref<1x1x100000xf32, #tpu.memory_space<hbm>> -> memref<100000xf32, #tpu.memory_space<hbm>>
      %dma_start3A_205 = arith.constant 0 : i32
      %dma_start3A_206 = tpu.memref_slice %dma_start3A_204[%dma_start3A_205] : memref<100000xf32, #tpu.memory_space<hbm>> -> memref<100000xf32, #tpu.memory_space<hbm>>
      tpu.enqueue_indirect_dma source(%dma_start3A_206 : memref<100000xf32, #tpu.memory_space<hbm>>) target(%dma_start3A_198 : memref<128xf32, #tpu.memory_space<vmem>>) offsets(%dma_start3A_201 : memref<128xi32, #tpu.memory_space<vmem>>) semaphore(%arg7 : memref<!tpu.dma_semaphore, #tpu.memory_space<semaphore_mem>>)
      %mul3A_207 = arith.constant 128 : i32
      %mul3A_208 = arith.muli %scan3A_20, %mul3A_207 : i32
      %dma_start3A_209 = arith.constant 12 : i32
      %dma_start3A_210 = arith.constant 12 : i32
      %dma_start3A_211 = tpu.memref_slice %arg6[%dma_start3A_210, %mul3A_208] : memref<32x1664xf32, #tpu.memory_space<vmem>> -> memref<1x128xf32, #tpu.memory_space<vmem>>
      %dma_start3A_212 = tpu.memref_squeeze %dma_start3A_211 : memref<1x128xf32, #tpu.memory_space<vmem>> -> memref<128xf32, #tpu.memory_space<vmem>>
      %dma_start3A_213 = arith.constant 0 : i32
      %dma_start3A_214 = tpu.memref_slice %arg5[%scan3A_20, %dma_start3A_213] : memref<13x128xi32, #tpu.memory_space<vmem>> -> memref<1x128xi32, #tpu.memory_space<vmem>>
      %dma_start3A_215 = tpu.memref_squeeze %dma_start3A_214 : memref<1x128xi32, #tpu.memory_space<vmem>> -> memref<128xi32, #tpu.memory_space<vmem>>
      %dma_start3A_216 = arith.constant 0 : i32
      %dma_start3A_217 = tpu.memref_slice %arg2[%select_n3A, %dma_start3A_209, %dma_start3A_216] : memref<13x32x100000xf32, #tpu.memory_space<hbm>> -> memref<1x1x100000xf32, #tpu.memory_space<hbm>>
      %dma_start3A_218 = tpu.memref_squeeze %dma_start3A_217 : memref<1x1x100000xf32, #tpu.memory_space<hbm>> -> memref<100000xf32, #tpu.memory_space<hbm>>
      %dma_start3A_219 = arith.constant 0 : i32
      %dma_start3A_220 = tpu.memref_slice %dma_start3A_218[%dma_start3A_219] : memref<100000xf32, #tpu.memory_space<hbm>> -> memref<100000xf32, #tpu.memory_space<hbm>>
      tpu.enqueue_indirect_dma source(%dma_start3A_220 : memref<100000xf32, #tpu.memory_space<hbm>>) target(%dma_start3A_212 : memref<128xf32, #tpu.memory_space<vmem>>) offsets(%dma_start3A_215 : memref<128xi32, #tpu.memory_space<vmem>>) semaphore(%arg7 : memref<!tpu.dma_semaphore, #tpu.memory_space<semaphore_mem>>)
      %mul3A_221 = arith.constant 128 : i32
      %mul3A_222 = arith.muli %scan3A_20, %mul3A_221 : i32
      %dma_start3A_223 = arith.constant 13 : i32
      %dma_start3A_224 = arith.constant 13 : i32
      %dma_start3A_225 = tpu.memref_slice %arg6[%dma_start3A_224, %mul3A_222] : memref<32x1664xf32, #tpu.memory_space<vmem>> -> memref<1x128xf32, #tpu.memory_space<vmem>>
      %dma_start3A_226 = tpu.memref_squeeze %dma_start3A_225 : memref<1x128xf32, #tpu.memory_space<vmem>> -> memref<128xf32, #tpu.memory_space<vmem>>
      %dma_start3A_227 = arith.constant 0 : i32
      %dma_start3A_228 = tpu.memref_slice %arg5[%scan3A_20, %dma_start3A_227] : memref<13x128xi32, #tpu.memory_space<vmem>> -> memref<1x128xi32, #tpu.memory_space<vmem>>
      %dma_start3A_229 = tpu.memref_squeeze %dma_start3A_228 : memref<1x128xi32, #tpu.memory_space<vmem>> -> memref<128xi32, #tpu.memory_space<vmem>>
      %dma_start3A_230 = arith.constant 0 : i32
      %dma_start3A_231 = tpu.memref_slice %arg2[%select_n3A, %dma_start3A_223, %dma_start3A_230] : memref<13x32x100000xf32, #tpu.memory_space<hbm>> -> memref<1x1x100000xf32, #tpu.memory_space<hbm>>
      %dma_start3A_232 = tpu.memref_squeeze %dma_start3A_231 : memref<1x1x100000xf32, #tpu.memory_space<hbm>> -> memref<100000xf32, #tpu.memory_space<hbm>>
      %dma_start3A_233 = arith.constant 0 : i32
      %dma_start3A_234 = tpu.memref_slice %dma_start3A_232[%dma_start3A_233] : memref<100000xf32, #tpu.memory_space<hbm>> -> memref<100000xf32, #tpu.memory_space<hbm>>
      tpu.enqueue_indirect_dma source(%dma_start3A_234 : memref<100000xf32, #tpu.memory_space<hbm>>) target(%dma_start3A_226 : memref<128xf32, #tpu.memory_space<vmem>>) offsets(%dma_start3A_229 : memref<128xi32, #tpu.memory_space<vmem>>) semaphore(%arg7 : memref<!tpu.dma_semaphore, #tpu.memory_space<semaphore_mem>>)
      %mul3A_235 = arith.constant 128 : i32
      %mul3A_236 = arith.muli %scan3A_20, %mul3A_235 : i32
      %dma_start3A_237 = arith.constant 14 : i32
      %dma_start3A_238 = arith.constant 14 : i32
      %dma_start3A_239 = tpu.memref_slice %arg6[%dma_start3A_238, %mul3A_236] : memref<32x1664xf32, #tpu.memory_space<vmem>> -> memref<1x128xf32, #tpu.memory_space<vmem>>
      %dma_start3A_240 = tpu.memref_squeeze %dma_start3A_239 : memref<1x128xf32, #tpu.memory_space<vmem>> -> memref<128xf32, #tpu.memory_space<vmem>>
      %dma_start3A_241 = arith.constant 0 : i32
      %dma_start3A_242 = tpu.memref_slice %arg5[%scan3A_20, %dma_start3A_241] : memref<13x128xi32, #tpu.memory_space<vmem>> -> memref<1x128xi32, #tpu.memory_space<vmem>>
      %dma_start3A_243 = tpu.memref_squeeze %dma_start3A_242 : memref<1x128xi32, #tpu.memory_space<vmem>> -> memref<128xi32, #tpu.memory_space<vmem>>
      %dma_start3A_244 = arith.constant 0 : i32
      %dma_start3A_245 = tpu.memref_slice %arg2[%select_n3A, %dma_start3A_237, %dma_start3A_244] : memref<13x32x100000xf32, #tpu.memory_space<hbm>> -> memref<1x1x100000xf32, #tpu.memory_space<hbm>>
      %dma_start3A_246 = tpu.memref_squeeze %dma_start3A_245 : memref<1x1x100000xf32, #tpu.memory_space<hbm>> -> memref<100000xf32, #tpu.memory_space<hbm>>
      %dma_start3A_247 = arith.constant 0 : i32
      %dma_start3A_248 = tpu.memref_slice %dma_start3A_246[%dma_start3A_247] : memref<100000xf32, #tpu.memory_space<hbm>> -> memref<100000xf32, #tpu.memory_space<hbm>>
      tpu.enqueue_indirect_dma source(%dma_start3A_248 : memref<100000xf32, #tpu.memory_space<hbm>>) target(%dma_start3A_240 : memref<128xf32, #tpu.memory_space<vmem>>) offsets(%dma_start3A_243 : memref<128xi32, #tpu.memory_space<vmem>>) semaphore(%arg7 : memref<!tpu.dma_semaphore, #tpu.memory_space<semaphore_mem>>)
      %mul3A_249 = arith.constant 128 : i32
      %mul3A_250 = arith.muli %scan3A_20, %mul3A_249 : i32
      %dma_start3A_251 = arith.constant 15 : i32
      %dma_start3A_252 = arith.constant 15 : i32
      %dma_start3A_253 = tpu.memref_slice %arg6[%dma_start3A_252, %mul3A_250] : memref<32x1664xf32, #tpu.memory_space<vmem>> -> memref<1x128xf32, #tpu.memory_space<vmem>>
      %dma_start3A_254 = tpu.memref_squeeze %dma_start3A_253 : memref<1x128xf32, #tpu.memory_space<vmem>> -> memref<128xf32, #tpu.memory_space<vmem>>
      %dma_start3A_255 = arith.constant 0 : i32
      %dma_start3A_256 = tpu.memref_slice %arg5[%scan3A_20, %dma_start3A_255] : memref<13x128xi32, #tpu.memory_space<vmem>> -> memref<1x128xi32, #tpu.memory_space<vmem>>
      %dma_start3A_257 = tpu.memref_squeeze %dma_start3A_256 : memref<1x128xi32, #tpu.memory_space<vmem>> -> memref<128xi32, #tpu.memory_space<vmem>>
      %dma_start3A_258 = arith.constant 0 : i32
      %dma_start3A_259 = tpu.memref_slice %arg2[%select_n3A, %dma_start3A_251, %dma_start3A_258] : memref<13x32x100000xf32, #tpu.memory_space<hbm>> -> memref<1x1x100000xf32, #tpu.memory_space<hbm>>
      %dma_start3A_260 = tpu.memref_squeeze %dma_start3A_259 : memref<1x1x100000xf32, #tpu.memory_space<hbm>> -> memref<100000xf32, #tpu.memory_space<hbm>>
      %dma_start3A_261 = arith.constant 0 : i32
      %dma_start3A_262 = tpu.memref_slice %dma_start3A_260[%dma_start3A_261] : memref<100000xf32, #tpu.memory_space<hbm>> -> memref<100000xf32, #tpu.memory_space<hbm>>
      tpu.enqueue_indirect_dma source(%dma_start3A_262 : memref<100000xf32, #tpu.memory_space<hbm>>) target(%dma_start3A_254 : memref<128xf32, #tpu.memory_space<vmem>>) offsets(%dma_start3A_257 : memref<128xi32, #tpu.memory_space<vmem>>) semaphore(%arg7 : memref<!tpu.dma_semaphore, #tpu.memory_space<semaphore_mem>>)
      %mul3A_263 = arith.constant 128 : i32
      %mul3A_264 = arith.muli %scan3A_20, %mul3A_263 : i32
      %dma_start3A_265 = arith.constant 16 : i32
      %dma_start3A_266 = arith.constant 16 : i32
      %dma_start3A_267 = tpu.memref_slice %arg6[%dma_start3A_266, %mul3A_264] : memref<32x1664xf32, #tpu.memory_space<vmem>> -> memref<1x128xf32, #tpu.memory_space<vmem>>
      %dma_start3A_268 = tpu.memref_squeeze %dma_start3A_267 : memref<1x128xf32, #tpu.memory_space<vmem>> -> memref<128xf32, #tpu.memory_space<vmem>>
      %dma_start3A_269 = arith.constant 0 : i32
      %dma_start3A_270 = tpu.memref_slice %arg5[%scan3A_20, %dma_start3A_269] : memref<13x128xi32, #tpu.memory_space<vmem>> -> memref<1x128xi32, #tpu.memory_space<vmem>>
      %dma_start3A_271 = tpu.memref_squeeze %dma_start3A_270 : memref<1x128xi32, #tpu.memory_space<vmem>> -> memref<128xi32, #tpu.memory_space<vmem>>
      %dma_start3A_272 = arith.constant 0 : i32
      %dma_start3A_273 = tpu.memref_slice %arg2[%select_n3A, %dma_start3A_265, %dma_start3A_272] : memref<13x32x100000xf32, #tpu.memory_space<hbm>> -> memref<1x1x100000xf32, #tpu.memory_space<hbm>>
      %dma_start3A_274 = tpu.memref_squeeze %dma_start3A_273 : memref<1x1x100000xf32, #tpu.memory_space<hbm>> -> memref<100000xf32, #tpu.memory_space<hbm>>
      %dma_start3A_275 = arith.constant 0 : i32
      %dma_start3A_276 = tpu.memref_slice %dma_start3A_274[%dma_start3A_275] : memref<100000xf32, #tpu.memory_space<hbm>> -> memref<100000xf32, #tpu.memory_space<hbm>>
      tpu.enqueue_indirect_dma source(%dma_start3A_276 : memref<100000xf32, #tpu.memory_space<hbm>>) target(%dma_start3A_268 : memref<128xf32, #tpu.memory_space<vmem>>) offsets(%dma_start3A_271 : memref<128xi32, #tpu.memory_space<vmem>>) semaphore(%arg7 : memref<!tpu.dma_semaphore, #tpu.memory_space<semaphore_mem>>)
      %mul3A_277 = arith.constant 128 : i32
      %mul3A_278 = arith.muli %scan3A_20, %mul3A_277 : i32
      %dma_start3A_279 = arith.constant 17 : i32
      %dma_start3A_280 = arith.constant 17 : i32
      %dma_start3A_281 = tpu.memref_slice %arg6[%dma_start3A_280, %mul3A_278] : memref<32x1664xf32, #tpu.memory_space<vmem>> -> memref<1x128xf32, #tpu.memory_space<vmem>>
      %dma_start3A_282 = tpu.memref_squeeze %dma_start3A_281 : memref<1x128xf32, #tpu.memory_space<vmem>> -> memref<128xf32, #tpu.memory_space<vmem>>
      %dma_start3A_283 = arith.constant 0 : i32
      %dma_start3A_284 = tpu.memref_slice %arg5[%scan3A_20, %dma_start3A_283] : memref<13x128xi32, #tpu.memory_space<vmem>> -> memref<1x128xi32, #tpu.memory_space<vmem>>
      %dma_start3A_285 = tpu.memref_squeeze %dma_start3A_284 : memref<1x128xi32, #tpu.memory_space<vmem>> -> memref<128xi32, #tpu.memory_space<vmem>>
      %dma_start3A_286 = arith.constant 0 : i32
      %dma_start3A_287 = tpu.memref_slice %arg2[%select_n3A, %dma_start3A_279, %dma_start3A_286] : memref<13x32x100000xf32, #tpu.memory_space<hbm>> -> memref<1x1x100000xf32, #tpu.memory_space<hbm>>
      %dma_start3A_288 = tpu.memref_squeeze %dma_start3A_287 : memref<1x1x100000xf32, #tpu.memory_space<hbm>> -> memref<100000xf32, #tpu.memory_space<hbm>>
      %dma_start3A_289 = arith.constant 0 : i32
      %dma_start3A_290 = tpu.memref_slice %dma_start3A_288[%dma_start3A_289] : memref<100000xf32, #tpu.memory_space<hbm>> -> memref<100000xf32, #tpu.memory_space<hbm>>
      tpu.enqueue_indirect_dma source(%dma_start3A_290 : memref<100000xf32, #tpu.memory_space<hbm>>) target(%dma_start3A_282 : memref<128xf32, #tpu.memory_space<vmem>>) offsets(%dma_start3A_285 : memref<128xi32, #tpu.memory_space<vmem>>) semaphore(%arg7 : memref<!tpu.dma_semaphore, #tpu.memory_space<semaphore_mem>>)
      %mul3A_291 = arith.constant 128 : i32
      %mul3A_292 = arith.muli %scan3A_20, %mul3A_291 : i32
      %dma_start3A_293 = arith.constant 18 : i32
      %dma_start3A_294 = arith.constant 18 : i32
      %dma_start3A_295 = tpu.memref_slice %arg6[%dma_start3A_294, %mul3A_292] : memref<32x1664xf32, #tpu.memory_space<vmem>> -> memref<1x128xf32, #tpu.memory_space<vmem>>
      %dma_start3A_296 = tpu.memref_squeeze %dma_start3A_295 : memref<1x128xf32, #tpu.memory_space<vmem>> -> memref<128xf32, #tpu.memory_space<vmem>>
      %dma_start3A_297 = arith.constant 0 : i32
      %dma_start3A_298 = tpu.memref_slice %arg5[%scan3A_20, %dma_start3A_297] : memref<13x128xi32, #tpu.memory_space<vmem>> -> memref<1x128xi32, #tpu.memory_space<vmem>>
      %dma_start3A_299 = tpu.memref_squeeze %dma_start3A_298 : memref<1x128xi32, #tpu.memory_space<vmem>> -> memref<128xi32, #tpu.memory_space<vmem>>
      %dma_start3A_300 = arith.constant 0 : i32
      %dma_start3A_301 = tpu.memref_slice %arg2[%select_n3A, %dma_start3A_293, %dma_start3A_300] : memref<13x32x100000xf32, #tpu.memory_space<hbm>> -> memref<1x1x100000xf32, #tpu.memory_space<hbm>>
      %dma_start3A_302 = tpu.memref_squeeze %dma_start3A_301 : memref<1x1x100000xf32, #tpu.memory_space<hbm>> -> memref<100000xf32, #tpu.memory_space<hbm>>
      %dma_start3A_303 = arith.constant 0 : i32
      %dma_start3A_304 = tpu.memref_slice %dma_start3A_302[%dma_start3A_303] : memref<100000xf32, #tpu.memory_space<hbm>> -> memref<100000xf32, #tpu.memory_space<hbm>>
      tpu.enqueue_indirect_dma source(%dma_start3A_304 : memref<100000xf32, #tpu.memory_space<hbm>>) target(%dma_start3A_296 : memref<128xf32, #tpu.memory_space<vmem>>) offsets(%dma_start3A_299 : memref<128xi32, #tpu.memory_space<vmem>>) semaphore(%arg7 : memref<!tpu.dma_semaphore, #tpu.memory_space<semaphore_mem>>)
      %mul3A_305 = arith.constant 128 : i32
      %mul3A_306 = arith.muli %scan3A_20, %mul3A_305 : i32
      %dma_start3A_307 = arith.constant 19 : i32
      %dma_start3A_308 = arith.constant 19 : i32
      %dma_start3A_309 = tpu.memref_slice %arg6[%dma_start3A_308, %mul3A_306] : memref<32x1664xf32, #tpu.memory_space<vmem>> -> memref<1x128xf32, #tpu.memory_space<vmem>>
      %dma_start3A_310 = tpu.memref_squeeze %dma_start3A_309 : memref<1x128xf32, #tpu.memory_space<vmem>> -> memref<128xf32, #tpu.memory_space<vmem>>
      %dma_start3A_311 = arith.constant 0 : i32
      %dma_start3A_312 = tpu.memref_slice %arg5[%scan3A_20, %dma_start3A_311] : memref<13x128xi32, #tpu.memory_space<vmem>> -> memref<1x128xi32, #tpu.memory_space<vmem>>
      %dma_start3A_313 = tpu.memref_squeeze %dma_start3A_312 : memref<1x128xi32, #tpu.memory_space<vmem>> -> memref<128xi32, #tpu.memory_space<vmem>>
      %dma_start3A_314 = arith.constant 0 : i32
      %dma_start3A_315 = tpu.memref_slice %arg2[%select_n3A, %dma_start3A_307, %dma_start3A_314] : memref<13x32x100000xf32, #tpu.memory_space<hbm>> -> memref<1x1x100000xf32, #tpu.memory_space<hbm>>
      %dma_start3A_316 = tpu.memref_squeeze %dma_start3A_315 : memref<1x1x100000xf32, #tpu.memory_space<hbm>> -> memref<100000xf32, #tpu.memory_space<hbm>>
      %dma_start3A_317 = arith.constant 0 : i32
      %dma_start3A_318 = tpu.memref_slice %dma_start3A_316[%dma_start3A_317] : memref<100000xf32, #tpu.memory_space<hbm>> -> memref<100000xf32, #tpu.memory_space<hbm>>
      tpu.enqueue_indirect_dma source(%dma_start3A_318 : memref<100000xf32, #tpu.memory_space<hbm>>) target(%dma_start3A_310 : memref<128xf32, #tpu.memory_space<vmem>>) offsets(%dma_start3A_313 : memref<128xi32, #tpu.memory_space<vmem>>) semaphore(%arg7 : memref<!tpu.dma_semaphore, #tpu.memory_space<semaphore_mem>>)
      %mul3A_319 = arith.constant 128 : i32
      %mul3A_320 = arith.muli %scan3A_20, %mul3A_319 : i32
      %dma_start3A_321 = arith.constant 20 : i32
      %dma_start3A_322 = arith.constant 20 : i32
      %dma_start3A_323 = tpu.memref_slice %arg6[%dma_start3A_322, %mul3A_320] : memref<32x1664xf32, #tpu.memory_space<vmem>> -> memref<1x128xf32, #tpu.memory_space<vmem>>
      %dma_start3A_324 = tpu.memref_squeeze %dma_start3A_323 : memref<1x128xf32, #tpu.memory_space<vmem>> -> memref<128xf32, #tpu.memory_space<vmem>>
      %dma_start3A_325 = arith.constant 0 : i32
      %dma_start3A_326 = tpu.memref_slice %arg5[%scan3A_20, %dma_start3A_325] : memref<13x128xi32, #tpu.memory_space<vmem>> -> memref<1x128xi32, #tpu.memory_space<vmem>>
      %dma_start3A_327 = tpu.memref_squeeze %dma_start3A_326 : memref<1x128xi32, #tpu.memory_space<vmem>> -> memref<128xi32, #tpu.memory_space<vmem>>
      %dma_start3A_328 = arith.constant 0 : i32
      %dma_start3A_329 = tpu.memref_slice %arg2[%select_n3A, %dma_start3A_321, %dma_start3A_328] : memref<13x32x100000xf32, #tpu.memory_space<hbm>> -> memref<1x1x100000xf32, #tpu.memory_space<hbm>>
      %dma_start3A_330 = tpu.memref_squeeze %dma_start3A_329 : memref<1x1x100000xf32, #tpu.memory_space<hbm>> -> memref<100000xf32, #tpu.memory_space<hbm>>
      %dma_start3A_331 = arith.constant 0 : i32
      %dma_start3A_332 = tpu.memref_slice %dma_start3A_330[%dma_start3A_331] : memref<100000xf32, #tpu.memory_space<hbm>> -> memref<100000xf32, #tpu.memory_space<hbm>>
      tpu.enqueue_indirect_dma source(%dma_start3A_332 : memref<100000xf32, #tpu.memory_space<hbm>>) target(%dma_start3A_324 : memref<128xf32, #tpu.memory_space<vmem>>) offsets(%dma_start3A_327 : memref<128xi32, #tpu.memory_space<vmem>>) semaphore(%arg7 : memref<!tpu.dma_semaphore, #tpu.memory_space<semaphore_mem>>)
      %mul3A_333 = arith.constant 128 : i32
      %mul3A_334 = arith.muli %scan3A_20, %mul3A_333 : i32
      %dma_start3A_335 = arith.constant 21 : i32
      %dma_start3A_336 = arith.constant 21 : i32
      %dma_start3A_337 = tpu.memref_slice %arg6[%dma_start3A_336, %mul3A_334] : memref<32x1664xf32, #tpu.memory_space<vmem>> -> memref<1x128xf32, #tpu.memory_space<vmem>>
      %dma_start3A_338 = tpu.memref_squeeze %dma_start3A_337 : memref<1x128xf32, #tpu.memory_space<vmem>> -> memref<128xf32, #tpu.memory_space<vmem>>
      %dma_start3A_339 = arith.constant 0 : i32
      %dma_start3A_340 = tpu.memref_slice %arg5[%scan3A_20, %dma_start3A_339] : memref<13x128xi32, #tpu.memory_space<vmem>> -> memref<1x128xi32, #tpu.memory_space<vmem>>
      %dma_start3A_341 = tpu.memref_squeeze %dma_start3A_340 : memref<1x128xi32, #tpu.memory_space<vmem>> -> memref<128xi32, #tpu.memory_space<vmem>>
      %dma_start3A_342 = arith.constant 0 : i32
      %dma_start3A_343 = tpu.memref_slice %arg2[%select_n3A, %dma_start3A_335, %dma_start3A_342] : memref<13x32x100000xf32, #tpu.memory_space<hbm>> -> memref<1x1x100000xf32, #tpu.memory_space<hbm>>
      %dma_start3A_344 = tpu.memref_squeeze %dma_start3A_343 : memref<1x1x100000xf32, #tpu.memory_space<hbm>> -> memref<100000xf32, #tpu.memory_space<hbm>>
      %dma_start3A_345 = arith.constant 0 : i32
      %dma_start3A_346 = tpu.memref_slice %dma_start3A_344[%dma_start3A_345] : memref<100000xf32, #tpu.memory_space<hbm>> -> memref<100000xf32, #tpu.memory_space<hbm>>
      tpu.enqueue_indirect_dma source(%dma_start3A_346 : memref<100000xf32, #tpu.memory_space<hbm>>) target(%dma_start3A_338 : memref<128xf32, #tpu.memory_space<vmem>>) offsets(%dma_start3A_341 : memref<128xi32, #tpu.memory_space<vmem>>) semaphore(%arg7 : memref<!tpu.dma_semaphore, #tpu.memory_space<semaphore_mem>>)
      %mul3A_347 = arith.constant 128 : i32
      %mul3A_348 = arith.muli %scan3A_20, %mul3A_347 : i32
      %dma_start3A_349 = arith.constant 22 : i32
      %dma_start3A_350 = arith.constant 22 : i32
      %dma_start3A_351 = tpu.memref_slice %arg6[%dma_start3A_350, %mul3A_348] : memref<32x1664xf32, #tpu.memory_space<vmem>> -> memref<1x128xf32, #tpu.memory_space<vmem>>
      %dma_start3A_352 = tpu.memref_squeeze %dma_start3A_351 : memref<1x128xf32, #tpu.memory_space<vmem>> -> memref<128xf32, #tpu.memory_space<vmem>>
      %dma_start3A_353 = arith.constant 0 : i32
      %dma_start3A_354 = tpu.memref_slice %arg5[%scan3A_20, %dma_start3A_353] : memref<13x128xi32, #tpu.memory_space<vmem>> -> memref<1x128xi32, #tpu.memory_space<vmem>>
      %dma_start3A_355 = tpu.memref_squeeze %dma_start3A_354 : memref<1x128xi32, #tpu.memory_space<vmem>> -> memref<128xi32, #tpu.memory_space<vmem>>
      %dma_start3A_356 = arith.constant 0 : i32
      %dma_start3A_357 = tpu.memref_slice %arg2[%select_n3A, %dma_start3A_349, %dma_start3A_356] : memref<13x32x100000xf32, #tpu.memory_space<hbm>> -> memref<1x1x100000xf32, #tpu.memory_space<hbm>>
      %dma_start3A_358 = tpu.memref_squeeze %dma_start3A_357 : memref<1x1x100000xf32, #tpu.memory_space<hbm>> -> memref<100000xf32, #tpu.memory_space<hbm>>
      %dma_start3A_359 = arith.constant 0 : i32
      %dma_start3A_360 = tpu.memref_slice %dma_start3A_358[%dma_start3A_359] : memref<100000xf32, #tpu.memory_space<hbm>> -> memref<100000xf32, #tpu.memory_space<hbm>>
      tpu.enqueue_indirect_dma source(%dma_start3A_360 : memref<100000xf32, #tpu.memory_space<hbm>>) target(%dma_start3A_352 : memref<128xf32, #tpu.memory_space<vmem>>) offsets(%dma_start3A_355 : memref<128xi32, #tpu.memory_space<vmem>>) semaphore(%arg7 : memref<!tpu.dma_semaphore, #tpu.memory_space<semaphore_mem>>)
      %mul3A_361 = arith.constant 128 : i32
      %mul3A_362 = arith.muli %scan3A_20, %mul3A_361 : i32
      %dma_start3A_363 = arith.constant 23 : i32
      %dma_start3A_364 = arith.constant 23 : i32
      %dma_start3A_365 = tpu.memref_slice %arg6[%dma_start3A_364, %mul3A_362] : memref<32x1664xf32, #tpu.memory_space<vmem>> -> memref<1x128xf32, #tpu.memory_space<vmem>>
      %dma_start3A_366 = tpu.memref_squeeze %dma_start3A_365 : memref<1x128xf32, #tpu.memory_space<vmem>> -> memref<128xf32, #tpu.memory_space<vmem>>
      %dma_start3A_367 = arith.constant 0 : i32
      %dma_start3A_368 = tpu.memref_slice %arg5[%scan3A_20, %dma_start3A_367] : memref<13x128xi32, #tpu.memory_space<vmem>> -> memref<1x128xi32, #tpu.memory_space<vmem>>
      %dma_start3A_369 = tpu.memref_squeeze %dma_start3A_368 : memref<1x128xi32, #tpu.memory_space<vmem>> -> memref<128xi32, #tpu.memory_space<vmem>>
      %dma_start3A_370 = arith.constant 0 : i32
      %dma_start3A_371 = tpu.memref_slice %arg2[%select_n3A, %dma_start3A_363, %dma_start3A_370] : memref<13x32x100000xf32, #tpu.memory_space<hbm>> -> memref<1x1x100000xf32, #tpu.memory_space<hbm>>
      %dma_start3A_372 = tpu.memref_squeeze %dma_start3A_371 : memref<1x1x100000xf32, #tpu.memory_space<hbm>> -> memref<100000xf32, #tpu.memory_space<hbm>>
      %dma_start3A_373 = arith.constant 0 : i32
      %dma_start3A_374 = tpu.memref_slice %dma_start3A_372[%dma_start3A_373] : memref<100000xf32, #tpu.memory_space<hbm>> -> memref<100000xf32, #tpu.memory_space<hbm>>
      tpu.enqueue_indirect_dma source(%dma_start3A_374 : memref<100000xf32, #tpu.memory_space<hbm>>) target(%dma_start3A_366 : memref<128xf32, #tpu.memory_space<vmem>>) offsets(%dma_start3A_369 : memref<128xi32, #tpu.memory_space<vmem>>) semaphore(%arg7 : memref<!tpu.dma_semaphore, #tpu.memory_space<semaphore_mem>>)
      %mul3A_375 = arith.constant 128 : i32
      %mul3A_376 = arith.muli %scan3A_20, %mul3A_375 : i32
      %dma_start3A_377 = arith.constant 24 : i32
      %dma_start3A_378 = arith.constant 24 : i32
      %dma_start3A_379 = tpu.memref_slice %arg6[%dma_start3A_378, %mul3A_376] : memref<32x1664xf32, #tpu.memory_space<vmem>> -> memref<1x128xf32, #tpu.memory_space<vmem>>
      %dma_start3A_380 = tpu.memref_squeeze %dma_start3A_379 : memref<1x128xf32, #tpu.memory_space<vmem>> -> memref<128xf32, #tpu.memory_space<vmem>>
      %dma_start3A_381 = arith.constant 0 : i32
      %dma_start3A_382 = tpu.memref_slice %arg5[%scan3A_20, %dma_start3A_381] : memref<13x128xi32, #tpu.memory_space<vmem>> -> memref<1x128xi32, #tpu.memory_space<vmem>>
      %dma_start3A_383 = tpu.memref_squeeze %dma_start3A_382 : memref<1x128xi32, #tpu.memory_space<vmem>> -> memref<128xi32, #tpu.memory_space<vmem>>
      %dma_start3A_384 = arith.constant 0 : i32
      %dma_start3A_385 = tpu.memref_slice %arg2[%select_n3A, %dma_start3A_377, %dma_start3A_384] : memref<13x32x100000xf32, #tpu.memory_space<hbm>> -> memref<1x1x100000xf32, #tpu.memory_space<hbm>>
      %dma_start3A_386 = tpu.memref_squeeze %dma_start3A_385 : memref<1x1x100000xf32, #tpu.memory_space<hbm>> -> memref<100000xf32, #tpu.memory_space<hbm>>
      %dma_start3A_387 = arith.constant 0 : i32
      %dma_start3A_388 = tpu.memref_slice %dma_start3A_386[%dma_start3A_387] : memref<100000xf32, #tpu.memory_space<hbm>> -> memref<100000xf32, #tpu.memory_space<hbm>>
      tpu.enqueue_indirect_dma source(%dma_start3A_388 : memref<100000xf32, #tpu.memory_space<hbm>>) target(%dma_start3A_380 : memref<128xf32, #tpu.memory_space<vmem>>) offsets(%dma_start3A_383 : memref<128xi32, #tpu.memory_space<vmem>>) semaphore(%arg7 : memref<!tpu.dma_semaphore, #tpu.memory_space<semaphore_mem>>)
      %mul3A_389 = arith.constant 128 : i32
      %mul3A_390 = arith.muli %scan3A_20, %mul3A_389 : i32
      %dma_start3A_391 = arith.constant 25 : i32
      %dma_start3A_392 = arith.constant 25 : i32
      %dma_start3A_393 = tpu.memref_slice %arg6[%dma_start3A_392, %mul3A_390] : memref<32x1664xf32, #tpu.memory_space<vmem>> -> memref<1x128xf32, #tpu.memory_space<vmem>>
      %dma_start3A_394 = tpu.memref_squeeze %dma_start3A_393 : memref<1x128xf32, #tpu.memory_space<vmem>> -> memref<128xf32, #tpu.memory_space<vmem>>
      %dma_start3A_395 = arith.constant 0 : i32
      %dma_start3A_396 = tpu.memref_slice %arg5[%scan3A_20, %dma_start3A_395] : memref<13x128xi32, #tpu.memory_space<vmem>> -> memref<1x128xi32, #tpu.memory_space<vmem>>
      %dma_start3A_397 = tpu.memref_squeeze %dma_start3A_396 : memref<1x128xi32, #tpu.memory_space<vmem>> -> memref<128xi32, #tpu.memory_space<vmem>>
      %dma_start3A_398 = arith.constant 0 : i32
      %dma_start3A_399 = tpu.memref_slice %arg2[%select_n3A, %dma_start3A_391, %dma_start3A_398] : memref<13x32x100000xf32, #tpu.memory_space<hbm>> -> memref<1x1x100000xf32, #tpu.memory_space<hbm>>
      %dma_start3A_400 = tpu.memref_squeeze %dma_start3A_399 : memref<1x1x100000xf32, #tpu.memory_space<hbm>> -> memref<100000xf32, #tpu.memory_space<hbm>>
      %dma_start3A_401 = arith.constant 0 : i32
      %dma_start3A_402 = tpu.memref_slice %dma_start3A_400[%dma_start3A_401] : memref<100000xf32, #tpu.memory_space<hbm>> -> memref<100000xf32, #tpu.memory_space<hbm>>
      tpu.enqueue_indirect_dma source(%dma_start3A_402 : memref<100000xf32, #tpu.memory_space<hbm>>) target(%dma_start3A_394 : memref<128xf32, #tpu.memory_space<vmem>>) offsets(%dma_start3A_397 : memref<128xi32, #tpu.memory_space<vmem>>) semaphore(%arg7 : memref<!tpu.dma_semaphore, #tpu.memory_space<semaphore_mem>>)
      %mul3A_403 = arith.constant 128 : i32
      %mul3A_404 = arith.muli %scan3A_20, %mul3A_403 : i32
      %dma_start3A_405 = arith.constant 26 : i32
      %dma_start3A_406 = arith.constant 26 : i32
      %dma_start3A_407 = tpu.memref_slice %arg6[%dma_start3A_406, %mul3A_404] : memref<32x1664xf32, #tpu.memory_space<vmem>> -> memref<1x128xf32, #tpu.memory_space<vmem>>
      %dma_start3A_408 = tpu.memref_squeeze %dma_start3A_407 : memref<1x128xf32, #tpu.memory_space<vmem>> -> memref<128xf32, #tpu.memory_space<vmem>>
      %dma_start3A_409 = arith.constant 0 : i32
      %dma_start3A_410 = tpu.memref_slice %arg5[%scan3A_20, %dma_start3A_409] : memref<13x128xi32, #tpu.memory_space<vmem>> -> memref<1x128xi32, #tpu.memory_space<vmem>>
      %dma_start3A_411 = tpu.memref_squeeze %dma_start3A_410 : memref<1x128xi32, #tpu.memory_space<vmem>> -> memref<128xi32, #tpu.memory_space<vmem>>
      %dma_start3A_412 = arith.constant 0 : i32
      %dma_start3A_413 = tpu.memref_slice %arg2[%select_n3A, %dma_start3A_405, %dma_start3A_412] : memref<13x32x100000xf32, #tpu.memory_space<hbm>> -> memref<1x1x100000xf32, #tpu.memory_space<hbm>>
      %dma_start3A_414 = tpu.memref_squeeze %dma_start3A_413 : memref<1x1x100000xf32, #tpu.memory_space<hbm>> -> memref<100000xf32, #tpu.memory_space<hbm>>
      %dma_start3A_415 = arith.constant 0 : i32
      %dma_start3A_416 = tpu.memref_slice %dma_start3A_414[%dma_start3A_415] : memref<100000xf32, #tpu.memory_space<hbm>> -> memref<100000xf32, #tpu.memory_space<hbm>>
      tpu.enqueue_indirect_dma source(%dma_start3A_416 : memref<100000xf32, #tpu.memory_space<hbm>>) target(%dma_start3A_408 : memref<128xf32, #tpu.memory_space<vmem>>) offsets(%dma_start3A_411 : memref<128xi32, #tpu.memory_space<vmem>>) semaphore(%arg7 : memref<!tpu.dma_semaphore, #tpu.memory_space<semaphore_mem>>)
      %mul3A_417 = arith.constant 128 : i32
      %mul3A_418 = arith.muli %scan3A_20, %mul3A_417 : i32
      %dma_start3A_419 = arith.constant 27 : i32
      %dma_start3A_420 = arith.constant 27 : i32
      %dma_start3A_421 = tpu.memref_slice %arg6[%dma_start3A_420, %mul3A_418] : memref<32x1664xf32, #tpu.memory_space<vmem>> -> memref<1x128xf32, #tpu.memory_space<vmem>>
      %dma_start3A_422 = tpu.memref_squeeze %dma_start3A_421 : memref<1x128xf32, #tpu.memory_space<vmem>> -> memref<128xf32, #tpu.memory_space<vmem>>
      %dma_start3A_423 = arith.constant 0 : i32
      %dma_start3A_424 = tpu.memref_slice %arg5[%scan3A_20, %dma_start3A_423] : memref<13x128xi32, #tpu.memory_space<vmem>> -> memref<1x128xi32, #tpu.memory_space<vmem>>
      %dma_start3A_425 = tpu.memref_squeeze %dma_start3A_424 : memref<1x128xi32, #tpu.memory_space<vmem>> -> memref<128xi32, #tpu.memory_space<vmem>>
      %dma_start3A_426 = arith.constant 0 : i32
      %dma_start3A_427 = tpu.memref_slice %arg2[%select_n3A, %dma_start3A_419, %dma_start3A_426] : memref<13x32x100000xf32, #tpu.memory_space<hbm>> -> memref<1x1x100000xf32, #tpu.memory_space<hbm>>
      %dma_start3A_428 = tpu.memref_squeeze %dma_start3A_427 : memref<1x1x100000xf32, #tpu.memory_space<hbm>> -> memref<100000xf32, #tpu.memory_space<hbm>>
      %dma_start3A_429 = arith.constant 0 : i32
      %dma_start3A_430 = tpu.memref_slice %dma_start3A_428[%dma_start3A_429] : memref<100000xf32, #tpu.memory_space<hbm>> -> memref<100000xf32, #tpu.memory_space<hbm>>
      tpu.enqueue_indirect_dma source(%dma_start3A_430 : memref<100000xf32, #tpu.memory_space<hbm>>) target(%dma_start3A_422 : memref<128xf32, #tpu.memory_space<vmem>>) offsets(%dma_start3A_425 : memref<128xi32, #tpu.memory_space<vmem>>) semaphore(%arg7 : memref<!tpu.dma_semaphore, #tpu.memory_space<semaphore_mem>>)
      %mul3A_431 = arith.constant 128 : i32
      %mul3A_432 = arith.muli %scan3A_20, %mul3A_431 : i32
      %dma_start3A_433 = arith.constant 28 : i32
      %dma_start3A_434 = arith.constant 28 : i32
      %dma_start3A_435 = tpu.memref_slice %arg6[%dma_start3A_434, %mul3A_432] : memref<32x1664xf32, #tpu.memory_space<vmem>> -> memref<1x128xf32, #tpu.memory_space<vmem>>
      %dma_start3A_436 = tpu.memref_squeeze %dma_start3A_435 : memref<1x128xf32, #tpu.memory_space<vmem>> -> memref<128xf32, #tpu.memory_space<vmem>>
      %dma_start3A_437 = arith.constant 0 : i32
      %dma_start3A_438 = tpu.memref_slice %arg5[%scan3A_20, %dma_start3A_437] : memref<13x128xi32, #tpu.memory_space<vmem>> -> memref<1x128xi32, #tpu.memory_space<vmem>>
      %dma_start3A_439 = tpu.memref_squeeze %dma_start3A_438 : memref<1x128xi32, #tpu.memory_space<vmem>> -> memref<128xi32, #tpu.memory_space<vmem>>
      %dma_start3A_440 = arith.constant 0 : i32
      %dma_start3A_441 = tpu.memref_slice %arg2[%select_n3A, %dma_start3A_433, %dma_start3A_440] : memref<13x32x100000xf32, #tpu.memory_space<hbm>> -> memref<1x1x100000xf32, #tpu.memory_space<hbm>>
      %dma_start3A_442 = tpu.memref_squeeze %dma_start3A_441 : memref<1x1x100000xf32, #tpu.memory_space<hbm>> -> memref<100000xf32, #tpu.memory_space<hbm>>
      %dma_start3A_443 = arith.constant 0 : i32
      %dma_start3A_444 = tpu.memref_slice %dma_start3A_442[%dma_start3A_443] : memref<100000xf32, #tpu.memory_space<hbm>> -> memref<100000xf32, #tpu.memory_space<hbm>>
      tpu.enqueue_indirect_dma source(%dma_start3A_444 : memref<100000xf32, #tpu.memory_space<hbm>>) target(%dma_start3A_436 : memref<128xf32, #tpu.memory_space<vmem>>) offsets(%dma_start3A_439 : memref<128xi32, #tpu.memory_space<vmem>>) semaphore(%arg7 : memref<!tpu.dma_semaphore, #tpu.memory_space<semaphore_mem>>)
      %mul3A_445 = arith.constant 128 : i32
      %mul3A_446 = arith.muli %scan3A_20, %mul3A_445 : i32
      %dma_start3A_447 = arith.constant 29 : i32
      %dma_start3A_448 = arith.constant 29 : i32
      %dma_start3A_449 = tpu.memref_slice %arg6[%dma_start3A_448, %mul3A_446] : memref<32x1664xf32, #tpu.memory_space<vmem>> -> memref<1x128xf32, #tpu.memory_space<vmem>>
      %dma_start3A_450 = tpu.memref_squeeze %dma_start3A_449 : memref<1x128xf32, #tpu.memory_space<vmem>> -> memref<128xf32, #tpu.memory_space<vmem>>
      %dma_start3A_451 = arith.constant 0 : i32
      %dma_start3A_452 = tpu.memref_slice %arg5[%scan3A_20, %dma_start3A_451] : memref<13x128xi32, #tpu.memory_space<vmem>> -> memref<1x128xi32, #tpu.memory_space<vmem>>
      %dma_start3A_453 = tpu.memref_squeeze %dma_start3A_452 : memref<1x128xi32, #tpu.memory_space<vmem>> -> memref<128xi32, #tpu.memory_space<vmem>>
      %dma_start3A_454 = arith.constant 0 : i32
      %dma_start3A_455 = tpu.memref_slice %arg2[%select_n3A, %dma_start3A_447, %dma_start3A_454] : memref<13x32x100000xf32, #tpu.memory_space<hbm>> -> memref<1x1x100000xf32, #tpu.memory_space<hbm>>
      %dma_start3A_456 = tpu.memref_squeeze %dma_start3A_455 : memref<1x1x100000xf32, #tpu.memory_space<hbm>> -> memref<100000xf32, #tpu.memory_space<hbm>>
      %dma_start3A_457 = arith.constant 0 : i32
      %dma_start3A_458 = tpu.memref_slice %dma_start3A_456[%dma_start3A_457] : memref<100000xf32, #tpu.memory_space<hbm>> -> memref<100000xf32, #tpu.memory_space<hbm>>
      tpu.enqueue_indirect_dma source(%dma_start3A_458 : memref<100000xf32, #tpu.memory_space<hbm>>) target(%dma_start3A_450 : memref<128xf32, #tpu.memory_space<vmem>>) offsets(%dma_start3A_453 : memref<128xi32, #tpu.memory_space<vmem>>) semaphore(%arg7 : memref<!tpu.dma_semaphore, #tpu.memory_space<semaphore_mem>>)
      %mul3A_459 = arith.constant 128 : i32
      %mul3A_460 = arith.muli %scan3A_20, %mul3A_459 : i32
      %dma_start3A_461 = arith.constant 30 : i32
      %dma_start3A_462 = arith.constant 30 : i32
      %dma_start3A_463 = tpu.memref_slice %arg6[%dma_start3A_462, %mul3A_460] : memref<32x1664xf32, #tpu.memory_space<vmem>> -> memref<1x128xf32, #tpu.memory_space<vmem>>
      %dma_start3A_464 = tpu.memref_squeeze %dma_start3A_463 : memref<1x128xf32, #tpu.memory_space<vmem>> -> memref<128xf32, #tpu.memory_space<vmem>>
      %dma_start3A_465 = arith.constant 0 : i32
      %dma_start3A_466 = tpu.memref_slice %arg5[%scan3A_20, %dma_start3A_465] : memref<13x128xi32, #tpu.memory_space<vmem>> -> memref<1x128xi32, #tpu.memory_space<vmem>>
      %dma_start3A_467 = tpu.memref_squeeze %dma_start3A_466 : memref<1x128xi32, #tpu.memory_space<vmem>> -> memref<128xi32, #tpu.memory_space<vmem>>
      %dma_start3A_468 = arith.constant 0 : i32
      %dma_start3A_469 = tpu.memref_slice %arg2[%select_n3A, %dma_start3A_461, %dma_start3A_468] : memref<13x32x100000xf32, #tpu.memory_space<hbm>> -> memref<1x1x100000xf32, #tpu.memory_space<hbm>>
      %dma_start3A_470 = tpu.memref_squeeze %dma_start3A_469 : memref<1x1x100000xf32, #tpu.memory_space<hbm>> -> memref<100000xf32, #tpu.memory_space<hbm>>
      %dma_start3A_471 = arith.constant 0 : i32
      %dma_start3A_472 = tpu.memref_slice %dma_start3A_470[%dma_start3A_471] : memref<100000xf32, #tpu.memory_space<hbm>> -> memref<100000xf32, #tpu.memory_space<hbm>>
      tpu.enqueue_indirect_dma source(%dma_start3A_472 : memref<100000xf32, #tpu.memory_space<hbm>>) target(%dma_start3A_464 : memref<128xf32, #tpu.memory_space<vmem>>) offsets(%dma_start3A_467 : memref<128xi32, #tpu.memory_space<vmem>>) semaphore(%arg7 : memref<!tpu.dma_semaphore, #tpu.memory_space<semaphore_mem>>)
      %mul3A_473 = arith.constant 128 : i32
      %mul3A_474 = arith.muli %scan3A_20, %mul3A_473 : i32
      %dma_start3A_475 = arith.constant 31 : i32
      %dma_start3A_476 = arith.constant 31 : i32
      %dma_start3A_477 = tpu.memref_slice %arg6[%dma_start3A_476, %mul3A_474] : memref<32x1664xf32, #tpu.memory_space<vmem>> -> memref<1x128xf32, #tpu.memory_space<vmem>>
      %dma_start3A_478 = tpu.memref_squeeze %dma_start3A_477 : memref<1x128xf32, #tpu.memory_space<vmem>> -> memref<128xf32, #tpu.memory_space<vmem>>
      %dma_start3A_479 = arith.constant 0 : i32
      %dma_start3A_480 = tpu.memref_slice %arg5[%scan3A_20, %dma_start3A_479] : memref<13x128xi32, #tpu.memory_space<vmem>> -> memref<1x128xi32, #tpu.memory_space<vmem>>
      %dma_start3A_481 = tpu.memref_squeeze %dma_start3A_480 : memref<1x128xi32, #tpu.memory_space<vmem>> -> memref<128xi32, #tpu.memory_space<vmem>>
      %dma_start3A_482 = arith.constant 0 : i32
      %dma_start3A_483 = tpu.memref_slice %arg2[%select_n3A, %dma_start3A_475, %dma_start3A_482] : memref<13x32x100000xf32, #tpu.memory_space<hbm>> -> memref<1x1x100000xf32, #tpu.memory_space<hbm>>
      %dma_start3A_484 = tpu.memref_squeeze %dma_start3A_483 : memref<1x1x100000xf32, #tpu.memory_space<hbm>> -> memref<100000xf32, #tpu.memory_space<hbm>>
      %dma_start3A_485 = arith.constant 0 : i32
      %dma_start3A_486 = tpu.memref_slice %dma_start3A_484[%dma_start3A_485] : memref<100000xf32, #tpu.memory_space<hbm>> -> memref<100000xf32, #tpu.memory_space<hbm>>
      tpu.enqueue_indirect_dma source(%dma_start3A_486 : memref<100000xf32, #tpu.memory_space<hbm>>) target(%dma_start3A_478 : memref<128xf32, #tpu.memory_space<vmem>>) offsets(%dma_start3A_481 : memref<128xi32, #tpu.memory_space<vmem>>) semaphore(%arg7 : memref<!tpu.dma_semaphore, #tpu.memory_space<semaphore_mem>>)
    }
    %scan3A_6 = arith.constant 13 : i32
    %dma_wait3A = arith.constant 0 : i32
    %dma_wait3A_7 = arith.constant 0 : i32
    %dma_wait3A_8 = arith.constant 0 : i32
    %dma_wait3A_9 = tpu.memref_slice %arg4[%dma_wait3A, %dma_wait3A_7, %dma_wait3A_8] : memref<13x32x4096xf32, #tpu.memory_space<hbm>> -> memref<1x32x1664xf32, #tpu.memory_space<hbm>>
    %dma_wait3A_10 = tpu.memref_squeeze %dma_wait3A_9 : memref<1x32x1664xf32, #tpu.memory_space<hbm>> -> memref<32x1664xf32, #tpu.memory_space<hbm>>
    %dma_wait3A_11 = arith.constant 0 : i32
    %dma_wait3A_12 = arith.constant 0 : i32
    %dma_wait3A_13 = tpu.memref_slice %arg4[%dma_wait3A, %dma_wait3A_11, %dma_wait3A_12] : memref<13x32x4096xf32, #tpu.memory_space<hbm>> -> memref<1x32x1664xf32, #tpu.memory_space<hbm>>
    %dma_wait3A_14 = tpu.memref_squeeze %dma_wait3A_13 : memref<1x32x1664xf32, #tpu.memory_space<hbm>> -> memref<32x1664xf32, #tpu.memory_space<hbm>>
    tpu.wait_dma2 semaphore(%arg7 : memref<!tpu.dma_semaphore, #tpu.memory_space<semaphore_mem>>) src(%dma_wait3A_14 : memref<32x1664xf32, #tpu.memory_space<hbm>>) dst(%arg6 : memref<32x1664xf32, #tpu.memory_space<vmem>>)
    %scan3A_15 = arith.constant 0 : i32
    %scan3A_16 = arith.constant 13 : i32
    %scan3A_17 = arith.addi %scan3A_15, %scan3A_16 : i32
    %scan3A_18 = arith.constant 1 : i32
    scf.for %scan3A_20 = %scan3A_15 to %scan3A_17 step %scan3A_18  : i32 {
      %mul3A_21 = arith.constant 128 : i32
      %mul3A_22 = arith.muli %scan3A_20, %mul3A_21 : i32
      %add3A_23 = arith.addi %mul3A_2, %mul3A_22 : i32
      %jit3A = arith.constant 4096 : i32
      %div3A = arith.divsi %add3A_23, %jit3A : i32
      %sign3A = arith.constant 0 : i32
      %sign3A_24 = arith.cmpi sgt, %add3A_23, %sign3A : i32
      %sign3A_25 = arith.extui %sign3A_24 : i1 to i32
      %sign3A_26 = arith.constant 0 : i32
      %sign3A_27 = arith.cmpi slt, %add3A_23, %sign3A_26 : i32
      %sign3A_28 = arith.extui %sign3A_27 : i1 to i32
      %sign3A_29 = arith.subi %sign3A_25, %sign3A_28 : i32
      %sign3A_30 = arith.constant 0 : i32
      %sign3A_31 = arith.cmpi sgt, %jit3A, %sign3A_30 : i32
      %sign3A_32 = arith.extui %sign3A_31 : i1 to i32
      %sign3A_33 = arith.constant 0 : i32
      %sign3A_34 = arith.cmpi slt, %jit3A, %sign3A_33 : i32
      %sign3A_35 = arith.extui %sign3A_34 : i1 to i32
      %sign3A_36 = arith.subi %sign3A_32, %sign3A_35 : i32
      %ne3A = arith.cmpi ne, %sign3A_29, %sign3A_36 : i32
      %rem3A = arith.remsi %add3A_23, %jit3A : i32
      %ne3A_37 = arith.constant 0 : i32
      %ne3A_38 = arith.cmpi ne, %rem3A, %ne3A_37 : i32
      %and3A = arith.andi %ne3A, %ne3A_38 : i1
      %sub3A = arith.constant 1 : i32
      %sub3A_39 = arith.subi %div3A, %sub3A : i32
      %select_n3A = arith.select %and3A, %sub3A_39, %div3A : i32
      %mul3A_40 = arith.constant 4096 : i32
      %mul3A_41 = arith.muli %select_n3A, %mul3A_40 : i32
      %sub3A_42 = arith.subi %add3A_23, %mul3A_41 : i32
      %mul3A_43 = arith.constant 128 : i32
      %mul3A_44 = arith.muli %scan3A_20, %mul3A_43 : i32
      "tpu.region"() ({
        %run_scoped3A = tpu.sem_alloc : memref<!tpu.dma_semaphore, #tpu.memory_space<semaphore_mem>>
        %dma_start3A = arith.constant 0 : i32
        %dma_start3A_45 = tpu.memref_slice %arg6[%dma_start3A, %mul3A_44] : memref<32x1664xf32, #tpu.memory_space<vmem>> -> memref<32x128xf32, #tpu.memory_space<vmem>>
        %dma_start3A_46 = arith.constant 0 : i32
        %dma_start3A_47 = tpu.memref_slice %arg4[%select_n3A, %dma_start3A_46, %sub3A_42] : memref<13x32x4096xf32, #tpu.memory_space<hbm>> -> memref<1x32x128xf32, #tpu.memory_space<hbm>>
        %dma_start3A_48 = tpu.memref_squeeze %dma_start3A_47 : memref<1x32x128xf32, #tpu.memory_space<hbm>> -> memref<32x128xf32, #tpu.memory_space<hbm>>
        %dma_start3A_49 = arith.constant 0 : i32
        %dma_start3A_50 = tpu.memref_slice %arg4[%select_n3A, %dma_start3A_49, %sub3A_42] : memref<13x32x4096xf32, #tpu.memory_space<hbm>> -> memref<1x32x128xf32, #tpu.memory_space<hbm>>
        %dma_start3A_51 = tpu.memref_squeeze %dma_start3A_50 : memref<1x32x128xf32, #tpu.memory_space<hbm>> -> memref<32x128xf32, #tpu.memory_space<hbm>>
        %dma_start3A_52 = arith.constant 0 : i32
        %dma_start3A_53 = tpu.memref_slice %arg6[%dma_start3A_52, %mul3A_44] : memref<32x1664xf32, #tpu.memory_space<vmem>> -> memref<32x128xf32, #tpu.memory_space<vmem>>
        tpu.enqueue_dma source(%dma_start3A_53 : memref<32x128xf32, #tpu.memory_space<vmem>>) target(%dma_start3A_51 : memref<32x128xf32, #tpu.memory_space<hbm>>) target_semaphore(%run_scoped3A : memref<!tpu.dma_semaphore, #tpu.memory_space<semaphore_mem>>)
        %dma_wait3A_54 = arith.constant 0 : i32
        %dma_wait3A_55 = tpu.memref_slice %arg6[%dma_wait3A_54, %mul3A_44] : memref<32x1664xf32, #tpu.memory_space<vmem>> -> memref<32x128xf32, #tpu.memory_space<vmem>>
        %dma_wait3A_56 = arith.constant 0 : i32
        %dma_wait3A_57 = tpu.memref_slice %arg4[%select_n3A, %dma_wait3A_56, %sub3A_42] : memref<13x32x4096xf32, #tpu.memory_space<hbm>> -> memref<1x32x128xf32, #tpu.memory_space<hbm>>
        %dma_wait3A_58 = tpu.memref_squeeze %dma_wait3A_57 : memref<1x32x128xf32, #tpu.memory_space<hbm>> -> memref<32x128xf32, #tpu.memory_space<hbm>>
        %dma_wait3A_59 = arith.constant 0 : i32
        %dma_wait3A_60 = tpu.memref_slice %arg4[%select_n3A, %dma_wait3A_59, %sub3A_42] : memref<13x32x4096xf32, #tpu.memory_space<hbm>> -> memref<1x32x128xf32, #tpu.memory_space<hbm>>
        %dma_wait3A_61 = tpu.memref_squeeze %dma_wait3A_60 : memref<1x32x128xf32, #tpu.memory_space<hbm>> -> memref<32x128xf32, #tpu.memory_space<hbm>>
        %dma_wait3A_62 = arith.constant 0 : i32
        %dma_wait3A_63 = tpu.memref_slice %arg6[%dma_wait3A_62, %mul3A_44] : memref<32x1664xf32, #tpu.memory_space<vmem>> -> memref<32x128xf32, #tpu.memory_space<vmem>>
        tpu.wait_dma2 semaphore(%run_scoped3A : memref<!tpu.dma_semaphore, #tpu.memory_space<semaphore_mem>>) src(%dma_wait3A_63 : memref<32x128xf32, #tpu.memory_space<vmem>>) dst(%dma_wait3A_61 : memref<32x128xf32, #tpu.memory_space<hbm>>)
        tpu.yield
      }) : () -> ()
    }
    %scan3A_19 = arith.constant 13 : i32
    return
  }
}

</mosaic_0001>

<sc_bundles>
// kernel: emb_gather_s0.3.cloned.1.call-start
scs
__scs_entry_jumppad:
0x0: {  	(pc) =	sbr.rel $0x88, $3  }
0x1: {  	(tag) =	ssettag $0x0;
	lr =	simm.s32 $0x1  }
0x2: {  	[smem:$0x3F9F] =	sst lr;
	_ =	strace $0xD0000000  }
0x3: {  	_ = 	snop  }
0x4: {  	_ = 	snop  }
0x5: {  	_ = 	snop  }
0x6: {  	_ = 	snop  }
0x7: {  	_ = 	snop  }
__scs_overlays_trampoline_lowered:
0x8: {  	[smem:$0x3FAE] =	sst s0  }
0x9: {  	[smem:$0x3FAF] =	sst s1  }
0xa: {  	[smem:$0x3FB0] =	sst s2  }
0xb: {  	[smem:$0x3FB1] =	sst s3  }
0xc: {  	[smem:$0x3FB2] =	sst s4  }
0xd: {  	[smem:$0x3FB3] =	sst s5  }
0xe: {  	[smem:$0x3FB4] =	sst s6  }
0xf: {  	[smem:$0x3FB5] =	sst s7  }
0x10: {  	[smem:$0x3FB6] =	sst s8  }
0x11: {  	[smem:$0x3FB7] =	sst s9;
	s0 =	simm.s32 @!p0 $0x0  }
0x12: {  	s1 =	sld [smem:$0x3F9D];
	s0 =	simm.s32 @p0 $0x1  }
0x13: {  	[smem:$0x3FB8] =	sst s0;
	s0 =	simm.s32 @!p1 $0x0  }
0x14: {  	s2 =	sld [smem:$0x3F9C];
	s0 =	simm.s32 @p1 $0x1  }
0x15: {  	[smem:$0x3FB9] =	sst s0;
	s0 =	simm.s32 @!p2 $0x0  }
0x16: {  	s3 =	sld [smem:$0x3FDB];
	s0 =	simm.s32 @p2 $0x1  }
0x17: {  	s4 =	simm.s32 $0x1BF5;
	[smem:$0x3FBB] =	sst s0  }
0x18: {  	s0 =	sld [smem:$0x3F9E];
	_ =	swait.ge [sflag:s4], $0x0  }
0x19: {  	s7 =	sld [smem:$0x3F9F]  }
0x1a: {  	s8 =	sadd.s32 $0xFFFFE003, lr  }
0x1b: {  	s9 =	sadd.s32 $0xFFFFFEF7, lr;
	s5 =	simm.s32 $0xFFFFFFFF;
	p2 =	slt.u32 s8, $0xFFFFF086  }
0x1c: {  	p1 =	slt.u32 s9, $0xF7A;
	s5 =	simm.s32 @!p2 $0x0  }
0x1d: {  	s5 =	simm.s32 @p1 $0x1;
	p0 =	seq.s32 s7, s2  }
0x1e: {  	s7 =	smul.u32 @!p0 $0xF7A, s2;
	p2 =	seq.s32 @!p0 s5, $0x0  }
0x1f: {  	s9 =	smul.u32 $0xF7A, s1;
	s8 =	simm.s32 @!p0 $0x1BF5;
	p2 =	por !p2, p0  }
0x20: {  	[sflag:s8] =	ssyncset.s32 @!p0 $0xFFFFF086;
	s6 =	sadd.s32 @!p0 s3, s7;
	s7 =	simm.s32 @!p0 $0x108  }
0x21: {  	s3 =	sadd.s32 s3, s9;
	s6 =	sadd.s32 @!p0 $0x88, s6;
	s7 =	simm.s32 @p2 $0x1082  }
0x22: {  	[simem:s7], [sflag:s8] =	dma.local @!p0 [hbm:s6], $0xF7A  }
0x23: {  	s9 =	sor.u32 $0xD0000000, s2;
	s6 =	simm.s32 $0x108;
	_ =	swait.ge @!p0 [sflag:s8], $0x0  }
0x24: {  	s3 =	sadd.s32 $0x88, s3;
	s6 =	simm.s32 @!p1 $0x1082;
	[sflag:s4] =	ssyncset.s32 $0xFFFFF086  }
0x25: {  	[simem:s6], [sflag:s4] =	dma.local [hbm:s3], $0xF7A  }
0x26: {  	[smem:$0x3F9F] =	sst s1;
	(tag) =	ssettag s2;
	_ =	strace s9  }
0x27: {  	s1 =	sld [smem:$0x3FAF]  }
0x28: {  	s2 =	sld [smem:$0x3FB0]  }
0x29: {  	s4 =	sld [smem:$0x3FB2]  }
0x2a: {  	p0 =	seq.s32 s5, $0x0;
	s5 =	sld [smem:$0x3FB3]  }
0x2b: {  	s6 =	sld [smem:$0x3FB4]  }
0x2c: {  	s7 =	sld [smem:$0x3FB5]  }
0x2d: {  	s3 =	simm.s32 $0x108;
	s8 =	sld [smem:$0x3FB6]  }
0x2e: {  	s3 =	simm.s32 @!p0 $0x1082;
	s9 =	sld [smem:$0x3FB7]  }
0x2f: {  	lr =	sadd.s32 s0, s3;
	s0 =	sld [smem:$0x3FAE]  }
0x30: {  	s3 =	sld [smem:$0x3FB1]  }
0x31: {  	[smem:$0x3FBA] =	sst s10  }
0x32: {  	s10 =	sld [smem:$0x3FB8];
	_ =	sdelay $0x3  }
0x33: {  	p0 =	seq.s32 s10, $0x1;
	s10 =	sld [smem:$0x3FBA];
	_ =	sdelay $0x3  }
0x34: {  	[smem:$0x3FBA] =	sst s10  }
0x35: {  	s10 =	sld [smem:$0x3FB9];
	_ =	sdelay $0x3  }
0x36: {  	p1 =	seq.s32 s10, $0x1;
	s10 =	sld [smem:$0x3FBA];
	_ =	sdelay $0x3  }
0x37: {  	[smem:$0x3FBA] =	sst s10  }
0x38: {  	s10 =	sld [smem:$0x3FBB]  }
0x39: {  	_ = 	snop;
	(pc) =	sbr.ind lr, $3  }
0x3a: {  	_ = 	snop  }
0x3b: {  	_ = 	snop  }
0x3c: {  	p2 =	seq.s32 s10, $0x1;
	s10 =	sld [smem:$0x3FBA]  }
0x3d: {  	_ =	shalt  }
0x3e: {  	_ =	shalt  }
0x3f: {  	_ =	shalt  }
0x40: {  	_ =	shalt  }
0x41: {  	_ =	shalt  }
0x42: {  	_ =	shalt  }
0x43: {  	_ =	shalt  }
0x44: {  	_ =	shalt  }
0x45: {  	_ =	shalt  }
0x46: {  	_ =	shalt  }
0x47: {  	_ =	shalt  }
0x48: {  	_ =	shalt  }
0x49: {  	_ =	shalt  }
0x4a: {  	_ =	shalt  }
0x4b: {  	_ =	shalt  }
0x4c: {  	_ =	shalt  }
0x4d: {  	_ =	shalt  }
0x4e: {  	_ =	shalt  }
0x4f: {  	_ =	shalt  }
0x50: {  	_ =	shalt  }
0x51: {  	_ =	shalt  }
0x52: {  	_ =	shalt  }
0x53: {  	_ =	shalt  }
0x54: {  	_ =	shalt  }
0x55: {  	_ =	shalt  }
0x56: {  	_ =	shalt  }
0x57: {  	_ =	shalt  }
0x58: {  	_ =	shalt  }
0x59: {  	_ =	shalt  }
0x5a: {  	_ =	shalt  }
0x5b: {  	_ =	shalt  }
0x5c: {  	_ =	shalt  }
0x5d: {  	_ =	shalt  }
0x5e: {  	_ =	shalt  }
0x5f: {  	_ =	shalt  }
0x60: {  	_ =	shalt  }
0x61: {  	_ =	shalt  }
0x62: {  	_ =	shalt  }
0x63: {  	_ =	shalt  }
0x64: {  	_ =	shalt  }
0x65: {  	_ =	shalt  }
0x66: {  	_ =	shalt  }
0x67: {  	_ =	shalt  }
0x68: {  	_ =	shalt  }
0x69: {  	_ =	shalt  }
0x6a: {  	_ =	shalt  }
0x6b: {  	_ =	shalt  }
0x6c: {  	_ =	shalt  }
0x6d: {  	_ =	shalt  }
0x6e: {  	_ =	shalt  }
0x6f: {  	_ =	shalt  }
0x70: {  	_ =	shalt  }
0x71: {  	_ =	shalt  }
0x72: {  	_ =	shalt  }
0x73: {  	_ =	shalt  }
0x74: {  	_ =	shalt  }
0x75: {  	_ =	shalt  }
0x76: {  	_ =	shalt  }
0x77: {  	_ =	shalt  }
0x78: {  	_ =	shalt  }
0x79: {  	_ =	shalt  }
0x7a: {  	_ =	shalt  }
0x7b: {  	_ =	shalt  }
0x7c: {  	_ =	shalt  }
0x7d: {  	_ =	shalt  }
0x7e: {  	_ =	shalt  }
0x7f: {  	_ =	shalt  }
0x80: {  	_ =	shalt  }
0x81: {  	_ =	shalt  }
0x82: {  	_ =	shalt  }
0x83: {  	_ =	shalt  }
0x84: {  	_ =	shalt  }
0x85: {  	_ =	shalt  }
0x86: {  	_ =	shalt  }
0x87: {  	_ =	shalt  }
.Lfunc_end0:
.L_simem_size_0:
called_computation_lowered:
.L_overlay_start_0:
0x88: {  	s2 =	sld [smem:$0x3FD9]  }
0x89: {  	s3 =	sld [smem:$0x3FFE];
	_ =	sdelay $0x1  }
0x8a: {  	s1 =	srdreg.scid  }
0x8b: {  	s0 =	sand.u32 $0x1, s1  }
0x8c: {  	s17 =	sshll.u32 s0, $0xA;
	s2 =	sadd.s32 s3, s2  }
0x8d: {  	s2 =	sadd.s32 s2, s17  }
0x8e: {  	[smem:$0x3FC6] =	sst s2  }
0x8f: {  	_ = 	snop  }
0x90: {  	s18 =	sld [smem:$0x3FD0];
	(tm) =	ssettm $0x1  }
0x91: {  	s19 =	sld [smem:$0x3FFB];
	_ =	sdelay $0x3  }
0x92: {  	_ =	strace s19  }
0x93: {  	s2 =	sld [smem:$0x3FFC];
	_ =	sdelay $0x3  }
0x94: {  	_ =	strace s2  }
0x95: {  	s2 =	sld [smem:$0x3FFD];
	_ =	sdelay $0x3  }
0x96: {  	_ =	strace s2  }
0x97: {  	_ =	strace $0x8FFFFFFF  }
0x98: {  	s20 =	sld [smem:$0x3FDB];
	_ =	sdelay $0x1  }
0x99: {  	s4 =	simm.s32 $_scs_section_size  }
0x9a: {  	s5 =	simm.s32 $_size__tile_overlayer_lowered;
	s6 =	simm.s32 $_tile_overlayer_lowered  }
0x9b: {  	s7 =	simm.s32 $0x1BFF;
	s21 =	sshll.u32 s6, $0x1;
	s4 =	sadd.s32 s4, s20  }
0x9c: {  	s22 =	simm.s32 $0x0;
	s5 =	sshll.u32 s5, $0x1;
	s6 =	sadd.s32 s21, s4  }
0x9d: {  	[timem:s22], [sflag:s7] =	dma.local [hbm:s6], s5  }
0x9e: {  	_ =	swait.ge [sflag:s7], s5  }
0x9f: {  	s5 =	ssub.s32 $0x0, s5;
	[sflag:s7] =	ssyncset.done $0x0  }
0xa0: {  	[sflag:s7] =	ssyncadd.s32 s5;
	_ =	sdelay $0x1  }
0xa1: {  	s23 =	simm.s32 $0x1B8B  }
0xa2: {  	_ =	swait.ge [sflag:s23], $0x1  }
0xa3: {  	[sflag:s23] =	ssyncset.done $0x0  }
0xa4: {  	[sflag:s23] =	ssyncadd.s32 $0xFFFFFFFF  }
0xa5: {  	s5 =	sld [smem:$0x0]  }
0xa6: {  	s6 =	sand.u32 $0xFFFFFFFE, s1  }
0xa7: {  	p0 =	sne.s32 s1, s6  }
0xa8: {  	s6 =	sshll.u32 @p0 s6, $0xE  }
0xa9: {  	s6 =	sadd.s32 @p0 $0x11B8D, s6;
	s7 =	sshll.u32 @p0 s5, $0x11  }
0xaa: {  	s6 =	sor.u32 @p0 s7, s6  }
0xab: {  	[sflag:s6] =	ssyncadd.remote.s32 @p0 $0x1;
	_ =	sdelay $0x1  }
0xac: {  	s6 =	simm.s32 @p0 $0x1B8D  }
0xad: {  	_ =	swait.eq @p0 [sflag:s6], $0x1  }
0xae: {  	[sflag:s6] =	ssyncadd.s32 @p0 $0xFFFFFFFF  }
0xaf: {  	s7 =	sshll.u32 @!p0 s1, $0xE  }
0xb0: {  	s7 =	sor.u32 @!p0 $0x4000, s7;
	s6 =	simm.s32 @!p0 $0x1B8D  }
0xb1: {  	s5 =	sshll.u32 @!p0 s5, $0x11;
	s7 =	sadd.s32 @!p0 $0x11B8D, s7;
	_ =	swait.eq @!p0 [sflag:s6], $0x1  }
0xb2: {  	s5 =	sor.u32 @!p0 s5, s7;
	[sflag:s6] =	ssyncadd.s32 @!p0 $0xFFFFFFFF  }
0xb3: {  	s25 =	simm.s32 $0x1B8E;
	s24 =	sld [smem:$0x3FFE];
	[sflag:s5] =	ssyncadd.remote.s32 @!p0 $0x1  }
0xb4: {  	s26 =	simm.s32 $execute0_lowered;
	[smem:$0x3FD2] =	sst s25  }
0xb5: {  	s6 =	sshll.u32 s26, $0x1;
	_ =	strace $0x80000049;
	[dreg:$0x1] =	wrdreg $0xFFFFFFFF  }
0xb6: {  	s28 =	simm.s32 $_size_execute0_lowered;
	s4 =	sadd.s32 s4, s6;
	[dreg:$0x0] =	wrdreg $0x0  }
0xb7: {  	s6 =	sshll.u32 s28, $0x1;
	[dreg:$0x2] =	wrdreg s4  }
0xb8: {  	[dreg:$0x3] =	wrdreg s6  }
0xb9: {  	[dreg:$0x4] =	wrdreg $0xC0  }
0xba: {  	_ =	task [dreg:s22], $0x5FFFF  }
0xbb: {  	[dreg:$0x1] =	wrdreg $0xFFFFFFFF  }
0xbc: {  	[dreg:$0x0] =	wrdreg $0x60  }
0xbd: {  	[dreg:$0x2] =	wrdreg s24  }
0xbe: {  	[dreg:$0x3] =	wrdreg s18  }
0xbf: {  	[dreg:$0x4] =	wrdreg $0x9  }
0xc0: {  	_ =	task.clear_ibuf [dreg:s22], $0x5FFFF;
	_ =	strace $0x90000049  }
0xc1: {  	s29 =	simm.s32 $0x9;
	_ =	strace $0x8000004B  }
0xc2: {  	_ =	swait.ge [sflag:s29], $0x1  }
0xc3: {  	[sflag:s29] =	ssyncadd.s32 $0xFFFFFFFF  }
0xc4: {  	_ =	strace $0x9000004B  }
0xc5: {  	_ =	sfence  }
0xc6: {  	s30 =	sld [smem:$0x0];
	_ =	sdelay $0x2  }
0xc7: {  	s31 =	sshll.u32 s1, $0xD;
	s1 =	sshrl.u32 s1, $0x2  }
0xc8: {  	s4 =	sand.u32 $0x4000, s31;
	s1 =	sadd.s32 s1, s30  }
0xc9: {  	s0 =	sor.u32 s4, s0;
	s1 =	sshll.u32 s1, $0x11  }
0xca: {  	s0 =	sor.u32 s1, s0  }
0xcb: {  	s0 =	sadd.s32 $0x8F2B, s0  }
0xcc: {  	[sflag:s0] =	ssyncadd.remote.s32 $0x1  }
0xcd: {  	_ =	sfence.sel $0xFFFF  }
0xce: {  	[dreg:$0x0] =	wrdreg $0xFFFFFFFF;
	(pc) =	sbr.abs _section_cstart, $3  }
0xcf: {  	[dreg:$0x1] =	wrdreg $0xFFFFFFFF  }
0xd0: {  	_ =	task.clear_ibuf [dreg:s22], $0x2FFFF;
	_ =	strace $0x9FFFFFFF  }
0xd1: {  	(tm) =	ssettm $0x7FFFFFFF  }
tec
execute0_lowered:
.L_overlay_start_1:
0x0: {  	(tag) =	ssettag $0x1  }
0x1: {  	s5 =	rddreg [dreg:$0x0];
	s1 =	srdreg.scid  }
0x2: {  	s0 =	stileid.u32;
	s2 =	rddreg [dreg:$0x1]  }
0x3: {  	s3 =	simm.s32 $0x0;
	s6 =	sand.u32 $0x1, s1;
	s1 =	rddreg [dreg:$0x2]  }
0x4: {  	s4 =	sshll.u32 s0, $0x1;
	[smem:$0x7FF] =	sst s3;
	s10 =	smul.u32 $0xD00, s0  }
0x5: {  	s4 =	sor.u32 s6, s4;
	s9 =	ssub.s32 $0x2, s6;
	s11 =	smul.u32 $0x680, s6  }
0x6: {  	s7 =	sadd.s32 $0xEE4200, s5;
	s4 =	smul.u32 $0x680, s4;
	s30 =	sshrl.u32 s9, $0x1  }
0x7: {  	_ =	strace $0x8000004A;
	[dreg:$0x3] =	wrdreg s7;
	s31 =	ssub.s32 s9, s30  }
0x8: {  	s7 =	sadd.s32 s11, s10;
	s9 =	simm.s32 $0x80;
	s8 =	sshrl.u32 s4, $0x3  }
0x9: {  	s10 =	simm.s32 $0x1;
	s11 =	simm.s32 $0x0;
	s5 =	sadd.s32 s8, s5  }
0xa: {  	s6 =	smax.u32 s31, $0x1;
	s8 =	simm.s32 $0x2;
	s5 =	sadd.s32 $0x36A00, s5  }
.LBB2_1:
0xb: {  	[tilespmem:s3], [sflag:$0x2] =	stream.linear.gather [hbm4b:s5+s3], $0x680, $0x38;
	[tilespmem:$0xD680] =	vst v63  }
0xc: {  	s12 =	sshrl.u32 s7, $0xC  }
0xd: {  	s12 =	smul.u32 $0x30D400, s12  }
0xe: {  	s15 =	simm.s32 $0x680;
	_ =	swait.ge [sflag:s8], $0x680  }
0xf: {  	s13 =	rddreg [dreg:$0x3];
	[sflag:s8] =	ssyncset.done $0x0;
	s14 =	sshrl.u32 s12, $0x3  }
0x10: {  	[sflag:s8] =	ssyncadd.s32 $0xFFFFF980;
	s12 =	simm.s32 $0x0;
	s16 =	sadd.s32 s13, s14  }
0x11: {  	[tilespmem:s15], [sflag:$0x1] =	stream.indirect.gather [hbm4b:s16+s9], $0x1, s12, s9, $0xb8;
	[tilespmem:$0xD680] =	vst v63  }
0x12: {  	s20 =	simm.s32 $0xD00;
	s14 =	sadd.s32 $0x30D4, s16  }
0x13: {  	[tilespmem:s20], [sflag:$0x1] =	stream.indirect.gather [hbm4b:s14+s9], $0x1, s12, s9, $0xb8;
	[tilespmem:$0xD680] =	vst v63  }
0x14: {  	s21 =	simm.s32 $0x1380;
	s22 =	sadd.s32 $0x61A8, s16  }
0x15: {  	[tilespmem:s21], [sflag:$0x1] =	stream.indirect.gather [hbm4b:s22+s9], $0x1, s12, s9, $0xb8;
	[tilespmem:$0xD680] =	vst v63  }
0x16: {  	s23 =	simm.s32 $0x1A00;
	s24 =	sadd.s32 $0x927C, s16  }
0x17: {  	[tilespmem:s23], [sflag:$0x1] =	stream.indirect.gather [hbm4b:s24+s9], $0x1, s12, s9, $0xb8;
	[tilespmem:$0xD680] =	vst v63  }
0x18: {  	s25 =	simm.s32 $0x2080;
	s26 =	sadd.s32 $0xC350, s16  }
0x19: {  	[tilespmem:s25], [sflag:$0x1] =	stream.indirect.gather [hbm4b:s26+s9], $0x1, s12, s9, $0xb8;
	[tilespmem:$0xD680] =	vst v63  }
0x1a: {  	s28 =	simm.s32 $0x2700;
	s29 =	sadd.s32 $0xF424, s16  }
0x1b: {  	[tilespmem:s28], [sflag:$0x1] =	stream.indirect.gather [hbm4b:s29+s9], $0x1, s12, s9, $0xb8;
	[tilespmem:$0xD680] =	vst v63  }
0x1c: {  	s30 =	simm.s32 $0x2D80;
	s31 =	sadd.s32 $0x124F8, s16  }
0x1d: {  	[tilespmem:s30], [sflag:$0x1] =	stream.indirect.gather [hbm4b:s31+s9], $0x1, s12, s9, $0xb8;
	[tilespmem:$0xD680] =	vst v63  }
0x1e: {  	s15 =	sadd.s32 $0x155CC, s16;
	s14 =	simm.s32 $0x3400  }
0x1f: {  	[tilespmem:s14], [sflag:$0x1] =	stream.indirect.gather [hbm4b:s15+s9], $0x1, s12, s9, $0xb8;
	[tilespmem:$0xD680] =	vst v63  }
0x20: {  	s17 =	simm.s32 $0x3A80;
	s18 =	sadd.s32 $0x186A0, s16  }
0x21: {  	[tilespmem:s17], [sflag:$0x1] =	stream.indirect.gather [hbm4b:s18+s9], $0x1, s12, s9, $0xb8;
	[tilespmem:$0xD680] =	vst v63  }
0x22: {  	s19 =	simm.s32 $0x4100;
	s20 =	sadd.s32 $0x1B774, s16  }
0x23: {  	[tilespmem:s19], [sflag:$0x1] =	stream.indirect.gather [hbm4b:s20+s9], $0x1, s12, s9, $0xb8;
	[tilespmem:$0xD680] =	vst v63  }
0x24: {  	s21 =	simm.s32 $0x4780;
	s22 =	sadd.s32 $0x1E848, s16  }
0x25: {  	[tilespmem:s21], [sflag:$0x1] =	stream.indirect.gather [hbm4b:s22+s9], $0x1, s12, s9, $0xb8;
	[tilespmem:$0xD680] =	vst v63  }
0x26: {  	s23 =	simm.s32 $0x4E00;
	s24 =	sadd.s32 $0x2191C, s16  }
0x27: {  	[tilespmem:s23], [sflag:$0x1] =	stream.indirect.gather [hbm4b:s24+s9], $0x1, s12, s9, $0xb8;
	[tilespmem:$0xD680] =	vst v63  }
0x28: {  	s25 =	simm.s32 $0x5480;
	s26 =	sadd.s32 $0x249F0, s16  }
0x29: {  	[tilespmem:s25], [sflag:$0x1] =	stream.indirect.gather [hbm4b:s26+s9], $0x1, s12, s9, $0xb8;
	[tilespmem:$0xD680] =	vst v63  }
0x2a: {  	s28 =	simm.s32 $0x5B00;
	s29 =	sadd.s32 $0x27AC4, s16  }
0x2b: {  	[tilespmem:s28], [sflag:$0x1] =	stream.indirect.gather [hbm4b:s29+s9], $0x1, s12, s9, $0xb8;
	[tilespmem:$0xD680] =	vst v63  }
0x2c: {  	s30 =	simm.s32 $0x6180;
	s31 =	sadd.s32 $0x2AB98, s16  }
0x2d: {  	[tilespmem:s30], [sflag:$0x1] =	stream.indirect.gather [hbm4b:s31+s9], $0x1, s12, s9, $0xb8;
	[tilespmem:$0xD680] =	vst v63  }
0x2e: {  	s14 =	simm.s32 $0x6800;
	s15 =	sadd.s32 $0x2DC6C, s16  }
0x2f: {  	[tilespmem:s14], [sflag:$0x1] =	stream.indirect.gather [hbm4b:s15+s9], $0x1, s12, s9, $0xb8;
	[tilespmem:$0xD680] =	vst v63  }
0x30: {  	s17 =	simm.s32 $0x6E80;
	s18 =	sadd.s32 $0x30D40, s16  }
0x31: {  	[tilespmem:s17], [sflag:$0x1] =	stream.indirect.gather [hbm4b:s18+s9], $0x1, s12, s9, $0xb8;
	[tilespmem:$0xD680] =	vst v63  }
0x32: {  	s19 =	simm.s32 $0x7500;
	s20 =	sadd.s32 $0x33E14, s16  }
0x33: {  	[tilespmem:s19], [sflag:$0x1] =	stream.indirect.gather [hbm4b:s20+s9], $0x1, s12, s9, $0xb8;
	[tilespmem:$0xD680] =	vst v63  }
0x34: {  	s21 =	simm.s32 $0x7B80;
	s22 =	sadd.s32 $0x36EE8, s16  }
0x35: {  	[tilespmem:s21], [sflag:$0x1] =	stream.indirect.gather [hbm4b:s22+s9], $0x1, s12, s9, $0xb8;
	[tilespmem:$0xD680] =	vst v63  }
0x36: {  	s23 =	simm.s32 $0x8200;
	s24 =	sadd.s32 $0x39FBC, s16  }
0x37: {  	[tilespmem:s23], [sflag:$0x1] =	stream.indirect.gather [hbm4b:s24+s9], $0x1, s12, s9, $0xb8;
	[tilespmem:$0xD680] =	vst v63  }
0x38: {  	s25 =	simm.s32 $0x8880;
	s26 =	sadd.s32 $0x3D090, s16  }
0x39: {  	[tilespmem:s25], [sflag:$0x1] =	stream.indirect.gather [hbm4b:s26+s9], $0x1, s12, s9, $0xb8;
	[tilespmem:$0xD680] =	vst v63  }
0x3a: {  	s28 =	simm.s32 $0x8F00;
	s29 =	sadd.s32 $0x40164, s16  }
0x3b: {  	[tilespmem:s28], [sflag:$0x1] =	stream.indirect.gather [hbm4b:s29+s9], $0x1, s12, s9, $0xb8;
	[tilespmem:$0xD680] =	vst v63  }
0x3c: {  	s30 =	simm.s32 $0x9580;
	s31 =	sadd.s32 $0x43238, s16  }
0x3d: {  	[tilespmem:s30], [sflag:$0x1] =	stream.indirect.gather [hbm4b:s31+s9], $0x1, s12, s9, $0xb8;
	[tilespmem:$0xD680] =	vst v63  }
0x3e: {  	s15 =	simm.s32 $0x9C00;
	s17 =	sadd.s32 $0x4630C, s16  }
0x3f: {  	[tilespmem:s15], [sflag:$0x1] =	stream.indirect.gather [hbm4b:s17+s9], $0x1, s12, s9, $0xb8;
	[tilespmem:$0xD680] =	vst v63  }
0x40: {  	s18 =	simm.s32 $0xA280;
	s19 =	sadd.s32 $0x493E0, s16  }
0x41: {  	[tilespmem:s18], [sflag:$0x1] =	stream.indirect.gather [hbm4b:s19+s9], $0x1, s12, s9, $0xb8;
	[tilespmem:$0xD680] =	vst v63  }
0x42: {  	s20 =	simm.s32 $0xA900;
	s21 =	sadd.s32 $0x4C4B4, s16  }
0x43: {  	[tilespmem:s20], [sflag:$0x1] =	stream.indirect.gather [hbm4b:s21+s9], $0x1, s12, s9, $0xb8;
	[tilespmem:$0xD680] =	vst v63  }
0x44: {  	s13 =	sadd.s32 $0x80, s7;
	s22 =	simm.s32 $0xAF80;
	s23 =	sadd.s32 $0x4F588, s16  }
0x45: {  	[tilespmem:s22], [sflag:$0x1] =	stream.indirect.gather [hbm4b:s23+s9], $0x1, s12, s9, $0xb8;
	[tilespmem:$0xD680] =	vst v63  }
0x46: {  	s14 =	simm.s32 $0x400;
	s24 =	simm.s32 $0xB600;
	s25 =	sadd.s32 $0x5265C, s16  }
0x47: {  	[tilespmem:s24], [sflag:$0x1] =	stream.indirect.gather [hbm4b:s25+s9], $0x1, s12, s9, $0xb8;
	[tilespmem:$0xD680] =	vst v63  }
0x48: {  	s26 =	simm.s32 $0xBC80;
	s28 =	sadd.s32 $0x55730, s16;
	s29 =	simm.s32 $0xC300  }
0x49: {  	[tilespmem:s26], [sflag:$0x1] =	stream.indirect.gather [hbm4b:s28+s9], $0x1, s12, s9, $0xb8;
	[tilespmem:$0xD680] =	vst v63  }
0x4a: {  	s30 =	sadd.s32 $0x58804, s16;
	s31 =	simm.s32 $0xC980;
	s15 =	simm.s32 $0x200  }
0x4b: {  	[tilespmem:s29], [sflag:$0x1] =	stream.indirect.gather [hbm4b:s30+s9], $0x1, s12, s9, $0xb8;
	[tilespmem:$0xD680] =	vst v63  }
0x4c: {  	s17 =	sadd.s32 $0x5B8D8, s16;
	s16 =	sadd.s32 $0x5E9AC, s16;
	s18 =	sshrl.u32 s13, $0xC  }
0x4d: {  	[tilespmem:s31], [sflag:$0x1] =	stream.indirect.gather [hbm4b:s17+s9], $0x1, s12, s9, $0xb8;
	[tilespmem:$0xD680] =	vst v63  }
0x4e: {  	s19 =	smul.u32 $0x30D400, s18;
	s18 =	rddreg [dreg:$0x3];
	s17 =	simm.s32 $0xD000  }
.LBB2_2:
0x4f: {  	[tilespmem:s17], [sflag:$0x1] =	stream.indirect.gather [hbm4b:s16+s9], $0x1, s12, s9, $0xb8;
	[tilespmem:$0xD680] =	vst v63  }
0x50: {  	s12 =	sshra.s32 s15, $0x2;
	s30 =	sshrl.u32 s19, $0x3  }
0x51: {  	s31 =	sadd.s32 $0x680, s12;
	s16 =	sadd.s32 s18, s30  }
0x52: {  	[tilespmem:s31], [sflag:$0x1] =	stream.indirect.gather [hbm4b:s16+s9], $0x1, s12, s9, $0xb8;
	[tilespmem:$0xD680] =	vst v63  }
0x53: {  	s19 =	sadd.s32 $0xD00, s12;
	s20 =	sadd.s32 $0x30D4, s16  }
0x54: {  	[tilespmem:s19], [sflag:$0x1] =	stream.indirect.gather [hbm4b:s20+s9], $0x1, s12, s9, $0xb8;
	[tilespmem:$0xD680] =	vst v63  }
0x55: {  	s21 =	sadd.s32 $0x1380, s12;
	s22 =	sadd.s32 $0x61A8, s16  }
0x56: {  	[tilespmem:s21], [sflag:$0x1] =	stream.indirect.gather [hbm4b:s22+s9], $0x1, s12, s9, $0xb8;
	[tilespmem:$0xD680] =	vst v63  }
0x57: {  	s23 =	sadd.s32 $0x1A00, s12;
	s24 =	sadd.s32 $0x927C, s16  }
0x58: {  	[tilespmem:s23], [sflag:$0x1] =	stream.indirect.gather [hbm4b:s24+s9], $0x1, s12, s9, $0xb8;
	[tilespmem:$0xD680] =	vst v63  }
0x59: {  	s29 =	smov.u32 s14;
	s25 =	sadd.s32 $0x2080, s12;
	s26 =	sadd.s32 $0xC350, s16  }
0x5a: {  	[tilespmem:s25], [sflag:$0x1] =	stream.indirect.gather [hbm4b:s26+s9], $0x1, s12, s9, $0xb8;
	[tilespmem:$0xD680] =	vst v63  }
0x5b: {  	s15 =	smov.u32 s29;
	s28 =	sadd.s32 $0x2700, s12;
	s29 =	sadd.s32 $0xF424, s16  }
0x5c: {  	[tilespmem:s28], [sflag:$0x1] =	stream.indirect.gather [hbm4b:s29+s9], $0x1, s12, s9, $0xb8;
	[tilespmem:$0xD680] =	vst v63  }
0x5d: {  	s30 =	sadd.s32 $0x2D80, s12;
	s31 =	sadd.s32 $0x124F8, s16  }
0x5e: {  	[tilespmem:s30], [sflag:$0x1] =	stream.indirect.gather [hbm4b:s31+s9], $0x1, s12, s9, $0xb8;
	[tilespmem:$0xD680] =	vst v63  }
0x5f: {  	s19 =	sadd.s32 $0x3400, s12;
	s20 =	sadd.s32 $0x155CC, s16  }
0x60: {  	[tilespmem:s19], [sflag:$0x1] =	stream.indirect.gather [hbm4b:s20+s9], $0x1, s12, s9, $0xb8;
	[tilespmem:$0xD680] =	vst v63  }
0x61: {  	s21 =	sadd.s32 $0x3A80, s12;
	s22 =	sadd.s32 $0x186A0, s16  }
0x62: {  	[tilespmem:s21], [sflag:$0x1] =	stream.indirect.gather [hbm4b:s22+s9], $0x1, s12, s9, $0xb8;
	[tilespmem:$0xD680] =	vst v63  }
0x63: {  	s23 =	sadd.s32 $0x4100, s12;
	s24 =	sadd.s32 $0x1B774, s16  }
0x64: {  	[tilespmem:s23], [sflag:$0x1] =	stream.indirect.gather [hbm4b:s24+s9], $0x1, s12, s9, $0xb8;
	[tilespmem:$0xD680] =	vst v63  }
0x65: {  	s25 =	sadd.s32 $0x4780, s12;
	s26 =	sadd.s32 $0x1E848, s16  }
0x66: {  	[tilespmem:s25], [sflag:$0x1] =	stream.indirect.gather [hbm4b:s26+s9], $0x1, s12, s9, $0xb8;
	[tilespmem:$0xD680] =	vst v63  }
0x67: {  	s28 =	sadd.s32 $0x4E00, s12;
	s29 =	sadd.s32 $0x2191C, s16  }
0x68: {  	[tilespmem:s28], [sflag:$0x1] =	stream.indirect.gather [hbm4b:s29+s9], $0x1, s12, s9, $0xb8;
	[tilespmem:$0xD680] =	vst v63  }
0x69: {  	s30 =	sadd.s32 $0x5480, s12;
	s31 =	sadd.s32 $0x249F0, s16  }
0x6a: {  	[tilespmem:s30], [sflag:$0x1] =	stream.indirect.gather [hbm4b:s31+s9], $0x1, s12, s9, $0xb8;
	[tilespmem:$0xD680] =	vst v63  }
0x6b: {  	s19 =	sadd.s32 $0x5B00, s12;
	s20 =	sadd.s32 $0x27AC4, s16  }
0x6c: {  	[tilespmem:s19], [sflag:$0x1] =	stream.indirect.gather [hbm4b:s20+s9], $0x1, s12, s9, $0xb8;
	[tilespmem:$0xD680] =	vst v63  }
0x6d: {  	s21 =	sadd.s32 $0x6180, s12;
	s22 =	sadd.s32 $0x2AB98, s16  }
0x6e: {  	[tilespmem:s21], [sflag:$0x1] =	stream.indirect.gather [hbm4b:s22+s9], $0x1, s12, s9, $0xb8;
	[tilespmem:$0xD680] =	vst v63  }
0x6f: {  	s23 =	sadd.s32 $0x6800, s12;
	s24 =	sadd.s32 $0x2DC6C, s16  }
0x70: {  	[tilespmem:s23], [sflag:$0x1] =	stream.indirect.gather [hbm4b:s24+s9], $0x1, s12, s9, $0xb8;
	[tilespmem:$0xD680] =	vst v63  }
0x71: {  	s25 =	sadd.s32 $0x6E80, s12;
	s26 =	sadd.s32 $0x30D40, s16  }
0x72: {  	[tilespmem:s25], [sflag:$0x1] =	stream.indirect.gather [hbm4b:s26+s9], $0x1, s12, s9, $0xb8;
	[tilespmem:$0xD680] =	vst v63  }
0x73: {  	s28 =	sadd.s32 $0x7500, s12;
	s29 =	sadd.s32 $0x33E14, s16  }
0x74: {  	[tilespmem:s28], [sflag:$0x1] =	stream.indirect.gather [hbm4b:s29+s9], $0x1, s12, s9, $0xb8;
	[tilespmem:$0xD680] =	vst v63  }
0x75: {  	s30 =	sadd.s32 $0x7B80, s12;
	s31 =	sadd.s32 $0x36EE8, s16  }
0x76: {  	[tilespmem:s30], [sflag:$0x1] =	stream.indirect.gather [hbm4b:s31+s9], $0x1, s12, s9, $0xb8;
	[tilespmem:$0xD680] =	vst v63  }
0x77: {  	s19 =	sadd.s32 $0x8200, s12;
	s20 =	sadd.s32 $0x39FBC, s16  }
0x78: {  	[tilespmem:s19], [sflag:$0x1] =	stream.indirect.gather [hbm4b:s20+s9], $0x1, s12, s9, $0xb8;
	[tilespmem:$0xD680] =	vst v63  }
0x79: {  	s21 =	sadd.s32 $0x8880, s12;
	s22 =	sadd.s32 $0x3D090, s16  }
0x7a: {  	[tilespmem:s21], [sflag:$0x1] =	stream.indirect.gather [hbm4b:s22+s9], $0x1, s12, s9, $0xb8;
	[tilespmem:$0xD680] =	vst v63  }
0x7b: {  	s23 =	sadd.s32 $0x8F00, s12;
	s24 =	sadd.s32 $0x40164, s16  }
0x7c: {  	[tilespmem:s23], [sflag:$0x1] =	stream.indirect.gather [hbm4b:s24+s9], $0x1, s12, s9, $0xb8;
	[tilespmem:$0xD680] =	vst v63  }
0x7d: {  	s25 =	sadd.s32 $0x9580, s12;
	s26 =	sadd.s32 $0x43238, s16  }
0x7e: {  	[tilespmem:s25], [sflag:$0x1] =	stream.indirect.gather [hbm4b:s26+s9], $0x1, s12, s9, $0xb8;
	[tilespmem:$0xD680] =	vst v63  }
0x7f: {  	s28 =	sadd.s32 $0x9C00, s12;
	s29 =	sadd.s32 $0x4630C, s16  }
0x80: {  	[tilespmem:s28], [sflag:$0x1] =	stream.indirect.gather [hbm4b:s29+s9], $0x1, s12, s9, $0xb8;
	[tilespmem:$0xD680] =	vst v63  }
0x81: {  	s30 =	sadd.s32 $0xA280, s12;
	s31 =	sadd.s32 $0x493E0, s16  }
0x82: {  	[tilespmem:s30], [sflag:$0x1] =	stream.indirect.gather [hbm4b:s31+s9], $0x1, s12, s9, $0xb8;
	[tilespmem:$0xD680] =	vst v63  }
0x83: {  	p0 =	sne.s32 s14, $0x1800;
	s19 =	sadd.s32 $0xA900, s12;
	s20 =	sadd.s32 $0x4C4B4, s16  }
0x84: {  	[tilespmem:s19], [sflag:$0x1] =	stream.indirect.gather [hbm4b:s20+s9], $0x1, s12, s9, $0xb8;
	[tilespmem:$0xD680] =	vst v63  }
0x85: {  	s14 =	sadd.s32 $0x200, s14;
	s21 =	sadd.s32 $0xAF80, s12;
	s22 =	sadd.s32 $0x4F588, s16  }
0x86: {  	[tilespmem:s21], [sflag:$0x1] =	stream.indirect.gather [hbm4b:s22+s9], $0x1, s12, s9, $0xb8;
	[tilespmem:$0xD680] =	vst v63  }
0x87: {  	s13 =	sadd.s32 $0x80, s13;
	s23 =	sadd.s32 $0xB600, s12;
	s24 =	sadd.s32 $0x5265C, s16  }
0x88: {  	[tilespmem:s23], [sflag:$0x1] =	stream.indirect.gather [hbm4b:s24+s9], $0x1, s12, s9, $0xb8;
	[tilespmem:$0xD680] =	vst v63  }
0x89: {  	s17 =	sadd.s32 $0xD000, s12;
	s25 =	sadd.s32 $0xBC80, s12;
	s26 =	sadd.s32 $0x55730, s16  }
0x8a: {  	[tilespmem:s25], [sflag:$0x1] =	stream.indirect.gather [hbm4b:s26+s9], $0x1, s12, s9, $0xb8;
	[tilespmem:$0xD680] =	vst v63  }
.Ltmp0:
0x8b: {  	s18 =	rddreg [dreg:$0x3];
	s28 =	sadd.s32 $0xC300, s12;
	(pc) =	sbr.rel @p0 .LBB2_2-.Ltmp0, $4  }
0x8c: {  	s29 =	sadd.s32 $0x58804, s16;
	s30 =	sshrl.u32 s13, $0xC;
	s31 =	sadd.s32 $0xC980, s12  }
0x8d: {  	[tilespmem:s28], [sflag:$0x1] =	stream.indirect.gather [hbm4b:s29+s9], $0x1, s12, s9, $0xb8;
	[tilespmem:$0xD680] =	vst v63  }
0x8e: {  	s20 =	sadd.s32 $0x5B8D8, s16;
	s19 =	smul.u32 $0x30D400, s30;
	s16 =	sadd.s32 $0x5E9AC, s16  }
0x8f: {  	[tilespmem:s31], [sflag:$0x1] =	stream.indirect.gather [hbm4b:s20+s9], $0x1, s12, s9, $0xb8;
	[tilespmem:$0xD680] =	vst v63  }
0x90: {  	[tilespmem:s17], [sflag:$0x1] =	stream.indirect.gather [hbm4b:s16+s9], $0x1, s12, s9, $0xb8;
	[tilespmem:$0xD680] =	vst v63  }
0x91: {  	s12 =	sshra.s32 s15, $0x2;
	s13 =	sshrl.u32 s19, $0x3  }
0x92: {  	s14 =	sadd.s32 $0x680, s12;
	s13 =	sadd.s32 s18, s13  }
0x93: {  	[tilespmem:s14], [sflag:$0x1] =	stream.indirect.gather [hbm4b:s13+s9], $0x1, s12, s9, $0xb8;
	[tilespmem:$0xD680] =	vst v63  }
0x94: {  	s17 =	sadd.s32 $0xD00, s12;
	s18 =	sadd.s32 $0x30D4, s13  }
0x95: {  	[tilespmem:s17], [sflag:$0x1] =	stream.indirect.gather [hbm4b:s18+s9], $0x1, s12, s9, $0xb8;
	[tilespmem:$0xD680] =	vst v63  }
0x96: {  	s19 =	sadd.s32 $0x1380, s12;
	s20 =	sadd.s32 $0x61A8, s13  }
0x97: {  	[tilespmem:s19], [sflag:$0x1] =	stream.indirect.gather [hbm4b:s20+s9], $0x1, s12, s9, $0xb8;
	[tilespmem:$0xD680] =	vst v63  }
0x98: {  	s21 =	sadd.s32 $0x1A00, s12;
	s22 =	sadd.s32 $0x927C, s13  }
0x99: {  	[tilespmem:s21], [sflag:$0x1] =	stream.indirect.gather [hbm4b:s22+s9], $0x1, s12, s9, $0xb8;
	[tilespmem:$0xD680] =	vst v63  }
0x9a: {  	s23 =	sadd.s32 $0x2080, s12;
	s24 =	sadd.s32 $0xC350, s13  }
0x9b: {  	[tilespmem:s23], [sflag:$0x1] =	stream.indirect.gather [hbm4b:s24+s9], $0x1, s12, s9, $0xb8;
	[tilespmem:$0xD680] =	vst v63  }
0x9c: {  	s25 =	sadd.s32 $0x2700, s12;
	s26 =	sadd.s32 $0xF424, s13  }
0x9d: {  	[tilespmem:s25], [sflag:$0x1] =	stream.indirect.gather [hbm4b:s26+s9], $0x1, s12, s9, $0xb8;
	[tilespmem:$0xD680] =	vst v63  }
0x9e: {  	s28 =	sadd.s32 $0x2D80, s12;
	s29 =	sadd.s32 $0x124F8, s13  }
0x9f: {  	[tilespmem:s28], [sflag:$0x1] =	stream.indirect.gather [hbm4b:s29+s9], $0x1, s12, s9, $0xb8;
	[tilespmem:$0xD680] =	vst v63  }
0xa0: {  	s30 =	sadd.s32 $0x3400, s12;
	s31 =	sadd.s32 $0x155CC, s13  }
0xa1: {  	[tilespmem:s30], [sflag:$0x1] =	stream.indirect.gather [hbm4b:s31+s9], $0x1, s12, s9, $0xb8;
	[tilespmem:$0xD680] =	vst v63  }
0xa2: {  	s15 =	sadd.s32 $0x3A80, s12;
	s16 =	sadd.s32 $0x186A0, s13  }
0xa3: {  	[tilespmem:s15], [sflag:$0x1] =	stream.indirect.gather [hbm4b:s16+s9], $0x1, s12, s9, $0xb8;
	[tilespmem:$0xD680] =	vst v63  }
0xa4: {  	s17 =	sadd.s32 $0x4100, s12;
	s18 =	sadd.s32 $0x1B774, s13  }
0xa5: {  	[tilespmem:s17], [sflag:$0x1] =	stream.indirect.gather [hbm4b:s18+s9], $0x1, s12, s9, $0xb8;
	[tilespmem:$0xD680] =	vst v63  }
0xa6: {  	s19 =	sadd.s32 $0x4780, s12;
	s20 =	sadd.s32 $0x1E848, s13  }
0xa7: {  	[tilespmem:s19], [sflag:$0x1] =	stream.indirect.gather [hbm4b:s20+s9], $0x1, s12, s9, $0xb8;
	[tilespmem:$0xD680] =	vst v63  }
0xa8: {  	s21 =	sadd.s32 $0x4E00, s12;
	s22 =	sadd.s32 $0x2191C, s13  }
0xa9: {  	[tilespmem:s21], [sflag:$0x1] =	stream.indirect.gather [hbm4b:s22+s9], $0x1, s12, s9, $0xb8;
	[tilespmem:$0xD680] =	vst v63  }
0xaa: {  	s23 =	sadd.s32 $0x5480, s12;
	s24 =	sadd.s32 $0x249F0, s13  }
0xab: {  	[tilespmem:s23], [sflag:$0x1] =	stream.indirect.gather [hbm4b:s24+s9], $0x1, s12, s9, $0xb8;
	[tilespmem:$0xD680] =	vst v63  }
0xac: {  	s25 =	sadd.s32 $0x5B00, s12;
	s26 =	sadd.s32 $0x27AC4, s13  }
0xad: {  	[tilespmem:s25], [sflag:$0x1] =	stream.indirect.gather [hbm4b:s26+s9], $0x1, s12, s9, $0xb8;
	[tilespmem:$0xD680] =	vst v63  }
0xae: {  	s28 =	sadd.s32 $0x6180, s12;
	s29 =	sadd.s32 $0x2AB98, s13  }
0xaf: {  	[tilespmem:s28], [sflag:$0x1] =	stream.indirect.gather [hbm4b:s29+s9], $0x1, s12, s9, $0xb8;
	[tilespmem:$0xD680] =	vst v63  }
0xb0: {  	s30 =	sadd.s32 $0x6800, s12;
	s31 =	sadd.s32 $0x2DC6C, s13  }
0xb1: {  	[tilespmem:s30], [sflag:$0x1] =	stream.indirect.gather [hbm4b:s31+s9], $0x1, s12, s9, $0xb8;
	[tilespmem:$0xD680] =	vst v63  }
0xb2: {  	s15 =	sadd.s32 $0x6E80, s12;
	s16 =	sadd.s32 $0x30D40, s13  }
0xb3: {  	[tilespmem:s15], [sflag:$0x1] =	stream.indirect.gather [hbm4b:s16+s9], $0x1, s12, s9, $0xb8;
	[tilespmem:$0xD680] =	vst v63  }
0xb4: {  	s17 =	sadd.s32 $0x7500, s12;
	s18 =	sadd.s32 $0x33E14, s13  }
0xb5: {  	[tilespmem:s17], [sflag:$0x1] =	stream.indirect.gather [hbm4b:s18+s9], $0x1, s12, s9, $0xb8;
	[tilespmem:$0xD680] =	vst v63  }
0xb6: {  	s19 =	sadd.s32 $0x7B80, s12;
	s20 =	sadd.s32 $0x36EE8, s13  }
0xb7: {  	[tilespmem:s19], [sflag:$0x1] =	stream.indirect.gather [hbm4b:s20+s9], $0x1, s12, s9, $0xb8;
	[tilespmem:$0xD680] =	vst v63  }
0xb8: {  	s21 =	sadd.s32 $0x8200, s12;
	s22 =	sadd.s32 $0x39FBC, s13  }
0xb9: {  	[tilespmem:s21], [sflag:$0x1] =	stream.indirect.gather [hbm4b:s22+s9], $0x1, s12, s9, $0xb8;
	[tilespmem:$0xD680] =	vst v63  }
0xba: {  	s23 =	sadd.s32 $0x8880, s12;
	s24 =	sadd.s32 $0x3D090, s13  }
0xbb: {  	[tilespmem:s23], [sflag:$0x1] =	stream.indirect.gather [hbm4b:s24+s9], $0x1, s12, s9, $0xb8;
	[tilespmem:$0xD680] =	vst v63  }
0xbc: {  	s25 =	sadd.s32 $0x8F00, s12;
	s26 =	sadd.s32 $0x40164, s13  }
0xbd: {  	[tilespmem:s25], [sflag:$0x1] =	stream.indirect.gather [hbm4b:s26+s9], $0x1, s12, s9, $0xb8;
	[tilespmem:$0xD680] =	vst v63  }
0xbe: {  	s28 =	sadd.s32 $0x9580, s12;
	s29 =	sadd.s32 $0x43238, s13  }
0xbf: {  	[tilespmem:s28], [sflag:$0x1] =	stream.indirect.gather [hbm4b:s29+s9], $0x1, s12, s9, $0xb8;
	[tilespmem:$0xD680] =	vst v63  }
0xc0: {  	s30 =	sadd.s32 $0x9C00, s12;
	s31 =	sadd.s32 $0x4630C, s13  }
0xc1: {  	[tilespmem:s30], [sflag:$0x1] =	stream.indirect.gather [hbm4b:s31+s9], $0x1, s12, s9, $0xb8;
	[tilespmem:$0xD680] =	vst v63  }
0xc2: {  	s16 =	sadd.s32 $0xA280, s12;
	s17 =	sadd.s32 $0x493E0, s13  }
0xc3: {  	[tilespmem:s16], [sflag:$0x1] =	stream.indirect.gather [hbm4b:s17+s9], $0x1, s12, s9, $0xb8;
	[tilespmem:$0xD680] =	vst v63  }
0xc4: {  	s18 =	sadd.s32 $0xA900, s12;
	s19 =	sadd.s32 $0x4C4B4, s13  }
0xc5: {  	[tilespmem:s18], [sflag:$0x1] =	stream.indirect.gather [hbm4b:s19+s9], $0x1, s12, s9, $0xb8;
	[tilespmem:$0xD680] =	vst v63  }
0xc6: {  	s20 =	sadd.s32 $0xAF80, s12;
	s21 =	sadd.s32 $0x4F588, s13  }
0xc7: {  	[tilespmem:s20], [sflag:$0x1] =	stream.indirect.gather [hbm4b:s21+s9], $0x1, s12, s9, $0xb8;
	[tilespmem:$0xD680] =	vst v63  }
0xc8: {  	s22 =	sadd.s32 $0xB600, s12;
	s23 =	sadd.s32 $0x5265C, s13  }
0xc9: {  	[tilespmem:s22], [sflag:$0x1] =	stream.indirect.gather [hbm4b:s23+s9], $0x1, s12, s9, $0xb8;
	[tilespmem:$0xD680] =	vst v63  }
0xca: {  	s24 =	sadd.s32 $0xBC80, s12;
	s25 =	sadd.s32 $0x55730, s13  }
0xcb: {  	[tilespmem:s24], [sflag:$0x1] =	stream.indirect.gather [hbm4b:s25+s9], $0x1, s12, s9, $0xb8;
	[tilespmem:$0xD680] =	vst v63  }
0xcc: {  	s26 =	sadd.s32 $0xC300, s12;
	s28 =	sadd.s32 $0x58804, s13  }
0xcd: {  	[tilespmem:s26], [sflag:$0x1] =	stream.indirect.gather [hbm4b:s28+s9], $0x1, s12, s9, $0xb8;
	[tilespmem:$0xD680] =	vst v63  }
0xce: {  	s29 =	sadd.s32 $0xC980, s12;
	s30 =	sadd.s32 $0x5B8D8, s13  }
0xcf: {  	[tilespmem:s29], [sflag:$0x1] =	stream.indirect.gather [hbm4b:s30+s9], $0x1, s12, s9, $0xb8;
	[tilespmem:$0xD680] =	vst v63  }
0xd0: {  	s31 =	sadd.s32 $0xD000, s12;
	s13 =	sadd.s32 $0x5E9AC, s13  }
0xd1: {  	[tilespmem:s31], [sflag:$0x1] =	stream.indirect.gather [hbm4b:s13+s9], $0x1, s12, s9, $0xb8;
	[tilespmem:$0xD680] =	vst v63  }
0xd2: {  	_ =	swait.ge [sflag:s10], $0xD000  }
0xd3: {  	[sflag:s10] =	ssyncset.done $0x0  }
0xd4: {  	s12 =	simm.s32 $0x0;
	s13 =	simm.s32 $0x680;
	[sflag:s10] =	ssyncadd.s32 $0xFFFF3000  }
.LBB2_4:
0xd5: {  	s14 =	sshll.u32 s12, $0x7  }
0xd6: {  	s14 =	sadd.s32 s4, s14  }
0xd7: {  	s15 =	sshll.u32 s14, $0x5  }
0xd8: {  	s14 =	sand.u32 $0xF80, s14;
	s15 =	sand.u32 $0x7FFE0000, s15  }
0xd9: {  	s14 =	sor.u32 s14, s15  }
0xda: {  	s14 =	sshrl.u32 s14, $0x3  }
0xdb: {  	s16 =	sadd.s32 $0x680, s13;
	s14 =	sadd.s32 s2, s14  }
0xdc: {  	s17 =	smov.u32 s13;
	s15 =	simm.s32 $0x200;
	s18 =	sadd.s32 $0x0, s14  }
.LBB2_5:
0xdd: {  	[hbm4b:s18+s3] =	stream.linear.scatter [tilespmem:s17], [sflag:$0x2], $0x80, $0x38;
	[tilespmem:$0xD680] =	vst v63  }
0xde: {  	s18 =	smov.u32 s15;
	s17 =	smov.u32 s16;
	p0 =	sne.s32 s15, $0x3E00  }
.Ltmp1:
0xdf: {  	s15 =	sadd.s32 $0x200, s15;
	(pc) =	sbr.rel @p0 .LBB2_5-.Ltmp1, $2  }
0xe0: {  	_ =	sdelay $0x2  }
0xe1: {  	s16 =	sadd.s32 $0x680, s16;
	s18 =	sadd.s32 s18, s14  }
0xe2: {  	s12 =	sadd.s32 $0x1, s12  }
0xe3: {  	p0 =	sne.s32 s12, $0xD  }
.Ltmp2:
0xe4: {  	_ = 	snop;
	(pc) =	sbr.rel @p0 .LBB2_4-.Ltmp2, $4  }
0xe5: {  	[hbm4b:s18+s3] =	stream.linear.scatter [tilespmem:s17], [sflag:$0x2], $0x80, $0x38;
	[tilespmem:$0xD680] =	vst v63  }
0xe6: {  	_ =	swait.ge [sflag:s8], $0x1000  }
0xe7: {  	[sflag:s8] =	ssyncset.done $0x0  }
0xe8: {  	s13 =	sadd.s32 $0x80, s13;
	[sflag:s8] =	ssyncadd.s32 $0xFFFFF000  }
0xe9: {  	s11 =	sadd.s32 $0x1, s11  }
0xea: {  	p0 =	sne.s32 s11, s6  }
.Ltmp3:
0xeb: {  	_ = 	snop;
	(pc) =	sbr.rel @p0 .LBB2_1-.Ltmp3, $1  }
0xec: {  	_ =	sdelay $0x3  }
0xed: {  	_ =	sfence.sel $0x180000  }
0xee: {  	[bflag:$0x0] =	sbarrier.arrive $0xFFFF  }
0xef: {  	p0 =	sne.s32 s0, $0x0;
	_ =	strace $0x9000004A  }
0xf0: {  	s0 =	sadd.s32 @!p0 $0x100000, s1;
	[bflag:$0x2] =	sbarrier.arrive $0xFFFF  }
0xf1: {  	[sflag:s0] =	ssyncadd.tile.s32 @!p0 $0x1;
	_ =	shalt  }
.Lfunc_end2:
_tile_overlayer_lowered:
.L_overlay_start_2:
0xf2: {  	(tag) =	ssettag $0x2  }
0xf3: {  	s0 =	rddreg [dreg:$0x0];
	s2 =	stileid.u32  }
0xf4: {  	s1 =	rddreg [dreg:$0x1];
	p0 =	sne.s32 s2, $0x0  }
0xf5: {  	s3 =	rddreg [dreg:$0x2];
	[bflag:$0x3] =	sbarrier.arrive $0xFFFF;
	s2 =	simm.s32 @!p0 $0x1C02  }
0xf6: {  	[timem:s3], [sflag:s2] =	dma.local @!p0 [hbm:s0], s1  }
0xf7: {  	s0 =	simm.s32 @!p0 $0x2  }
0xf8: {  	_ =	swait.ge @!p0 [sflag:s0], s1  }
0xf9: {  	s1 =	ssub.s32 @!p0 $0x0, s1;
	[sflag:s0] =	ssyncset.done @!p0 $0x0  }
0xfa: {  	[sflag:s0] =	ssyncadd.s32 @!p0 s1  }
0xfb: {  	[bflag:$0x3] =	sbarrier.arrive $0xFFFF  }
0xfc: {  	_ =	shalt  }

// kernel: emb_gather_s1.3.cloned.1.call-start
scs
__scs_entry_jumppad:
0x0: {  	(pc) =	sbr.rel $0x88, $3  }
0x1: {  	(tag) =	ssettag $0x0;
	lr =	simm.s32 $0x1  }
0x2: {  	[smem:$0x3F9F] =	sst lr;
	_ =	strace $0xD0000000  }
0x3: {  	_ = 	snop  }
0x4: {  	_ = 	snop  }
0x5: {  	_ = 	snop  }
0x6: {  	_ = 	snop  }
0x7: {  	_ = 	snop  }
__scs_overlays_trampoline_lowered:
0x8: {  	[smem:$0x3FAE] =	sst s0  }
0x9: {  	[smem:$0x3FAF] =	sst s1  }
0xa: {  	[smem:$0x3FB0] =	sst s2  }
0xb: {  	[smem:$0x3FB1] =	sst s3  }
0xc: {  	[smem:$0x3FB2] =	sst s4  }
0xd: {  	[smem:$0x3FB3] =	sst s5  }
0xe: {  	[smem:$0x3FB4] =	sst s6  }
0xf: {  	[smem:$0x3FB5] =	sst s7  }
0x10: {  	[smem:$0x3FB6] =	sst s8  }
0x11: {  	[smem:$0x3FB7] =	sst s9;
	s0 =	simm.s32 @!p0 $0x0  }
0x12: {  	s1 =	sld [smem:$0x3F9D];
	s0 =	simm.s32 @p0 $0x1  }
0x13: {  	[smem:$0x3FB8] =	sst s0;
	s0 =	simm.s32 @!p1 $0x0  }
0x14: {  	s2 =	sld [smem:$0x3F9C];
	s0 =	simm.s32 @p1 $0x1  }
0x15: {  	[smem:$0x3FB9] =	sst s0;
	s0 =	simm.s32 @!p2 $0x0  }
0x16: {  	s3 =	sld [smem:$0x3FDB];
	s0 =	simm.s32 @p2 $0x1  }
0x17: {  	s4 =	simm.s32 $0x1BF5;
	[smem:$0x3FBB] =	sst s0  }
0x18: {  	s0 =	sld [smem:$0x3F9E];
	_ =	swait.ge [sflag:s4], $0x0  }
0x19: {  	s7 =	sld [smem:$0x3F9F]  }
0x1a: {  	s8 =	sadd.s32 $0xFFFFE003, lr  }
0x1b: {  	s9 =	sadd.s32 $0xFFFFFEF7, lr;
	s5 =	simm.s32 $0xFFFFFFFF;
	p2 =	slt.u32 s8, $0xFFFFF086  }
0x1c: {  	p1 =	slt.u32 s9, $0xF7A;
	s5 =	simm.s32 @!p2 $0x0  }
0x1d: {  	s5 =	simm.s32 @p1 $0x1;
	p0 =	seq.s32 s7, s2  }
0x1e: {  	s7 =	smul.u32 @!p0 $0xF7A, s2;
	p2 =	seq.s32 @!p0 s5, $0x0  }
0x1f: {  	s9 =	smul.u32 $0xF7A, s1;
	s8 =	simm.s32 @!p0 $0x1BF5;
	p2 =	por !p2, p0  }
0x20: {  	[sflag:s8] =	ssyncset.s32 @!p0 $0xFFFFF086;
	s6 =	sadd.s32 @!p0 s3, s7;
	s7 =	simm.s32 @!p0 $0x108  }
0x21: {  	s3 =	sadd.s32 s3, s9;
	s6 =	sadd.s32 @!p0 $0x88, s6;
	s7 =	simm.s32 @p2 $0x1082  }
0x22: {  	[simem:s7], [sflag:s8] =	dma.local @!p0 [hbm:s6], $0xF7A  }
0x23: {  	s9 =	sor.u32 $0xD0000000, s2;
	s6 =	simm.s32 $0x108;
	_ =	swait.ge @!p0 [sflag:s8], $0x0  }
0x24: {  	s3 =	sadd.s32 $0x88, s3;
	s6 =	simm.s32 @!p1 $0x1082;
	[sflag:s4] =	ssyncset.s32 $0xFFFFF086  }
0x25: {  	[simem:s6], [sflag:s4] =	dma.local [hbm:s3], $0xF7A  }
0x26: {  	[smem:$0x3F9F] =	sst s1;
	(tag) =	ssettag s2;
	_ =	strace s9  }
0x27: {  	s1 =	sld [smem:$0x3FAF]  }
0x28: {  	s2 =	sld [smem:$0x3FB0]  }
0x29: {  	s4 =	sld [smem:$0x3FB2]  }
0x2a: {  	p0 =	seq.s32 s5, $0x0;
	s5 =	sld [smem:$0x3FB3]  }
0x2b: {  	s6 =	sld [smem:$0x3FB4]  }
0x2c: {  	s7 =	sld [smem:$0x3FB5]  }
0x2d: {  	s3 =	simm.s32 $0x108;
	s8 =	sld [smem:$0x3FB6]  }
0x2e: {  	s3 =	simm.s32 @!p0 $0x1082;
	s9 =	sld [smem:$0x3FB7]  }
0x2f: {  	lr =	sadd.s32 s0, s3;
	s0 =	sld [smem:$0x3FAE]  }
0x30: {  	s3 =	sld [smem:$0x3FB1]  }
0x31: {  	[smem:$0x3FBA] =	sst s10  }
0x32: {  	s10 =	sld [smem:$0x3FB8];
	_ =	sdelay $0x3  }
0x33: {  	p0 =	seq.s32 s10, $0x1;
	s10 =	sld [smem:$0x3FBA];
	_ =	sdelay $0x3  }
0x34: {  	[smem:$0x3FBA] =	sst s10  }
0x35: {  	s10 =	sld [smem:$0x3FB9];
	_ =	sdelay $0x3  }
0x36: {  	p1 =	seq.s32 s10, $0x1;
	s10 =	sld [smem:$0x3FBA];
	_ =	sdelay $0x3  }
0x37: {  	[smem:$0x3FBA] =	sst s10  }
0x38: {  	s10 =	sld [smem:$0x3FBB]  }
0x39: {  	_ = 	snop;
	(pc) =	sbr.ind lr, $3  }
0x3a: {  	_ = 	snop  }
0x3b: {  	_ = 	snop  }
0x3c: {  	p2 =	seq.s32 s10, $0x1;
	s10 =	sld [smem:$0x3FBA]  }
0x3d: {  	_ =	shalt  }
0x3e: {  	_ =	shalt  }
0x3f: {  	_ =	shalt  }
0x40: {  	_ =	shalt  }
0x41: {  	_ =	shalt  }
0x42: {  	_ =	shalt  }
0x43: {  	_ =	shalt  }
0x44: {  	_ =	shalt  }
0x45: {  	_ =	shalt  }
0x46: {  	_ =	shalt  }
0x47: {  	_ =	shalt  }
0x48: {  	_ =	shalt  }
0x49: {  	_ =	shalt  }
0x4a: {  	_ =	shalt  }
0x4b: {  	_ =	shalt  }
0x4c: {  	_ =	shalt  }
0x4d: {  	_ =	shalt  }
0x4e: {  	_ =	shalt  }
0x4f: {  	_ =	shalt  }
0x50: {  	_ =	shalt  }
0x51: {  	_ =	shalt  }
0x52: {  	_ =	shalt  }
0x53: {  	_ =	shalt  }
0x54: {  	_ =	shalt  }
0x55: {  	_ =	shalt  }
0x56: {  	_ =	shalt  }
0x57: {  	_ =	shalt  }
0x58: {  	_ =	shalt  }
0x59: {  	_ =	shalt  }
0x5a: {  	_ =	shalt  }
0x5b: {  	_ =	shalt  }
0x5c: {  	_ =	shalt  }
0x5d: {  	_ =	shalt  }
0x5e: {  	_ =	shalt  }
0x5f: {  	_ =	shalt  }
0x60: {  	_ =	shalt  }
0x61: {  	_ =	shalt  }
0x62: {  	_ =	shalt  }
0x63: {  	_ =	shalt  }
0x64: {  	_ =	shalt  }
0x65: {  	_ =	shalt  }
0x66: {  	_ =	shalt  }
0x67: {  	_ =	shalt  }
0x68: {  	_ =	shalt  }
0x69: {  	_ =	shalt  }
0x6a: {  	_ =	shalt  }
0x6b: {  	_ =	shalt  }
0x6c: {  	_ =	shalt  }
0x6d: {  	_ =	shalt  }
0x6e: {  	_ =	shalt  }
0x6f: {  	_ =	shalt  }
0x70: {  	_ =	shalt  }
0x71: {  	_ =	shalt  }
0x72: {  	_ =	shalt  }
0x73: {  	_ =	shalt  }
0x74: {  	_ =	shalt  }
0x75: {  	_ =	shalt  }
0x76: {  	_ =	shalt  }
0x77: {  	_ =	shalt  }
0x78: {  	_ =	shalt  }
0x79: {  	_ =	shalt  }
0x7a: {  	_ =	shalt  }
0x7b: {  	_ =	shalt  }
0x7c: {  	_ =	shalt  }
0x7d: {  	_ =	shalt  }
0x7e: {  	_ =	shalt  }
0x7f: {  	_ =	shalt  }
0x80: {  	_ =	shalt  }
0x81: {  	_ =	shalt  }
0x82: {  	_ =	shalt  }
0x83: {  	_ =	shalt  }
0x84: {  	_ =	shalt  }
0x85: {  	_ =	shalt  }
0x86: {  	_ =	shalt  }
0x87: {  	_ =	shalt  }
.Lfunc_end0:
.L_simem_size_0:
called_computation.1_lowered:
.L_overlay_start_0:
0x88: {  	s2 =	sld [smem:$0x3FD9]  }
0x89: {  	s3 =	sld [smem:$0x3FFE];
	_ =	sdelay $0x1  }
0x8a: {  	s1 =	srdreg.scid  }
0x8b: {  	s0 =	sand.u32 $0x1, s1  }
0x8c: {  	s16 =	sshll.u32 s0, $0xA;
	s2 =	sadd.s32 s3, s2  }
0x8d: {  	s2 =	sadd.s32 s2, s16  }
0x8e: {  	[smem:$0x3FC6] =	sst s2  }
0x8f: {  	_ = 	snop  }
0x90: {  	(tm) =	ssettm $0x1  }
0x91: {  	s17 =	sld [smem:$0x3FFB];
	_ =	sdelay $0x3  }
0x92: {  	_ =	strace s17  }
0x93: {  	s2 =	sld [smem:$0x3FFC];
	_ =	sdelay $0x3  }
0x94: {  	_ =	strace s2  }
0x95: {  	s2 =	sld [smem:$0x3FFD];
	_ =	sdelay $0x3  }
0x96: {  	_ =	strace s2  }
0x97: {  	_ =	strace $0x8FFFFFFF  }
0x98: {  	s18 =	sld [smem:$0x3FDB];
	_ =	sdelay $0x1  }
0x99: {  	s19 =	simm.s32 $_scs_section_size  }
0x9a: {  	s4 =	simm.s32 $_size__tile_overlayer_lowered;
	s5 =	simm.s32 $_tile_overlayer_lowered  }
0x9b: {  	s22 =	simm.s32 $0x1BFF;
	s21 =	sshll.u32 s5, $0x1;
	s2 =	sadd.s32 s19, s18  }
0x9c: {  	s6 =	simm.s32 $0x0;
	s20 =	sshll.u32 s4, $0x1;
	s4 =	sadd.s32 s21, s2  }
0x9d: {  	[timem:s6], [sflag:s22] =	dma.local [hbm:s4], s20  }
0x9e: {  	_ =	swait.ge [sflag:s22], s20  }
0x9f: {  	s3 =	ssub.s32 $0x0, s20;
	[sflag:s22] =	ssyncset.done $0x0  }
0xa0: {  	[sflag:s22] =	ssyncadd.s32 s3;
	_ =	sdelay $0x1  }
0xa1: {  	s23 =	simm.s32 $0x1B8B  }
0xa2: {  	_ =	swait.ge [sflag:s23], $0x1  }
0xa3: {  	[sflag:s23] =	ssyncset.done $0x0  }
0xa4: {  	s25 =	simm.s32 $0x1B8E;
	s24 =	sld [smem:$0x3FFE];
	[sflag:s23] =	ssyncadd.s32 $0xFFFFFFFF  }
0xa5: {  	s26 =	simm.s32 $execute0_lowered;
	[smem:$0x3FD2] =	sst s25  }
0xa6: {  	s4 =	sshll.u32 s26, $0x1;
	_ =	strace $0x80000046;
	[dreg:$0x1] =	wrdreg $0xFFFFFFFF  }
0xa7: {  	s28 =	simm.s32 $_size_execute0_lowered;
	s2 =	sadd.s32 s2, s4;
	[dreg:$0x0] =	wrdreg $0x0  }
0xa8: {  	s4 =	sshll.u32 s28, $0x1;
	[dreg:$0x2] =	wrdreg s2  }
0xa9: {  	[dreg:$0x3] =	wrdreg s4  }
0xaa: {  	[dreg:$0x4] =	wrdreg $0xC0  }
0xab: {  	_ =	task [dreg:s6], $0x5FFFF  }
0xac: {  	[dreg:$0x1] =	wrdreg $0xFFFFFFFF  }
0xad: {  	[dreg:$0x0] =	wrdreg $0x60  }
0xae: {  	[dreg:$0x2] =	wrdreg s24  }
0xaf: {  	[dreg:$0x3] =	wrdreg $0xA  }
0xb0: {  	_ =	task.clear_ibuf [dreg:s6], $0x4FFFF;
	_ =	strace $0x90000046  }
0xb1: {  	s29 =	simm.s32 $0xA;
	_ =	strace $0x80000048  }
0xb2: {  	_ =	swait.ge [sflag:s29], $0x1  }
0xb3: {  	[sflag:s29] =	ssyncadd.s32 $0xFFFFFFFF  }
0xb4: {  	_ =	strace $0x90000048  }
0xb5: {  	_ =	sfence  }
0xb6: {  	s30 =	sld [smem:$0x0];
	_ =	sdelay $0x2  }
0xb7: {  	s31 =	sshll.u32 s1, $0xD;
	s1 =	sshrl.u32 s1, $0x2  }
0xb8: {  	s3 =	sand.u32 $0x4000, s31;
	s1 =	sadd.s32 s1, s30  }
0xb9: {  	s0 =	sor.u32 s3, s0;
	s1 =	sshll.u32 s1, $0x11  }
0xba: {  	s0 =	sor.u32 s1, s0  }
0xbb: {  	s0 =	sadd.s32 $0x8F2B, s0  }
0xbc: {  	[sflag:s0] =	ssyncadd.remote.s32 $0x1  }
0xbd: {  	_ =	sfence.sel $0xFFFF  }
0xbe: {  	[dreg:$0x0] =	wrdreg $0xFFFFFFFF;
	(pc) =	sbr.abs _section_cstart, $3  }
0xbf: {  	[dreg:$0x1] =	wrdreg $0xFFFFFFFF  }
0xc0: {  	_ =	task.clear_ibuf [dreg:s6], $0x2FFFF;
	_ =	strace $0x9FFFFFFF  }
0xc1: {  	(tm) =	ssettm $0x7FFFFFFF  }
tec
execute0_lowered:
.L_overlay_start_1:
0x0: {  	(tag) =	ssettag $0x1  }
0x1: {  	s4 =	rddreg [dreg:$0x0]  }
0x2: {  	s0 =	rddreg [dreg:$0x1]  }
0x3: {  	s3 =	srdreg.scid;
	s1 =	stileid.u32  }
0x4: {  	s2 =	simm.s32 $0x0;
	s5 =	sand.u32 $0x1, s3;
	s30 =	sshll.u32 s1, $0x1  }
0x5: {  	s11 =	simm.s32 $0x0;
	s8 =	smul.u32 $0xD00, s1;
	s3 =	sor.u32 s5, s30  }
0x6: {  	[smem:$0x7FF] =	sst s2;
	s6 =	sadd.s32 $0x9EE800, s4;
	s3 =	smul.u32 $0x680, s3  }
0x7: {  	_ =	strace $0x80000047;
	[dreg:$0x2] =	wrdreg s6;
	s7 =	ssub.s32 $0x2, s5  }
0x8: {  	s10 =	smul.u32 $0x680, s5;
	s9 =	sshrl.u32 s7, $0x1;
	s31 =	sshrl.u32 s3, $0x3  }
0x9: {  	s7 =	ssub.s32 s7, s9;
	s9 =	simm.s32 $0x80;
	s6 =	sadd.s32 s31, s4  }
0xa: {  	s4 =	sadd.s32 $0x2A00, s4;
	s5 =	sadd.s32 $0x1000, s6;
	s6 =	smax.u32 s7, $0x1  }
0xb: {  	s7 =	sadd.s32 s10, s8;
	s8 =	simm.s32 $0x2;
	s10 =	simm.s32 $0x1  }
.LBB2_1:
0xc: {  	[tilespmem:s2], [sflag:$0x2] =	stream.linear.gather [hbm4b:s5+s2], $0x680, $0x38;
	[tilespmem:$0xD680] =	vst v63  }
0xd: {  	s12 =	sshrl.u32 s7, $0xC  }
0xe: {  	s12 =	smul.u32 $0x30D400, s12  }
0xf: {  	s15 =	simm.s32 $0x680;
	_ =	swait.ge [sflag:s8], $0x680  }
0x10: {  	s13 =	rddreg [dreg:$0x2];
	[sflag:s8] =	ssyncset.done $0x0;
	s14 =	sshrl.u32 s12, $0x3  }
0x11: {  	[sflag:s8] =	ssyncadd.s32 $0xFFFFF980;
	s12 =	simm.s32 $0x0;
	s16 =	sadd.s32 s13, s14  }
0x12: {  	[tilespmem:s15], [sflag:$0x1] =	stream.indirect.gather [hbm4b:s16+s9], $0x1, s12, s9, $0xb8;
	[tilespmem:$0xD680] =	vst v63  }
0x13: {  	s20 =	simm.s32 $0xD00;
	s14 =	sadd.s32 $0x30D4, s16  }
0x14: {  	[tilespmem:s20], [sflag:$0x1] =	stream.indirect.gather [hbm4b:s14+s9], $0x1, s12, s9, $0xb8;
	[tilespmem:$0xD680] =	vst v63  }
0x15: {  	s21 =	simm.s32 $0x1380;
	s22 =	sadd.s32 $0x61A8, s16  }
0x16: {  	[tilespmem:s21], [sflag:$0x1] =	stream.indirect.gather [hbm4b:s22+s9], $0x1, s12, s9, $0xb8;
	[tilespmem:$0xD680] =	vst v63  }
0x17: {  	s23 =	simm.s32 $0x1A00;
	s24 =	sadd.s32 $0x927C, s16  }
0x18: {  	[tilespmem:s23], [sflag:$0x1] =	stream.indirect.gather [hbm4b:s24+s9], $0x1, s12, s9, $0xb8;
	[tilespmem:$0xD680] =	vst v63  }
0x19: {  	s25 =	simm.s32 $0x2080;
	s26 =	sadd.s32 $0xC350, s16  }
0x1a: {  	[tilespmem:s25], [sflag:$0x1] =	stream.indirect.gather [hbm4b:s26+s9], $0x1, s12, s9, $0xb8;
	[tilespmem:$0xD680] =	vst v63  }
0x1b: {  	s28 =	simm.s32 $0x2700;
	s29 =	sadd.s32 $0xF424, s16  }
0x1c: {  	[tilespmem:s28], [sflag:$0x1] =	stream.indirect.gather [hbm4b:s29+s9], $0x1, s12, s9, $0xb8;
	[tilespmem:$0xD680] =	vst v63  }
0x1d: {  	s30 =	simm.s32 $0x2D80;
	s31 =	sadd.s32 $0x124F8, s16  }
0x1e: {  	[tilespmem:s30], [sflag:$0x1] =	stream.indirect.gather [hbm4b:s31+s9], $0x1, s12, s9, $0xb8;
	[tilespmem:$0xD680] =	vst v63  }
0x1f: {  	s15 =	sadd.s32 $0x155CC, s16;
	s14 =	simm.s32 $0x3400  }
0x20: {  	[tilespmem:s14], [sflag:$0x1] =	stream.indirect.gather [hbm4b:s15+s9], $0x1, s12, s9, $0xb8;
	[tilespmem:$0xD680] =	vst v63  }
0x21: {  	s17 =	simm.s32 $0x3A80;
	s18 =	sadd.s32 $0x186A0, s16  }
0x22: {  	[tilespmem:s17], [sflag:$0x1] =	stream.indirect.gather [hbm4b:s18+s9], $0x1, s12, s9, $0xb8;
	[tilespmem:$0xD680] =	vst v63  }
0x23: {  	s19 =	simm.s32 $0x4100;
	s20 =	sadd.s32 $0x1B774, s16  }
0x24: {  	[tilespmem:s19], [sflag:$0x1] =	stream.indirect.gather [hbm4b:s20+s9], $0x1, s12, s9, $0xb8;
	[tilespmem:$0xD680] =	vst v63  }
0x25: {  	s21 =	simm.s32 $0x4780;
	s22 =	sadd.s32 $0x1E848, s16  }
0x26: {  	[tilespmem:s21], [sflag:$0x1] =	stream.indirect.gather [hbm4b:s22+s9], $0x1, s12, s9, $0xb8;
	[tilespmem:$0xD680] =	vst v63  }
0x27: {  	s23 =	simm.s32 $0x4E00;
	s24 =	sadd.s32 $0x2191C, s16  }
0x28: {  	[tilespmem:s23], [sflag:$0x1] =	stream.indirect.gather [hbm4b:s24+s9], $0x1, s12, s9, $0xb8;
	[tilespmem:$0xD680] =	vst v63  }
0x29: {  	s25 =	simm.s32 $0x5480;
	s26 =	sadd.s32 $0x249F0, s16  }
0x2a: {  	[tilespmem:s25], [sflag:$0x1] =	stream.indirect.gather [hbm4b:s26+s9], $0x1, s12, s9, $0xb8;
	[tilespmem:$0xD680] =	vst v63  }
0x2b: {  	s28 =	simm.s32 $0x5B00;
	s29 =	sadd.s32 $0x27AC4, s16  }
0x2c: {  	[tilespmem:s28], [sflag:$0x1] =	stream.indirect.gather [hbm4b:s29+s9], $0x1, s12, s9, $0xb8;
	[tilespmem:$0xD680] =	vst v63  }
0x2d: {  	s30 =	simm.s32 $0x6180;
	s31 =	sadd.s32 $0x2AB98, s16  }
0x2e: {  	[tilespmem:s30], [sflag:$0x1] =	stream.indirect.gather [hbm4b:s31+s9], $0x1, s12, s9, $0xb8;
	[tilespmem:$0xD680] =	vst v63  }
0x2f: {  	s14 =	simm.s32 $0x6800;
	s15 =	sadd.s32 $0x2DC6C, s16  }
0x30: {  	[tilespmem:s14], [sflag:$0x1] =	stream.indirect.gather [hbm4b:s15+s9], $0x1, s12, s9, $0xb8;
	[tilespmem:$0xD680] =	vst v63  }
0x31: {  	s17 =	simm.s32 $0x6E80;
	s18 =	sadd.s32 $0x30D40, s16  }
0x32: {  	[tilespmem:s17], [sflag:$0x1] =	stream.indirect.gather [hbm4b:s18+s9], $0x1, s12, s9, $0xb8;
	[tilespmem:$0xD680] =	vst v63  }
0x33: {  	s19 =	simm.s32 $0x7500;
	s20 =	sadd.s32 $0x33E14, s16  }
0x34: {  	[tilespmem:s19], [sflag:$0x1] =	stream.indirect.gather [hbm4b:s20+s9], $0x1, s12, s9, $0xb8;
	[tilespmem:$0xD680] =	vst v63  }
0x35: {  	s21 =	simm.s32 $0x7B80;
	s22 =	sadd.s32 $0x36EE8, s16  }
0x36: {  	[tilespmem:s21], [sflag:$0x1] =	stream.indirect.gather [hbm4b:s22+s9], $0x1, s12, s9, $0xb8;
	[tilespmem:$0xD680] =	vst v63  }
0x37: {  	s23 =	simm.s32 $0x8200;
	s24 =	sadd.s32 $0x39FBC, s16  }
0x38: {  	[tilespmem:s23], [sflag:$0x1] =	stream.indirect.gather [hbm4b:s24+s9], $0x1, s12, s9, $0xb8;
	[tilespmem:$0xD680] =	vst v63  }
0x39: {  	s25 =	simm.s32 $0x8880;
	s26 =	sadd.s32 $0x3D090, s16  }
0x3a: {  	[tilespmem:s25], [sflag:$0x1] =	stream.indirect.gather [hbm4b:s26+s9], $0x1, s12, s9, $0xb8;
	[tilespmem:$0xD680] =	vst v63  }
0x3b: {  	s28 =	simm.s32 $0x8F00;
	s29 =	sadd.s32 $0x40164, s16  }
0x3c: {  	[tilespmem:s28], [sflag:$0x1] =	stream.indirect.gather [hbm4b:s29+s9], $0x1, s12, s9, $0xb8;
	[tilespmem:$0xD680] =	vst v63  }
0x3d: {  	s30 =	simm.s32 $0x9580;
	s31 =	sadd.s32 $0x43238, s16  }
0x3e: {  	[tilespmem:s30], [sflag:$0x1] =	stream.indirect.gather [hbm4b:s31+s9], $0x1, s12, s9, $0xb8;
	[tilespmem:$0xD680] =	vst v63  }
0x3f: {  	s15 =	simm.s32 $0x9C00;
	s17 =	sadd.s32 $0x4630C, s16  }
0x40: {  	[tilespmem:s15], [sflag:$0x1] =	stream.indirect.gather [hbm4b:s17+s9], $0x1, s12, s9, $0xb8;
	[tilespmem:$0xD680] =	vst v63  }
0x41: {  	s18 =	simm.s32 $0xA280;
	s19 =	sadd.s32 $0x493E0, s16  }
0x42: {  	[tilespmem:s18], [sflag:$0x1] =	stream.indirect.gather [hbm4b:s19+s9], $0x1, s12, s9, $0xb8;
	[tilespmem:$0xD680] =	vst v63  }
0x43: {  	s20 =	simm.s32 $0xA900;
	s21 =	sadd.s32 $0x4C4B4, s16  }
0x44: {  	[tilespmem:s20], [sflag:$0x1] =	stream.indirect.gather [hbm4b:s21+s9], $0x1, s12, s9, $0xb8;
	[tilespmem:$0xD680] =	vst v63  }
0x45: {  	s13 =	sadd.s32 $0x80, s7;
	s22 =	simm.s32 $0xAF80;
	s23 =	sadd.s32 $0x4F588, s16  }
0x46: {  	[tilespmem:s22], [sflag:$0x1] =	stream.indirect.gather [hbm4b:s23+s9], $0x1, s12, s9, $0xb8;
	[tilespmem:$0xD680] =	vst v63  }
0x47: {  	s14 =	simm.s32 $0x400;
	s24 =	simm.s32 $0xB600;
	s25 =	sadd.s32 $0x5265C, s16  }
0x48: {  	[tilespmem:s24], [sflag:$0x1] =	stream.indirect.gather [hbm4b:s25+s9], $0x1, s12, s9, $0xb8;
	[tilespmem:$0xD680] =	vst v63  }
0x49: {  	s26 =	simm.s32 $0xBC80;
	s28 =	sadd.s32 $0x55730, s16;
	s29 =	simm.s32 $0xC300  }
0x4a: {  	[tilespmem:s26], [sflag:$0x1] =	stream.indirect.gather [hbm4b:s28+s9], $0x1, s12, s9, $0xb8;
	[tilespmem:$0xD680] =	vst v63  }
0x4b: {  	s30 =	sadd.s32 $0x58804, s16;
	s31 =	simm.s32 $0xC980;
	s15 =	simm.s32 $0x200  }
0x4c: {  	[tilespmem:s29], [sflag:$0x1] =	stream.indirect.gather [hbm4b:s30+s9], $0x1, s12, s9, $0xb8;
	[tilespmem:$0xD680] =	vst v63  }
0x4d: {  	s17 =	sadd.s32 $0x5B8D8, s16;
	s16 =	sadd.s32 $0x5E9AC, s16;
	s18 =	sshrl.u32 s13, $0xC  }
0x4e: {  	[tilespmem:s31], [sflag:$0x1] =	stream.indirect.gather [hbm4b:s17+s9], $0x1, s12, s9, $0xb8;
	[tilespmem:$0xD680] =	vst v63  }
0x4f: {  	s19 =	smul.u32 $0x30D400, s18;
	s18 =	rddreg [dreg:$0x2];
	s17 =	simm.s32 $0xD000  }
.LBB2_2:
0x50: {  	[tilespmem:s17], [sflag:$0x1] =	stream.indirect.gather [hbm4b:s16+s9], $0x1, s12, s9, $0xb8;
	[tilespmem:$0xD680] =	vst v63  }
0x51: {  	s12 =	sshra.s32 s15, $0x2;
	s30 =	sshrl.u32 s19, $0x3  }
0x52: {  	s31 =	sadd.s32 $0x680, s12;
	s16 =	sadd.s32 s18, s30  }
0x53: {  	[tilespmem:s31], [sflag:$0x1] =	stream.indirect.gather [hbm4b:s16+s9], $0x1, s12, s9, $0xb8;
	[tilespmem:$0xD680] =	vst v63  }
0x54: {  	s19 =	sadd.s32 $0xD00, s12;
	s20 =	sadd.s32 $0x30D4, s16  }
0x55: {  	[tilespmem:s19], [sflag:$0x1] =	stream.indirect.gather [hbm4b:s20+s9], $0x1, s12, s9, $0xb8;
	[tilespmem:$0xD680] =	vst v63  }
0x56: {  	s21 =	sadd.s32 $0x1380, s12;
	s22 =	sadd.s32 $0x61A8, s16  }
0x57: {  	[tilespmem:s21], [sflag:$0x1] =	stream.indirect.gather [hbm4b:s22+s9], $0x1, s12, s9, $0xb8;
	[tilespmem:$0xD680] =	vst v63  }
0x58: {  	s23 =	sadd.s32 $0x1A00, s12;
	s24 =	sadd.s32 $0x927C, s16  }
0x59: {  	[tilespmem:s23], [sflag:$0x1] =	stream.indirect.gather [hbm4b:s24+s9], $0x1, s12, s9, $0xb8;
	[tilespmem:$0xD680] =	vst v63  }
0x5a: {  	s29 =	smov.u32 s14;
	s25 =	sadd.s32 $0x2080, s12;
	s26 =	sadd.s32 $0xC350, s16  }
0x5b: {  	[tilespmem:s25], [sflag:$0x1] =	stream.indirect.gather [hbm4b:s26+s9], $0x1, s12, s9, $0xb8;
	[tilespmem:$0xD680] =	vst v63  }
0x5c: {  	s15 =	smov.u32 s29;
	s28 =	sadd.s32 $0x2700, s12;
	s29 =	sadd.s32 $0xF424, s16  }
0x5d: {  	[tilespmem:s28], [sflag:$0x1] =	stream.indirect.gather [hbm4b:s29+s9], $0x1, s12, s9, $0xb8;
	[tilespmem:$0xD680] =	vst v63  }
0x5e: {  	s30 =	sadd.s32 $0x2D80, s12;
	s31 =	sadd.s32 $0x124F8, s16  }
0x5f: {  	[tilespmem:s30], [sflag:$0x1] =	stream.indirect.gather [hbm4b:s31+s9], $0x1, s12, s9, $0xb8;
	[tilespmem:$0xD680] =	vst v63  }
0x60: {  	s19 =	sadd.s32 $0x3400, s12;
	s20 =	sadd.s32 $0x155CC, s16  }
0x61: {  	[tilespmem:s19], [sflag:$0x1] =	stream.indirect.gather [hbm4b:s20+s9], $0x1, s12, s9, $0xb8;
	[tilespmem:$0xD680] =	vst v63  }
0x62: {  	s21 =	sadd.s32 $0x3A80, s12;
	s22 =	sadd.s32 $0x186A0, s16  }
0x63: {  	[tilespmem:s21], [sflag:$0x1] =	stream.indirect.gather [hbm4b:s22+s9], $0x1, s12, s9, $0xb8;
	[tilespmem:$0xD680] =	vst v63  }
0x64: {  	s23 =	sadd.s32 $0x4100, s12;
	s24 =	sadd.s32 $0x1B774, s16  }
0x65: {  	[tilespmem:s23], [sflag:$0x1] =	stream.indirect.gather [hbm4b:s24+s9], $0x1, s12, s9, $0xb8;
	[tilespmem:$0xD680] =	vst v63  }
0x66: {  	s25 =	sadd.s32 $0x4780, s12;
	s26 =	sadd.s32 $0x1E848, s16  }
0x67: {  	[tilespmem:s25], [sflag:$0x1] =	stream.indirect.gather [hbm4b:s26+s9], $0x1, s12, s9, $0xb8;
	[tilespmem:$0xD680] =	vst v63  }
0x68: {  	s28 =	sadd.s32 $0x4E00, s12;
	s29 =	sadd.s32 $0x2191C, s16  }
0x69: {  	[tilespmem:s28], [sflag:$0x1] =	stream.indirect.gather [hbm4b:s29+s9], $0x1, s12, s9, $0xb8;
	[tilespmem:$0xD680] =	vst v63  }
0x6a: {  	s30 =	sadd.s32 $0x5480, s12;
	s31 =	sadd.s32 $0x249F0, s16  }
0x6b: {  	[tilespmem:s30], [sflag:$0x1] =	stream.indirect.gather [hbm4b:s31+s9], $0x1, s12, s9, $0xb8;
	[tilespmem:$0xD680] =	vst v63  }
0x6c: {  	s19 =	sadd.s32 $0x5B00, s12;
	s20 =	sadd.s32 $0x27AC4, s16  }
0x6d: {  	[tilespmem:s19], [sflag:$0x1] =	stream.indirect.gather [hbm4b:s20+s9], $0x1, s12, s9, $0xb8;
	[tilespmem:$0xD680] =	vst v63  }
0x6e: {  	s21 =	sadd.s32 $0x6180, s12;
	s22 =	sadd.s32 $0x2AB98, s16  }
0x6f: {  	[tilespmem:s21], [sflag:$0x1] =	stream.indirect.gather [hbm4b:s22+s9], $0x1, s12, s9, $0xb8;
	[tilespmem:$0xD680] =	vst v63  }
0x70: {  	s23 =	sadd.s32 $0x6800, s12;
	s24 =	sadd.s32 $0x2DC6C, s16  }
0x71: {  	[tilespmem:s23], [sflag:$0x1] =	stream.indirect.gather [hbm4b:s24+s9], $0x1, s12, s9, $0xb8;
	[tilespmem:$0xD680] =	vst v63  }
0x72: {  	s25 =	sadd.s32 $0x6E80, s12;
	s26 =	sadd.s32 $0x30D40, s16  }
0x73: {  	[tilespmem:s25], [sflag:$0x1] =	stream.indirect.gather [hbm4b:s26+s9], $0x1, s12, s9, $0xb8;
	[tilespmem:$0xD680] =	vst v63  }
0x74: {  	s28 =	sadd.s32 $0x7500, s12;
	s29 =	sadd.s32 $0x33E14, s16  }
0x75: {  	[tilespmem:s28], [sflag:$0x1] =	stream.indirect.gather [hbm4b:s29+s9], $0x1, s12, s9, $0xb8;
	[tilespmem:$0xD680] =	vst v63  }
0x76: {  	s30 =	sadd.s32 $0x7B80, s12;
	s31 =	sadd.s32 $0x36EE8, s16  }
0x77: {  	[tilespmem:s30], [sflag:$0x1] =	stream.indirect.gather [hbm4b:s31+s9], $0x1, s12, s9, $0xb8;
	[tilespmem:$0xD680] =	vst v63  }
0x78: {  	s19 =	sadd.s32 $0x8200, s12;
	s20 =	sadd.s32 $0x39FBC, s16  }
0x79: {  	[tilespmem:s19], [sflag:$0x1] =	stream.indirect.gather [hbm4b:s20+s9], $0x1, s12, s9, $0xb8;
	[tilespmem:$0xD680] =	vst v63  }
0x7a: {  	s21 =	sadd.s32 $0x8880, s12;
	s22 =	sadd.s32 $0x3D090, s16  }
0x7b: {  	[tilespmem:s21], [sflag:$0x1] =	stream.indirect.gather [hbm4b:s22+s9], $0x1, s12, s9, $0xb8;
	[tilespmem:$0xD680] =	vst v63  }
0x7c: {  	s23 =	sadd.s32 $0x8F00, s12;
	s24 =	sadd.s32 $0x40164, s16  }
0x7d: {  	[tilespmem:s23], [sflag:$0x1] =	stream.indirect.gather [hbm4b:s24+s9], $0x1, s12, s9, $0xb8;
	[tilespmem:$0xD680] =	vst v63  }
0x7e: {  	s25 =	sadd.s32 $0x9580, s12;
	s26 =	sadd.s32 $0x43238, s16  }
0x7f: {  	[tilespmem:s25], [sflag:$0x1] =	stream.indirect.gather [hbm4b:s26+s9], $0x1, s12, s9, $0xb8;
	[tilespmem:$0xD680] =	vst v63  }
0x80: {  	s28 =	sadd.s32 $0x9C00, s12;
	s29 =	sadd.s32 $0x4630C, s16  }
0x81: {  	[tilespmem:s28], [sflag:$0x1] =	stream.indirect.gather [hbm4b:s29+s9], $0x1, s12, s9, $0xb8;
	[tilespmem:$0xD680] =	vst v63  }
0x82: {  	s30 =	sadd.s32 $0xA280, s12;
	s31 =	sadd.s32 $0x493E0, s16  }
0x83: {  	[tilespmem:s30], [sflag:$0x1] =	stream.indirect.gather [hbm4b:s31+s9], $0x1, s12, s9, $0xb8;
	[tilespmem:$0xD680] =	vst v63  }
0x84: {  	p0 =	sne.s32 s14, $0x1800;
	s19 =	sadd.s32 $0xA900, s12;
	s20 =	sadd.s32 $0x4C4B4, s16  }
0x85: {  	[tilespmem:s19], [sflag:$0x1] =	stream.indirect.gather [hbm4b:s20+s9], $0x1, s12, s9, $0xb8;
	[tilespmem:$0xD680] =	vst v63  }
0x86: {  	s14 =	sadd.s32 $0x200, s14;
	s21 =	sadd.s32 $0xAF80, s12;
	s22 =	sadd.s32 $0x4F588, s16  }
0x87: {  	[tilespmem:s21], [sflag:$0x1] =	stream.indirect.gather [hbm4b:s22+s9], $0x1, s12, s9, $0xb8;
	[tilespmem:$0xD680] =	vst v63  }
0x88: {  	s13 =	sadd.s32 $0x80, s13;
	s23 =	sadd.s32 $0xB600, s12;
	s24 =	sadd.s32 $0x5265C, s16  }
0x89: {  	[tilespmem:s23], [sflag:$0x1] =	stream.indirect.gather [hbm4b:s24+s9], $0x1, s12, s9, $0xb8;
	[tilespmem:$0xD680] =	vst v63  }
0x8a: {  	s17 =	sadd.s32 $0xD000, s12;
	s25 =	sadd.s32 $0xBC80, s12;
	s26 =	sadd.s32 $0x55730, s16  }
0x8b: {  	[tilespmem:s25], [sflag:$0x1] =	stream.indirect.gather [hbm4b:s26+s9], $0x1, s12, s9, $0xb8;
	[tilespmem:$0xD680] =	vst v63  }
.Ltmp0:
0x8c: {  	s18 =	rddreg [dreg:$0x2];
	s28 =	sadd.s32 $0xC300, s12;
	(pc) =	sbr.rel @p0 .LBB2_2-.Ltmp0, $4  }
0x8d: {  	s29 =	sadd.s32 $0x58804, s16;
	s30 =	sshrl.u32 s13, $0xC;
	s31 =	sadd.s32 $0xC980, s12  }
0x8e: {  	[tilespmem:s28], [sflag:$0x1] =	stream.indirect.gather [hbm4b:s29+s9], $0x1, s12, s9, $0xb8;
	[tilespmem:$0xD680] =	vst v63  }
0x8f: {  	s20 =	sadd.s32 $0x5B8D8, s16;
	s19 =	smul.u32 $0x30D400, s30;
	s16 =	sadd.s32 $0x5E9AC, s16  }
0x90: {  	[tilespmem:s31], [sflag:$0x1] =	stream.indirect.gather [hbm4b:s20+s9], $0x1, s12, s9, $0xb8;
	[tilespmem:$0xD680] =	vst v63  }
0x91: {  	[tilespmem:s17], [sflag:$0x1] =	stream.indirect.gather [hbm4b:s16+s9], $0x1, s12, s9, $0xb8;
	[tilespmem:$0xD680] =	vst v63  }
0x92: {  	s12 =	sshra.s32 s15, $0x2;
	s13 =	sshrl.u32 s19, $0x3  }
0x93: {  	s14 =	sadd.s32 $0x680, s12;
	s13 =	sadd.s32 s18, s13  }
0x94: {  	[tilespmem:s14], [sflag:$0x1] =	stream.indirect.gather [hbm4b:s13+s9], $0x1, s12, s9, $0xb8;
	[tilespmem:$0xD680] =	vst v63  }
0x95: {  	s17 =	sadd.s32 $0xD00, s12;
	s18 =	sadd.s32 $0x30D4, s13  }
0x96: {  	[tilespmem:s17], [sflag:$0x1] =	stream.indirect.gather [hbm4b:s18+s9], $0x1, s12, s9, $0xb8;
	[tilespmem:$0xD680] =	vst v63  }
0x97: {  	s19 =	sadd.s32 $0x1380, s12;
	s20 =	sadd.s32 $0x61A8, s13  }
0x98: {  	[tilespmem:s19], [sflag:$0x1] =	stream.indirect.gather [hbm4b:s20+s9], $0x1, s12, s9, $0xb8;
	[tilespmem:$0xD680] =	vst v63  }
0x99: {  	s21 =	sadd.s32 $0x1A00, s12;
	s22 =	sadd.s32 $0x927C, s13  }
0x9a: {  	[tilespmem:s21], [sflag:$0x1] =	stream.indirect.gather [hbm4b:s22+s9], $0x1, s12, s9, $0xb8;
	[tilespmem:$0xD680] =	vst v63  }
0x9b: {  	s23 =	sadd.s32 $0x2080, s12;
	s24 =	sadd.s32 $0xC350, s13  }
0x9c: {  	[tilespmem:s23], [sflag:$0x1] =	stream.indirect.gather [hbm4b:s24+s9], $0x1, s12, s9, $0xb8;
	[tilespmem:$0xD680] =	vst v63  }
0x9d: {  	s25 =	sadd.s32 $0x2700, s12;
	s26 =	sadd.s32 $0xF424, s13  }
0x9e: {  	[tilespmem:s25], [sflag:$0x1] =	stream.indirect.gather [hbm4b:s26+s9], $0x1, s12, s9, $0xb8;
	[tilespmem:$0xD680] =	vst v63  }
0x9f: {  	s28 =	sadd.s32 $0x2D80, s12;
	s29 =	sadd.s32 $0x124F8, s13  }
0xa0: {  	[tilespmem:s28], [sflag:$0x1] =	stream.indirect.gather [hbm4b:s29+s9], $0x1, s12, s9, $0xb8;
	[tilespmem:$0xD680] =	vst v63  }
0xa1: {  	s30 =	sadd.s32 $0x3400, s12;
	s31 =	sadd.s32 $0x155CC, s13  }
0xa2: {  	[tilespmem:s30], [sflag:$0x1] =	stream.indirect.gather [hbm4b:s31+s9], $0x1, s12, s9, $0xb8;
	[tilespmem:$0xD680] =	vst v63  }
0xa3: {  	s15 =	sadd.s32 $0x3A80, s12;
	s16 =	sadd.s32 $0x186A0, s13  }
0xa4: {  	[tilespmem:s15], [sflag:$0x1] =	stream.indirect.gather [hbm4b:s16+s9], $0x1, s12, s9, $0xb8;
	[tilespmem:$0xD680] =	vst v63  }
0xa5: {  	s17 =	sadd.s32 $0x4100, s12;
	s18 =	sadd.s32 $0x1B774, s13  }
0xa6: {  	[tilespmem:s17], [sflag:$0x1] =	stream.indirect.gather [hbm4b:s18+s9], $0x1, s12, s9, $0xb8;
	[tilespmem:$0xD680] =	vst v63  }
0xa7: {  	s19 =	sadd.s32 $0x4780, s12;
	s20 =	sadd.s32 $0x1E848, s13  }
0xa8: {  	[tilespmem:s19], [sflag:$0x1] =	stream.indirect.gather [hbm4b:s20+s9], $0x1, s12, s9, $0xb8;
	[tilespmem:$0xD680] =	vst v63  }
0xa9: {  	s21 =	sadd.s32 $0x4E00, s12;
	s22 =	sadd.s32 $0x2191C, s13  }
0xaa: {  	[tilespmem:s21], [sflag:$0x1] =	stream.indirect.gather [hbm4b:s22+s9], $0x1, s12, s9, $0xb8;
	[tilespmem:$0xD680] =	vst v63  }
0xab: {  	s23 =	sadd.s32 $0x5480, s12;
	s24 =	sadd.s32 $0x249F0, s13  }
0xac: {  	[tilespmem:s23], [sflag:$0x1] =	stream.indirect.gather [hbm4b:s24+s9], $0x1, s12, s9, $0xb8;
	[tilespmem:$0xD680] =	vst v63  }
0xad: {  	s25 =	sadd.s32 $0x5B00, s12;
	s26 =	sadd.s32 $0x27AC4, s13  }
0xae: {  	[tilespmem:s25], [sflag:$0x1] =	stream.indirect.gather [hbm4b:s26+s9], $0x1, s12, s9, $0xb8;
	[tilespmem:$0xD680] =	vst v63  }
0xaf: {  	s28 =	sadd.s32 $0x6180, s12;
	s29 =	sadd.s32 $0x2AB98, s13  }
0xb0: {  	[tilespmem:s28], [sflag:$0x1] =	stream.indirect.gather [hbm4b:s29+s9], $0x1, s12, s9, $0xb8;
	[tilespmem:$0xD680] =	vst v63  }
0xb1: {  	s30 =	sadd.s32 $0x6800, s12;
	s31 =	sadd.s32 $0x2DC6C, s13  }
0xb2: {  	[tilespmem:s30], [sflag:$0x1] =	stream.indirect.gather [hbm4b:s31+s9], $0x1, s12, s9, $0xb8;
	[tilespmem:$0xD680] =	vst v63  }
0xb3: {  	s15 =	sadd.s32 $0x6E80, s12;
	s16 =	sadd.s32 $0x30D40, s13  }
0xb4: {  	[tilespmem:s15], [sflag:$0x1] =	stream.indirect.gather [hbm4b:s16+s9], $0x1, s12, s9, $0xb8;
	[tilespmem:$0xD680] =	vst v63  }
0xb5: {  	s17 =	sadd.s32 $0x7500, s12;
	s18 =	sadd.s32 $0x33E14, s13  }
0xb6: {  	[tilespmem:s17], [sflag:$0x1] =	stream.indirect.gather [hbm4b:s18+s9], $0x1, s12, s9, $0xb8;
	[tilespmem:$0xD680] =	vst v63  }
0xb7: {  	s19 =	sadd.s32 $0x7B80, s12;
	s20 =	sadd.s32 $0x36EE8, s13  }
0xb8: {  	[tilespmem:s19], [sflag:$0x1] =	stream.indirect.gather [hbm4b:s20+s9], $0x1, s12, s9, $0xb8;
	[tilespmem:$0xD680] =	vst v63  }
0xb9: {  	s21 =	sadd.s32 $0x8200, s12;
	s22 =	sadd.s32 $0x39FBC, s13  }
0xba: {  	[tilespmem:s21], [sflag:$0x1] =	stream.indirect.gather [hbm4b:s22+s9], $0x1, s12, s9, $0xb8;
	[tilespmem:$0xD680] =	vst v63  }
0xbb: {  	s23 =	sadd.s32 $0x8880, s12;
	s24 =	sadd.s32 $0x3D090, s13  }
0xbc: {  	[tilespmem:s23], [sflag:$0x1] =	stream.indirect.gather [hbm4b:s24+s9], $0x1, s12, s9, $0xb8;
	[tilespmem:$0xD680] =	vst v63  }
0xbd: {  	s25 =	sadd.s32 $0x8F00, s12;
	s26 =	sadd.s32 $0x40164, s13  }
0xbe: {  	[tilespmem:s25], [sflag:$0x1] =	stream.indirect.gather [hbm4b:s26+s9], $0x1, s12, s9, $0xb8;
	[tilespmem:$0xD680] =	vst v63  }
0xbf: {  	s28 =	sadd.s32 $0x9580, s12;
	s29 =	sadd.s32 $0x43238, s13  }
0xc0: {  	[tilespmem:s28], [sflag:$0x1] =	stream.indirect.gather [hbm4b:s29+s9], $0x1, s12, s9, $0xb8;
	[tilespmem:$0xD680] =	vst v63  }
0xc1: {  	s30 =	sadd.s32 $0x9C00, s12;
	s31 =	sadd.s32 $0x4630C, s13  }
0xc2: {  	[tilespmem:s30], [sflag:$0x1] =	stream.indirect.gather [hbm4b:s31+s9], $0x1, s12, s9, $0xb8;
	[tilespmem:$0xD680] =	vst v63  }
0xc3: {  	s16 =	sadd.s32 $0xA280, s12;
	s17 =	sadd.s32 $0x493E0, s13  }
0xc4: {  	[tilespmem:s16], [sflag:$0x1] =	stream.indirect.gather [hbm4b:s17+s9], $0x1, s12, s9, $0xb8;
	[tilespmem:$0xD680] =	vst v63  }
0xc5: {  	s18 =	sadd.s32 $0xA900, s12;
	s19 =	sadd.s32 $0x4C4B4, s13  }
0xc6: {  	[tilespmem:s18], [sflag:$0x1] =	stream.indirect.gather [hbm4b:s19+s9], $0x1, s12, s9, $0xb8;
	[tilespmem:$0xD680] =	vst v63  }
0xc7: {  	s20 =	sadd.s32 $0xAF80, s12;
	s21 =	sadd.s32 $0x4F588, s13  }
0xc8: {  	[tilespmem:s20], [sflag:$0x1] =	stream.indirect.gather [hbm4b:s21+s9], $0x1, s12, s9, $0xb8;
	[tilespmem:$0xD680] =	vst v63  }
0xc9: {  	s22 =	sadd.s32 $0xB600, s12;
	s23 =	sadd.s32 $0x5265C, s13  }
0xca: {  	[tilespmem:s22], [sflag:$0x1] =	stream.indirect.gather [hbm4b:s23+s9], $0x1, s12, s9, $0xb8;
	[tilespmem:$0xD680] =	vst v63  }
0xcb: {  	s24 =	sadd.s32 $0xBC80, s12;
	s25 =	sadd.s32 $0x55730, s13  }
0xcc: {  	[tilespmem:s24], [sflag:$0x1] =	stream.indirect.gather [hbm4b:s25+s9], $0x1, s12, s9, $0xb8;
	[tilespmem:$0xD680] =	vst v63  }
0xcd: {  	s26 =	sadd.s32 $0xC300, s12;
	s28 =	sadd.s32 $0x58804, s13  }
0xce: {  	[tilespmem:s26], [sflag:$0x1] =	stream.indirect.gather [hbm4b:s28+s9], $0x1, s12, s9, $0xb8;
	[tilespmem:$0xD680] =	vst v63  }
0xcf: {  	s29 =	sadd.s32 $0xC980, s12;
	s30 =	sadd.s32 $0x5B8D8, s13  }
0xd0: {  	[tilespmem:s29], [sflag:$0x1] =	stream.indirect.gather [hbm4b:s30+s9], $0x1, s12, s9, $0xb8;
	[tilespmem:$0xD680] =	vst v63  }
0xd1: {  	s31 =	sadd.s32 $0xD000, s12;
	s13 =	sadd.s32 $0x5E9AC, s13  }
0xd2: {  	[tilespmem:s31], [sflag:$0x1] =	stream.indirect.gather [hbm4b:s13+s9], $0x1, s12, s9, $0xb8;
	[tilespmem:$0xD680] =	vst v63  }
0xd3: {  	_ =	swait.ge [sflag:s10], $0xD000  }
0xd4: {  	[sflag:s10] =	ssyncset.done $0x0  }
0xd5: {  	s12 =	simm.s32 $0x0;
	s13 =	simm.s32 $0x680;
	[sflag:s10] =	ssyncadd.s32 $0xFFFF3000  }
.LBB2_4:
0xd6: {  	s14 =	sshll.u32 s12, $0x7  }
0xd7: {  	s14 =	sadd.s32 s3, s14  }
0xd8: {  	s15 =	sshll.u32 s14, $0x5  }
0xd9: {  	s14 =	sand.u32 $0xF80, s14;
	s15 =	sand.u32 $0x7FFE0000, s15  }
0xda: {  	s14 =	sor.u32 s14, s15  }
0xdb: {  	s14 =	sshrl.u32 s14, $0x3  }
0xdc: {  	s16 =	sadd.s32 $0x680, s13;
	s14 =	sadd.s32 s4, s14  }
0xdd: {  	s17 =	smov.u32 s13;
	s15 =	simm.s32 $0x200;
	s18 =	sadd.s32 $0x0, s14  }
.LBB2_5:
0xde: {  	[hbm4b:s18+s2] =	stream.linear.scatter [tilespmem:s17], [sflag:$0x2], $0x80, $0x38;
	[tilespmem:$0xD680] =	vst v63  }
0xdf: {  	s18 =	smov.u32 s15;
	s17 =	smov.u32 s16;
	p0 =	sne.s32 s15, $0x3E00  }
.Ltmp1:
0xe0: {  	s15 =	sadd.s32 $0x200, s15;
	(pc) =	sbr.rel @p0 .LBB2_5-.Ltmp1, $2  }
0xe1: {  	_ =	sdelay $0x2  }
0xe2: {  	s16 =	sadd.s32 $0x680, s16;
	s18 =	sadd.s32 s18, s14  }
0xe3: {  	s12 =	sadd.s32 $0x1, s12  }
0xe4: {  	p0 =	sne.s32 s12, $0xD  }
.Ltmp2:
0xe5: {  	_ = 	snop;
	(pc) =	sbr.rel @p0 .LBB2_4-.Ltmp2, $4  }
0xe6: {  	[hbm4b:s18+s2] =	stream.linear.scatter [tilespmem:s17], [sflag:$0x2], $0x80, $0x38;
	[tilespmem:$0xD680] =	vst v63  }
0xe7: {  	_ =	swait.ge [sflag:s8], $0x1000  }
0xe8: {  	[sflag:s8] =	ssyncset.done $0x0  }
0xe9: {  	s13 =	sadd.s32 $0x80, s13;
	[sflag:s8] =	ssyncadd.s32 $0xFFFFF000  }
0xea: {  	s11 =	sadd.s32 $0x1, s11  }
0xeb: {  	p0 =	sne.s32 s11, s6  }
.Ltmp3:
0xec: {  	_ = 	snop;
	(pc) =	sbr.rel @p0 .LBB2_1-.Ltmp3, $1  }
0xed: {  	_ =	sdelay $0x3  }
0xee: {  	_ =	sfence.sel $0x180000  }
0xef: {  	[bflag:$0x0] =	sbarrier.arrive $0xFFFF  }
0xf0: {  	p0 =	sne.s32 s1, $0x0;
	_ =	strace $0x90000047  }
0xf1: {  	s0 =	sadd.s32 @!p0 $0x100000, s0;
	[bflag:$0x2] =	sbarrier.arrive $0xFFFF  }
0xf2: {  	[sflag:s0] =	ssyncadd.tile.s32 @!p0 $0x1;
	_ =	shalt  }
.Lfunc_end2:
_tile_overlayer_lowered:
.L_overlay_start_2:
0xf3: {  	(tag) =	ssettag $0x2  }
0xf4: {  	s0 =	rddreg [dreg:$0x0];
	s2 =	stileid.u32  }
0xf5: {  	s1 =	rddreg [dreg:$0x1];
	p0 =	sne.s32 s2, $0x0  }
0xf6: {  	s3 =	rddreg [dreg:$0x2];
	[bflag:$0x3] =	sbarrier.arrive $0xFFFF;
	s2 =	simm.s32 @!p0 $0x1C02  }
0xf7: {  	[timem:s3], [sflag:s2] =	dma.local @!p0 [hbm:s0], s1  }
0xf8: {  	s0 =	simm.s32 @!p0 $0x2  }
0xf9: {  	_ =	swait.ge @!p0 [sflag:s0], s1  }
0xfa: {  	s1 =	ssub.s32 @!p0 $0x0, s1;
	[sflag:s0] =	ssyncset.done @!p0 $0x0  }
0xfb: {  	[sflag:s0] =	ssyncadd.s32 @!p0 s1  }
0xfc: {  	[bflag:$0x3] =	sbarrier.arrive $0xFFFF  }
0xfd: {  	_ =	shalt  }

</sc_bundles>
